<compile_context>
chip_gen: v7x
topology: tpu7x:2x2x1
jax: 0.10.2.dev20260603
libtpu: 0.0.44.dev20260713+nightly
codegen_flags: <defaults>
</compile_context>

<pallas_src>
import jax
import jax.numpy as jnp
from jax import lax
from jax.experimental import pallas as pl
from jax.experimental.pallas import tpu as pltpu
from jax.experimental.pallas import tpu_sc as plsc

N_NODES = 10000
N_EDGES = 320000
D = 128
DH = D // 2
OUT = 40
NP = N_NODES // 2

NC, NS = 2, 16
E_TILE = N_EDGES // NS
CH = 80
NCH = E_TILE // CH
NBUF = 5

_mesh = plsc.VectorSubcoreMesh(core_axis_name="c", subcore_axis_name="s")


def _sc_agg_body(h_hbm, src_hbm, dst_hbm, zagg_hbm, agg_out,
                 src_v, dst_v, rows_v, agg_sh, *sems):
    c = lax.axis_index("c")
    s = lax.axis_index("s")

    @pl.when(s == 0)
    def _():
        pltpu.sync_copy(zagg_hbm, agg_sh)

    pltpu.sync_copy(src_hbm.at[s], src_v)
    pltpu.sync_copy(dst_hbm.at[s], dst_v)
    plsc.subcore_barrier()

    h_c = h_hbm.at[c]
    gsem = sems

    for b in range(NBUF - 1):
        pltpu.async_copy(h_c.at[src_v.at[b]], rows_v.at[b], gsem[b])

    def group(i, carry):
        for k in range(NBUF):
            j = NBUF * i + k
            pltpu.make_async_copy(h_c.at[src_v.at[j]], rows_v.at[k],
                                  gsem[k]).wait()
            kn = (k + NBUF - 1) % NBUF

            @pl.when(j + NBUF - 1 < NCH)
            def _():
                pltpu.async_copy(h_c.at[src_v.at[j + NBUF - 1]],
                                 rows_v.at[kn], gsem[kn])

            pltpu.sync_copy(rows_v.at[k], agg_sh.at[dst_v.at[j]], add=True)
        return carry

    lax.fori_loop(0, NCH // NBUF, group, None)

    plsc.subcore_barrier()

    @pl.when(s == 0)
    def _():
        pltpu.sync_copy(agg_sh, agg_out.at[c])


_sc_agg = pl.kernel(
    _sc_agg_body,
    out_type=(jax.ShapeDtypeStruct((NC, N_NODES, DH), jnp.float32),),
    mesh=_mesh,
    compiler_params=pltpu.CompilerParams(use_tc_tiling_on_sc=False),
    scratch_types=[
        pltpu.VMEM((NCH, CH), jnp.int32),
        pltpu.VMEM((NCH, CH), jnp.int32),
        pltpu.VMEM((NBUF, CH, DH), jnp.float32),
        pltpu.VMEM_SHARED((N_NODES, DH), jnp.float32),
    ] + [pltpu.SemaphoreType.DMA] * NBUF,
)



HB = 4000
HG = N_EDGES // HB


def _tc_hist_body(dst_ref, c_ref):
    i = pl.program_id(0)

    @pl.when(i == 0)
    def _():
        c_ref[...] = jnp.zeros_like(c_ref)

    v = dst_ref[0]
    lane = lax.broadcasted_iota(jnp.int32, (D, HB), 0)
    e_hi = (v // 100 == lane).astype(jnp.bfloat16)
    e_lo = (v % 100 == lane).astype(jnp.bfloat16)
    c_ref[...] += lax.dot_general(
        e_hi, e_lo, (((1,), (1,)), ((), ())),
        preferred_element_type=jnp.float32)


def _tc_hist(dst3):
    return pl.pallas_call(
        _tc_hist_body,
        grid=(HG,),
        in_specs=[pl.BlockSpec((1, 1, HB), lambda i: (i, 0, 0))],
        out_specs=pl.BlockSpec((D, D), lambda i: (0, 0)),
        out_shape=jax.ShapeDtypeStruct((D, D), jnp.float32),
    )(dst3)


RB = 1000


def _packed_recip_deg(c_ref, m0, rows):
    mi = lax.broadcasted_iota(jnp.int32, (rows, D), 0) + m0
    lane = lax.broadcasted_iota(jnp.int32, (rows, D), 1)
    cols = []
    for par in (0, 1):
        n = 2 * mi + par
        e_hi = (n // 100 == lane).astype(jnp.float32)
        e_lo = (n % 100 == lane).astype(jnp.float32)
        rowsum = jnp.dot(e_hi, c_ref[...],
                         preferred_element_type=jnp.float32)
        deg = jnp.sum(rowsum * e_lo, axis=1, keepdims=True)
        cols.append(1.0 / jnp.maximum(deg, 1.0))
    return jnp.concatenate(
        [jnp.broadcast_to(cols[0], (rows, DH)),
         jnp.broadcast_to(cols[1], (rows, DH))], axis=1)


def _tc_recip_body(c_ref, r_ref):
    i = pl.program_id(0)
    r_ref[...] = _packed_recip_deg(c_ref, i * RB, RB)


def _tc_recip(cmat):
    return pl.pallas_call(
        _tc_recip_body,
        grid=(NP // RB,),
        in_specs=[pl.BlockSpec((D, D), lambda i: (0, 0))],
        out_specs=pl.BlockSpec((RB, D), lambda i: (i, 0)),
        out_shape=jax.ShapeDtypeStruct((NP, D), jnp.float32),
    )(cmat)


def _unpack_norm(p_ref, r_ref):
    p0 = p_ref[0]
    p1 = p_ref[1]
    r = r_ref[...]
    a_e = jnp.concatenate([p0[:, :DH], p1[:, :DH]], axis=1)
    a_o = jnp.concatenate([p0[:, DH:], p1[:, DH:]], axis=1)
    h_e = a_e * r[:, 0:1]
    h_o = a_o * r[:, DH:DH + 1]
    return h_e, h_o


def _tc_layer_body(p_ref, r_ref, w_ref, b_ref, out_ref):
    h_e, h_o = _unpack_norm(p_ref, r_ref)
    w = w_ref[...]
    b = b_ref[...]
    h_e = jnp.maximum(jnp.dot(h_e, w, preferred_element_type=jnp.float32)
                      + b, 0.0)
    h_o = jnp.maximum(jnp.dot(h_o, w, preferred_element_type=jnp.float32)
                      + b, 0.0)
    out_ref[0] = jnp.concatenate([h_e[:, :DH], h_o[:, :DH]], axis=1)
    out_ref[1] = jnp.concatenate([h_e[:, DH:], h_o[:, DH:]], axis=1)


def _tc_layer(pp, rp, w, b):
    return pl.pallas_call(
        _tc_layer_body,
        grid=(NP // RB,),
        in_specs=[
            pl.BlockSpec((NC, RB, D), lambda i: (0, i, 0)),
            pl.BlockSpec((RB, D), lambda i: (i, 0)),
            pl.BlockSpec((D, D), lambda i: (0, 0)),
            pl.BlockSpec((1, D), lambda i: (0, 0)),
        ],
        out_specs=pl.BlockSpec((NC, RB, D), lambda i: (0, i, 0)),
        out_shape=jax.ShapeDtypeStruct((NC, NP, D), jnp.float32),
    )(pp, rp, w, b)


def _head(h, w3, b3, wf1, bf1, wf2, bf2):
    h = jnp.maximum(jnp.dot(h, w3, preferred_element_type=jnp.float32)
                    + b3, 0.0)
    h = jnp.maximum(jnp.dot(h, wf1, preferred_element_type=jnp.float32)
                    + bf1, 0.0)
    logits = jnp.dot(h, wf2, preferred_element_type=jnp.float32) + bf2
    col = lax.broadcasted_iota(jnp.int32, logits.shape, 1)
    logits = jnp.where(col < OUT, logits, -1e30)
    m = jnp.max(logits, axis=1, keepdims=True)
    e = jnp.exp(logits - m)
    lse = jnp.log(jnp.sum(e, axis=1, keepdims=True))
    return logits - m - lse


def _tc_final_body(p_ref, r_ref, w3_ref, b3_ref, wf1_ref, bf1_ref,
                   wf2_ref, bf2_ref, out_ref):
    h_e, h_o = _unpack_norm(p_ref, r_ref)
    args = (w3_ref[...], b3_ref[...], wf1_ref[...], bf1_ref[...],
            wf2_ref[...], bf2_ref[...])
    o_e = _head(h_e, *args)
    o_o = _head(h_o, *args)
    out_ref[...] = jnp.stack([o_e, o_o], axis=1).reshape(2 * RB, D)


def _tc_final(pp, rp, w3, b3, wf1, bf1, wf2p, bf2p):
    full = lambda r_, c_: pl.BlockSpec((r_, c_), lambda i: (0, 0))
    return pl.pallas_call(
        _tc_final_body,
        grid=(NP // RB,),
        in_specs=[
            pl.BlockSpec((NC, RB, D), lambda i: (0, i, 0)),
            pl.BlockSpec((RB, D), lambda i: (i, 0)),
            full(D, D), full(1, D),
            full(D, D), full(1, D),
            full(D, D), full(1, D),
        ],
        out_specs=pl.BlockSpec((2 * RB, D), lambda i: (i, 0)),
        out_shape=jax.ShapeDtypeStruct((N_NODES, D), jnp.float32),
    )(pp, rp, w3, b3, wf1, bf1, wf2p, bf2p)


def kernel(x, edge_index, W1, b1, W2, b2, W3, b3, Wf1, bf1, Wf2, bf2):
    ei = edge_index.astype(jnp.int32)
    src = ei[0].reshape(NS, NCH, CH)
    dst = ei[1].reshape(NS, NCH, CH)
    dst3 = ei[1].reshape(HG, 1, HB)
    zagg = jnp.zeros((N_NODES, DH), jnp.float32)

    x2 = jnp.stack([x[:, :DH], x[:, DH:]])

    rp = _tc_recip(_tc_hist(dst3))

    (aggp,) = _sc_agg(x2, src, dst, zagg)
    pp = _tc_layer(aggp.reshape(NC, NP, D), rp, W1, b1.reshape(1, D))
    (aggp,) = _sc_agg(pp.reshape(NC, N_NODES, DH), src, dst, zagg)
    pp = _tc_layer(aggp.reshape(NC, NP, D), rp, W2, b2.reshape(1, D))
    (aggp,) = _sc_agg(pp.reshape(NC, N_NODES, DH), src, dst, zagg)

    wf2p = jnp.zeros((D, D), jnp.float32).at[:, :OUT].set(Wf2)
    bf2p = jnp.zeros((1, D), jnp.float32).at[0, :OUT].set(bf2)
    out = _tc_final(aggp.reshape(NC, NP, D), rp, W3, b3.reshape(1, D),
                    Wf1, bf1.reshape(1, D), wf2p, bf2p)
    return out[:, :OUT]

# --- scband reference (transcript-rebuilt; emitter-appended) ---
"""Pipeline reference for scband-gnnnode-classifier-43525198577952 (READ-ONLY COPY).

The authoritative reference and input builder live on the scoring server;
editing this copy changes nothing except your own understanding.
"""

import jax, jax.numpy as jnp
import numpy as np

N_NODES = 10000
N_EDGES = 320000
D_FEAT = 128
HIDDEN = 128
OUT = 40
NUM_LAYERS = 3

def setup_inputs(seed: int = 0) -> dict:
    key = jax.random.key(seed)
    ks = jax.random.split(key, 16)
    inp = {}
    inp['x'] = jax.random.normal(ks[0], (N_NODES, D_FEAT), dtype=jnp.float32)
    inp['edge_index'] = jax.random.randint(ks[1], (2, N_EDGES), 0, N_NODES)
    dims = [D_FEAT, HIDDEN, HIDDEN, HIDDEN]
    for i in range(NUM_LAYERS):
        inp['W%d' % (i + 1)] = jax.random.normal(ks[2 + i], (dims[i], dims[i + 1]), dtype=jnp.float32) * (1.0 / np.sqrt(dims[i]))
        inp['b%d' % (i + 1)] = jnp.zeros((dims[i + 1],), dtype=jnp.float32)
    inp['Wf1'] = jax.random.normal(ks[8], (HIDDEN, HIDDEN), dtype=jnp.float32) * (1.0 / np.sqrt(HIDDEN))
    inp['bf1'] = jnp.zeros((HIDDEN,), dtype=jnp.float32)
    inp['Wf2'] = jax.random.normal(ks[9], (HIDDEN, OUT), dtype=jnp.float32) * (1.0 / np.sqrt(HIDDEN))
    inp['bf2'] = jnp.zeros((OUT,), dtype=jnp.float32)
    return inp

def _gnn_layer(h, src, dst, W, b, n_nodes):
    # gather messages from source nodes
    msg = jnp.take(h, src, axis=0)
    # scatter-add (segment sum) into destination nodes, mean-normalized by in-degree
    agg = jax.ops.segment_sum(msg, dst, num_segments=n_nodes)
    deg = jax.ops.segment_sum(jnp.ones((src.shape[0], 1), dtype=h.dtype), dst, num_segments=n_nodes)
    agg = agg / jnp.clip(deg, 1.0)
    return jax.nn.relu(agg @ W + b)

def reference(x, edge_index, W1, b1, W2, b2, W3, b3, Wf1, bf1, Wf2, bf2):
    src = edge_index[0]
    dst = edge_index[1]
    n = x.shape[0]
    h = x
    for W, b in ((W1, b1), (W2, b2), (W3, b3)):
        h = _gnn_layer(h, src, dst, W, b, n)
    # classifier head: Linear -> ReLU -> Linear -> LogSoftmax(dim=1)
    h = jax.nn.relu(h @ Wf1 + bf1)
    logits = h @ Wf2 + bf2
    return jax.nn.log_softmax(logits, axis=1)

if __name__ == "__main__":
    import jax
    _d = setup_inputs()
    print(jax.jit(kernel)(*tuple(_d.values())))

</pallas_src>

<mosaic_0001>
#map = affine_map<(d0, d1) -> (0, 0, 0)>
#map1 = affine_map<(d0, d1) -> (0, 0)>
module attributes {stable_mosaic.version = 14 : i64} {
  func.func @_sc_agg_body(%arg0: i32, %arg1: i32, %arg2: memref<2x10000x64xf32, #tpu.memory_space<hbm>>, %arg3: memref<16x250x80xi32, #tpu.memory_space<hbm>>, %arg4: memref<16x250x80xi32, #tpu.memory_space<hbm>>, %arg5: memref<10000x64xf32, #tpu.memory_space<hbm>>, %arg6: memref<2x10000x64xf32, #tpu.memory_space<hbm>>, %arg7: memref<250x80xi32, #tpu.memory_space<vmem>>, %arg8: memref<250x80xi32, #tpu.memory_space<vmem>>, %arg9: memref<5x80x64xf32, #tpu.memory_space<vmem>>, %arg10: memref<10000x64xf32, #tpu.memory_space<vmem_shared>>, %arg11: memref<!tpu.dma_semaphore, #tpu.memory_space<semaphore_mem>>, %arg12: memref<!tpu.dma_semaphore, #tpu.memory_space<semaphore_mem>>, %arg13: memref<!tpu.dma_semaphore, #tpu.memory_space<semaphore_mem>>, %arg14: memref<!tpu.dma_semaphore, #tpu.memory_space<semaphore_mem>>, %arg15: memref<!tpu.dma_semaphore, #tpu.memory_space<semaphore_mem>>) attributes {dimension_semantics = [#tpu.dimension_semantics<core_parallel>, #tpu.dimension_semantics<subcore_parallel>], iteration_bounds = array<i64: 2, 16>, scalar_prefetch = 0 : i64, scratch_operands = 9 : i64, tpu.core_type = #tpu.core_type<sc_vector_subcore>, window_params = [{transform_indices = #map}, {transform_indices = #map}, {transform_indices = #map}, {transform_indices = #map1}, {transform_indices = #map}]} {
    %eq3A = arith.constant 0 : i32
    %eq3A_0 = arith.cmpi eq, %arg1, %eq3A : i32
    %convert_element_type3A = arith.extui %eq3A_0 : i1 to i32
    %cond3A = arith.constant 0 : i32
    %cond3A_1 = arith.cmpi ne, %convert_element_type3A, %cond3A : i32
    scf.if %cond3A_1 {
      "tpu.region"() ({
        %run_scoped3A = tpu.sem_alloc : memref<!tpu.dma_semaphore, #tpu.memory_space<semaphore_mem>>
        tpu.enqueue_dma source(%arg5 : memref<10000x64xf32, #tpu.memory_space<hbm>>) target(%arg10 : memref<10000x64xf32, #tpu.memory_space<vmem_shared>>) target_semaphore(%run_scoped3A : memref<!tpu.dma_semaphore, #tpu.memory_space<semaphore_mem>>)
        tpu.wait_dma2 semaphore(%run_scoped3A : memref<!tpu.dma_semaphore, #tpu.memory_space<semaphore_mem>>) src(%arg5 : memref<10000x64xf32, #tpu.memory_space<hbm>>) dst(%arg10 : memref<10000x64xf32, #tpu.memory_space<vmem_shared>>)
        tpu.yield
      }) : () -> ()
    } else {
    }
    "tpu.region"() ({
      %run_scoped3A = tpu.sem_alloc : memref<!tpu.dma_semaphore, #tpu.memory_space<semaphore_mem>>
      %dma_start3A_75 = arith.constant 0 : i32
      %dma_start3A_76 = arith.constant 0 : i32
      %dma_start3A_77 = tpu.memref_slice %arg3[%arg1, %dma_start3A_75, %dma_start3A_76] : memref<16x250x80xi32, #tpu.memory_space<hbm>> -> memref<1x250x80xi32, #tpu.memory_space<hbm>>
      %dma_start3A_78 = tpu.memref_squeeze %dma_start3A_77 : memref<1x250x80xi32, #tpu.memory_space<hbm>> -> memref<250x80xi32, #tpu.memory_space<hbm>>
      %dma_start3A_79 = arith.constant 0 : i32
      %dma_start3A_80 = arith.constant 0 : i32
      %dma_start3A_81 = tpu.memref_slice %arg3[%arg1, %dma_start3A_79, %dma_start3A_80] : memref<16x250x80xi32, #tpu.memory_space<hbm>> -> memref<1x250x80xi32, #tpu.memory_space<hbm>>
      %dma_start3A_82 = tpu.memref_squeeze %dma_start3A_81 : memref<1x250x80xi32, #tpu.memory_space<hbm>> -> memref<250x80xi32, #tpu.memory_space<hbm>>
      tpu.enqueue_dma source(%dma_start3A_82 : memref<250x80xi32, #tpu.memory_space<hbm>>) target(%arg7 : memref<250x80xi32, #tpu.memory_space<vmem>>) target_semaphore(%run_scoped3A : memref<!tpu.dma_semaphore, #tpu.memory_space<semaphore_mem>>)
      %dma_wait3A = arith.constant 0 : i32
      %dma_wait3A_83 = arith.constant 0 : i32
      %dma_wait3A_84 = tpu.memref_slice %arg3[%arg1, %dma_wait3A, %dma_wait3A_83] : memref<16x250x80xi32, #tpu.memory_space<hbm>> -> memref<1x250x80xi32, #tpu.memory_space<hbm>>
      %dma_wait3A_85 = tpu.memref_squeeze %dma_wait3A_84 : memref<1x250x80xi32, #tpu.memory_space<hbm>> -> memref<250x80xi32, #tpu.memory_space<hbm>>
      %dma_wait3A_86 = arith.constant 0 : i32
      %dma_wait3A_87 = arith.constant 0 : i32
      %dma_wait3A_88 = tpu.memref_slice %arg3[%arg1, %dma_wait3A_86, %dma_wait3A_87] : memref<16x250x80xi32, #tpu.memory_space<hbm>> -> memref<1x250x80xi32, #tpu.memory_space<hbm>>
      %dma_wait3A_89 = tpu.memref_squeeze %dma_wait3A_88 : memref<1x250x80xi32, #tpu.memory_space<hbm>> -> memref<250x80xi32, #tpu.memory_space<hbm>>
      tpu.wait_dma2 semaphore(%run_scoped3A : memref<!tpu.dma_semaphore, #tpu.memory_space<semaphore_mem>>) src(%dma_wait3A_89 : memref<250x80xi32, #tpu.memory_space<hbm>>) dst(%arg7 : memref<250x80xi32, #tpu.memory_space<vmem>>)
      tpu.yield
    }) : () -> ()
    "tpu.region"() ({
      %run_scoped3A = tpu.sem_alloc : memref<!tpu.dma_semaphore, #tpu.memory_space<semaphore_mem>>
      %dma_start3A_75 = arith.constant 0 : i32
      %dma_start3A_76 = arith.constant 0 : i32
      %dma_start3A_77 = tpu.memref_slice %arg4[%arg1, %dma_start3A_75, %dma_start3A_76] : memref<16x250x80xi32, #tpu.memory_space<hbm>> -> memref<1x250x80xi32, #tpu.memory_space<hbm>>
      %dma_start3A_78 = tpu.memref_squeeze %dma_start3A_77 : memref<1x250x80xi32, #tpu.memory_space<hbm>> -> memref<250x80xi32, #tpu.memory_space<hbm>>
      %dma_start3A_79 = arith.constant 0 : i32
      %dma_start3A_80 = arith.constant 0 : i32
      %dma_start3A_81 = tpu.memref_slice %arg4[%arg1, %dma_start3A_79, %dma_start3A_80] : memref<16x250x80xi32, #tpu.memory_space<hbm>> -> memref<1x250x80xi32, #tpu.memory_space<hbm>>
      %dma_start3A_82 = tpu.memref_squeeze %dma_start3A_81 : memref<1x250x80xi32, #tpu.memory_space<hbm>> -> memref<250x80xi32, #tpu.memory_space<hbm>>
      tpu.enqueue_dma source(%dma_start3A_82 : memref<250x80xi32, #tpu.memory_space<hbm>>) target(%arg8 : memref<250x80xi32, #tpu.memory_space<vmem>>) target_semaphore(%run_scoped3A : memref<!tpu.dma_semaphore, #tpu.memory_space<semaphore_mem>>)
      %dma_wait3A = arith.constant 0 : i32
      %dma_wait3A_83 = arith.constant 0 : i32
      %dma_wait3A_84 = tpu.memref_slice %arg4[%arg1, %dma_wait3A, %dma_wait3A_83] : memref<16x250x80xi32, #tpu.memory_space<hbm>> -> memref<1x250x80xi32, #tpu.memory_space<hbm>>
      %dma_wait3A_85 = tpu.memref_squeeze %dma_wait3A_84 : memref<1x250x80xi32, #tpu.memory_space<hbm>> -> memref<250x80xi32, #tpu.memory_space<hbm>>
      %dma_wait3A_86 = arith.constant 0 : i32
      %dma_wait3A_87 = arith.constant 0 : i32
      %dma_wait3A_88 = tpu.memref_slice %arg4[%arg1, %dma_wait3A_86, %dma_wait3A_87] : memref<16x250x80xi32, #tpu.memory_space<hbm>> -> memref<1x250x80xi32, #tpu.memory_space<hbm>>
      %dma_wait3A_89 = tpu.memref_squeeze %dma_wait3A_88 : memref<1x250x80xi32, #tpu.memory_space<hbm>> -> memref<250x80xi32, #tpu.memory_space<hbm>>
      tpu.wait_dma2 semaphore(%run_scoped3A : memref<!tpu.dma_semaphore, #tpu.memory_space<semaphore_mem>>) src(%dma_wait3A_89 : memref<250x80xi32, #tpu.memory_space<hbm>>) dst(%arg8 : memref<250x80xi32, #tpu.memory_space<vmem>>)
      tpu.yield
    }) : () -> ()
    %barrier3A = arith.constant 0 : index
    tpu.barrier barrier_id(%barrier3A)
    %dma_start3A = arith.constant 0 : i32
    %dma_start3A_2 = arith.constant 0 : i32
    %dma_start3A_3 = arith.constant 0 : i32
    %dma_start3A_4 = arith.constant 0 : i32
    %dma_start3A_5 = tpu.memref_slice %arg9[%dma_start3A_2, %dma_start3A_3, %dma_start3A_4] : memref<5x80x64xf32, #tpu.memory_space<vmem>> -> memref<1x80x64xf32, #tpu.memory_space<vmem>>
    %dma_start3A_6 = tpu.memref_squeeze %dma_start3A_5 : memref<1x80x64xf32, #tpu.memory_space<vmem>> -> memref<80x64xf32, #tpu.memory_space<vmem>>
    %dma_start3A_7 = arith.constant 0 : i32
    %dma_start3A_8 = tpu.memref_slice %arg7[%dma_start3A, %dma_start3A_7] : memref<250x80xi32, #tpu.memory_space<vmem>> -> memref<1x80xi32, #tpu.memory_space<vmem>>
    %dma_start3A_9 = tpu.memref_squeeze %dma_start3A_8 : memref<1x80xi32, #tpu.memory_space<vmem>> -> memref<80xi32, #tpu.memory_space<vmem>>
    %dma_start3A_10 = arith.constant 0 : i32
    %dma_start3A_11 = arith.constant 0 : i32
    %dma_start3A_12 = tpu.memref_slice %arg2[%arg0, %dma_start3A_10, %dma_start3A_11] : memref<2x10000x64xf32, #tpu.memory_space<hbm>> -> memref<1x10000x64xf32, #tpu.memory_space<hbm>>
    %dma_start3A_13 = tpu.memref_squeeze %dma_start3A_12 : memref<1x10000x64xf32, #tpu.memory_space<hbm>> -> memref<10000x64xf32, #tpu.memory_space<hbm>>
    %dma_start3A_14 = arith.constant 0 : i32
    %dma_start3A_15 = arith.constant 0 : i32
    %dma_start3A_16 = tpu.memref_slice %dma_start3A_13[%dma_start3A_14, %dma_start3A_15] : memref<10000x64xf32, #tpu.memory_space<hbm>> -> memref<10000x64xf32, #tpu.memory_space<hbm>>
    tpu.enqueue_indirect_dma source(%dma_start3A_16 : memref<10000x64xf32, #tpu.memory_space<hbm>>) target(%dma_start3A_6 : memref<80x64xf32, #tpu.memory_space<vmem>>) offsets(%dma_start3A_9 : memref<80xi32, #tpu.memory_space<vmem>>) semaphore(%arg11 : memref<!tpu.dma_semaphore, #tpu.memory_space<semaphore_mem>>)
    %dma_start3A_17 = arith.constant 1 : i32
    %dma_start3A_18 = arith.constant 1 : i32
    %dma_start3A_19 = arith.constant 0 : i32
    %dma_start3A_20 = arith.constant 0 : i32
    %dma_start3A_21 = tpu.memref_slice %arg9[%dma_start3A_18, %dma_start3A_19, %dma_start3A_20] : memref<5x80x64xf32, #tpu.memory_space<vmem>> -> memref<1x80x64xf32, #tpu.memory_space<vmem>>
    %dma_start3A_22 = tpu.memref_squeeze %dma_start3A_21 : memref<1x80x64xf32, #tpu.memory_space<vmem>> -> memref<80x64xf32, #tpu.memory_space<vmem>>
    %dma_start3A_23 = arith.constant 0 : i32
    %dma_start3A_24 = tpu.memref_slice %arg7[%dma_start3A_17, %dma_start3A_23] : memref<250x80xi32, #tpu.memory_space<vmem>> -> memref<1x80xi32, #tpu.memory_space<vmem>>
    %dma_start3A_25 = tpu.memref_squeeze %dma_start3A_24 : memref<1x80xi32, #tpu.memory_space<vmem>> -> memref<80xi32, #tpu.memory_space<vmem>>
    %dma_start3A_26 = arith.constant 0 : i32
    %dma_start3A_27 = arith.constant 0 : i32
    %dma_start3A_28 = tpu.memref_slice %arg2[%arg0, %dma_start3A_26, %dma_start3A_27] : memref<2x10000x64xf32, #tpu.memory_space<hbm>> -> memref<1x10000x64xf32, #tpu.memory_space<hbm>>
    %dma_start3A_29 = tpu.memref_squeeze %dma_start3A_28 : memref<1x10000x64xf32, #tpu.memory_space<hbm>> -> memref<10000x64xf32, #tpu.memory_space<hbm>>
    %dma_start3A_30 = arith.constant 0 : i32
    %dma_start3A_31 = arith.constant 0 : i32
    %dma_start3A_32 = tpu.memref_slice %dma_start3A_29[%dma_start3A_30, %dma_start3A_31] : memref<10000x64xf32, #tpu.memory_space<hbm>> -> memref<10000x64xf32, #tpu.memory_space<hbm>>
    tpu.enqueue_indirect_dma source(%dma_start3A_32 : memref<10000x64xf32, #tpu.memory_space<hbm>>) target(%dma_start3A_22 : memref<80x64xf32, #tpu.memory_space<vmem>>) offsets(%dma_start3A_25 : memref<80xi32, #tpu.memory_space<vmem>>) semaphore(%arg12 : memref<!tpu.dma_semaphore, #tpu.memory_space<semaphore_mem>>)
    %dma_start3A_33 = arith.constant 2 : i32
    %dma_start3A_34 = arith.constant 2 : i32
    %dma_start3A_35 = arith.constant 0 : i32
    %dma_start3A_36 = arith.constant 0 : i32
    %dma_start3A_37 = tpu.memref_slice %arg9[%dma_start3A_34, %dma_start3A_35, %dma_start3A_36] : memref<5x80x64xf32, #tpu.memory_space<vmem>> -> memref<1x80x64xf32, #tpu.memory_space<vmem>>
    %dma_start3A_38 = tpu.memref_squeeze %dma_start3A_37 : memref<1x80x64xf32, #tpu.memory_space<vmem>> -> memref<80x64xf32, #tpu.memory_space<vmem>>
    %dma_start3A_39 = arith.constant 0 : i32
    %dma_start3A_40 = tpu.memref_slice %arg7[%dma_start3A_33, %dma_start3A_39] : memref<250x80xi32, #tpu.memory_space<vmem>> -> memref<1x80xi32, #tpu.memory_space<vmem>>
    %dma_start3A_41 = tpu.memref_squeeze %dma_start3A_40 : memref<1x80xi32, #tpu.memory_space<vmem>> -> memref<80xi32, #tpu.memory_space<vmem>>
    %dma_start3A_42 = arith.constant 0 : i32
    %dma_start3A_43 = arith.constant 0 : i32
    %dma_start3A_44 = tpu.memref_slice %arg2[%arg0, %dma_start3A_42, %dma_start3A_43] : memref<2x10000x64xf32, #tpu.memory_space<hbm>> -> memref<1x10000x64xf32, #tpu.memory_space<hbm>>
    %dma_start3A_45 = tpu.memref_squeeze %dma_start3A_44 : memref<1x10000x64xf32, #tpu.memory_space<hbm>> -> memref<10000x64xf32, #tpu.memory_space<hbm>>
    %dma_start3A_46 = arith.constant 0 : i32
    %dma_start3A_47 = arith.constant 0 : i32
    %dma_start3A_48 = tpu.memref_slice %dma_start3A_45[%dma_start3A_46, %dma_start3A_47] : memref<10000x64xf32, #tpu.memory_space<hbm>> -> memref<10000x64xf32, #tpu.memory_space<hbm>>
    tpu.enqueue_indirect_dma source(%dma_start3A_48 : memref<10000x64xf32, #tpu.memory_space<hbm>>) target(%dma_start3A_38 : memref<80x64xf32, #tpu.memory_space<vmem>>) offsets(%dma_start3A_41 : memref<80xi32, #tpu.memory_space<vmem>>) semaphore(%arg13 : memref<!tpu.dma_semaphore, #tpu.memory_space<semaphore_mem>>)
    %dma_start3A_49 = arith.constant 3 : i32
    %dma_start3A_50 = arith.constant 3 : i32
    %dma_start3A_51 = arith.constant 0 : i32
    %dma_start3A_52 = arith.constant 0 : i32
    %dma_start3A_53 = tpu.memref_slice %arg9[%dma_start3A_50, %dma_start3A_51, %dma_start3A_52] : memref<5x80x64xf32, #tpu.memory_space<vmem>> -> memref<1x80x64xf32, #tpu.memory_space<vmem>>
    %dma_start3A_54 = tpu.memref_squeeze %dma_start3A_53 : memref<1x80x64xf32, #tpu.memory_space<vmem>> -> memref<80x64xf32, #tpu.memory_space<vmem>>
    %dma_start3A_55 = arith.constant 0 : i32
    %dma_start3A_56 = tpu.memref_slice %arg7[%dma_start3A_49, %dma_start3A_55] : memref<250x80xi32, #tpu.memory_space<vmem>> -> memref<1x80xi32, #tpu.memory_space<vmem>>
    %dma_start3A_57 = tpu.memref_squeeze %dma_start3A_56 : memref<1x80xi32, #tpu.memory_space<vmem>> -> memref<80xi32, #tpu.memory_space<vmem>>
    %dma_start3A_58 = arith.constant 0 : i32
    %dma_start3A_59 = arith.constant 0 : i32
    %dma_start3A_60 = tpu.memref_slice %arg2[%arg0, %dma_start3A_58, %dma_start3A_59] : memref<2x10000x64xf32, #tpu.memory_space<hbm>> -> memref<1x10000x64xf32, #tpu.memory_space<hbm>>
    %dma_start3A_61 = tpu.memref_squeeze %dma_start3A_60 : memref<1x10000x64xf32, #tpu.memory_space<hbm>> -> memref<10000x64xf32, #tpu.memory_space<hbm>>
    %dma_start3A_62 = arith.constant 0 : i32
    %dma_start3A_63 = arith.constant 0 : i32
    %dma_start3A_64 = tpu.memref_slice %dma_start3A_61[%dma_start3A_62, %dma_start3A_63] : memref<10000x64xf32, #tpu.memory_space<hbm>> -> memref<10000x64xf32, #tpu.memory_space<hbm>>
    tpu.enqueue_indirect_dma source(%dma_start3A_64 : memref<10000x64xf32, #tpu.memory_space<hbm>>) target(%dma_start3A_54 : memref<80x64xf32, #tpu.memory_space<vmem>>) offsets(%dma_start3A_57 : memref<80xi32, #tpu.memory_space<vmem>>) semaphore(%arg14 : memref<!tpu.dma_semaphore, #tpu.memory_space<semaphore_mem>>)
    %scan3A = arith.constant 0 : i32
    %scan3A_65 = arith.constant 50 : i32
    %scan3A_66 = arith.addi %scan3A, %scan3A_65 : i32
    %scan3A_67 = arith.constant 1 : i32
    scf.for %scan3A_75 = %scan3A to %scan3A_66 step %scan3A_67  : i32 {
      %mul3A = arith.constant 5 : i32
      %mul3A_76 = arith.muli %mul3A, %scan3A_75 : i32
      %add3A = arith.constant 0 : i32
      %add3A_77 = arith.addi %mul3A_76, %add3A : i32
      %dma_wait3A = arith.constant 0 : i32
      %dma_wait3A_78 = arith.constant 0 : i32
      %dma_wait3A_79 = arith.constant 0 : i32
      %dma_wait3A_80 = tpu.memref_slice %arg9[%dma_wait3A, %dma_wait3A_78, %dma_wait3A_79] : memref<5x80x64xf32, #tpu.memory_space<vmem>> -> memref<1x80x64xf32, #tpu.memory_space<vmem>>
      %dma_wait3A_81 = tpu.memref_squeeze %dma_wait3A_80 : memref<1x80x64xf32, #tpu.memory_space<vmem>> -> memref<80x64xf32, #tpu.memory_space<vmem>>
      %dma_wait3A_82 = arith.constant 0 : i32
      %dma_wait3A_83 = tpu.memref_slice %arg7[%add3A_77, %dma_wait3A_82] : memref<250x80xi32, #tpu.memory_space<vmem>> -> memref<1x80xi32, #tpu.memory_space<vmem>>
      %dma_wait3A_84 = tpu.memref_squeeze %dma_wait3A_83 : memref<1x80xi32, #tpu.memory_space<vmem>> -> memref<80xi32, #tpu.memory_space<vmem>>
      %dma_wait3A_85 = arith.constant 0 : i32
      %dma_wait3A_86 = arith.constant 0 : i32
      %dma_wait3A_87 = tpu.memref_slice %arg2[%arg0, %dma_wait3A_85, %dma_wait3A_86] : memref<2x10000x64xf32, #tpu.memory_space<hbm>> -> memref<1x10000x64xf32, #tpu.memory_space<hbm>>
      %dma_wait3A_88 = tpu.memref_squeeze %dma_wait3A_87 : memref<1x10000x64xf32, #tpu.memory_space<hbm>> -> memref<10000x64xf32, #tpu.memory_space<hbm>>
      %dma_wait3A_89 = arith.constant 0 : i32
      %dma_wait3A_90 = arith.constant 0 : i32
      %dma_wait3A_91 = tpu.memref_slice %dma_wait3A_88[%dma_wait3A_89, %dma_wait3A_90] : memref<10000x64xf32, #tpu.memory_space<hbm>> -> memref<10000x64xf32, #tpu.memory_space<hbm>>
      tpu.wait_indirect_dma semaphore(%arg11 : memref<!tpu.dma_semaphore, #tpu.memory_space<semaphore_mem>>) src(%dma_wait3A_91 : memref<10000x64xf32, #tpu.memory_space<hbm>>) dst(%dma_wait3A_81 : memref<80x64xf32, #tpu.memory_space<vmem>>)
      %add3A_92 = arith.constant 5 : i32
      %add3A_93 = arith.addi %add3A_77, %add3A_92 : i32
      %sub3A = arith.constant 1 : i32
      %sub3A_94 = arith.subi %add3A_93, %sub3A : i32
      %lt3A = arith.constant 250 : i32
      %lt3A_95 = arith.cmpi slt, %sub3A_94, %lt3A : i32
      %convert_element_type3A_96 = arith.extui %lt3A_95 : i1 to i32
      %cond3A_97 = arith.constant 0 : i32
      %cond3A_98 = arith.cmpi ne, %convert_element_type3A_96, %cond3A_97 : i32
      scf.if %cond3A_98 {
        %add3A_215 = arith.constant 5 : i32
        %add3A_216 = arith.addi %add3A_77, %add3A_215 : i32
        %sub3A_217 = arith.constant 1 : i32
        %sub3A_218 = arith.subi %add3A_216, %sub3A_217 : i32
        %dma_start3A_219 = arith.constant 4 : i32
        %dma_start3A_220 = arith.constant 0 : i32
        %dma_start3A_221 = arith.constant 0 : i32
        %dma_start3A_222 = tpu.memref_slice %arg9[%dma_start3A_219, %dma_start3A_220, %dma_start3A_221] : memref<5x80x64xf32, #tpu.memory_space<vmem>> -> memref<1x80x64xf32, #tpu.memory_space<vmem>>
        %dma_start3A_223 = tpu.memref_squeeze %dma_start3A_222 : memref<1x80x64xf32, #tpu.memory_space<vmem>> -> memref<80x64xf32, #tpu.memory_space<vmem>>
        %dma_start3A_224 = arith.constant 0 : i32
        %dma_start3A_225 = tpu.memref_slice %arg7[%sub3A_218, %dma_start3A_224] : memref<250x80xi32, #tpu.memory_space<vmem>> -> memref<1x80xi32, #tpu.memory_space<vmem>>
        %dma_start3A_226 = tpu.memref_squeeze %dma_start3A_225 : memref<1x80xi32, #tpu.memory_space<vmem>> -> memref<80xi32, #tpu.memory_space<vmem>>
        %dma_start3A_227 = arith.constant 0 : i32
        %dma_start3A_228 = arith.constant 0 : i32
        %dma_start3A_229 = tpu.memref_slice %arg2[%arg0, %dma_start3A_227, %dma_start3A_228] : memref<2x10000x64xf32, #tpu.memory_space<hbm>> -> memref<1x10000x64xf32, #tpu.memory_space<hbm>>
        %dma_start3A_230 = tpu.memref_squeeze %dma_start3A_229 : memref<1x10000x64xf32, #tpu.memory_space<hbm>> -> memref<10000x64xf32, #tpu.memory_space<hbm>>
        %dma_start3A_231 = arith.constant 0 : i32
        %dma_start3A_232 = arith.constant 0 : i32
        %dma_start3A_233 = tpu.memref_slice %dma_start3A_230[%dma_start3A_231, %dma_start3A_232] : memref<10000x64xf32, #tpu.memory_space<hbm>> -> memref<10000x64xf32, #tpu.memory_space<hbm>>
        tpu.enqueue_indirect_dma source(%dma_start3A_233 : memref<10000x64xf32, #tpu.memory_space<hbm>>) target(%dma_start3A_223 : memref<80x64xf32, #tpu.memory_space<vmem>>) offsets(%dma_start3A_226 : memref<80xi32, #tpu.memory_space<vmem>>) semaphore(%arg15 : memref<!tpu.dma_semaphore, #tpu.memory_space<semaphore_mem>>)
      } else {
      }
      %run_scoped3A = arith.constant 0 : i32
      "tpu.region"() ({
        %run_scoped3A_215 = tpu.sem_alloc : memref<!tpu.dma_semaphore, #tpu.memory_space<semaphore_mem>>
        %dma_start3A_216 = arith.constant 0 : i32
        %dma_start3A_217 = arith.constant 0 : i32
        %dma_start3A_218 = tpu.memref_slice %arg9[%run_scoped3A, %dma_start3A_216, %dma_start3A_217] : memref<5x80x64xf32, #tpu.memory_space<vmem>> -> memref<1x80x64xf32, #tpu.memory_space<vmem>>
        %dma_start3A_219 = tpu.memref_squeeze %dma_start3A_218 : memref<1x80x64xf32, #tpu.memory_space<vmem>> -> memref<80x64xf32, #tpu.memory_space<vmem>>
        %dma_start3A_220 = arith.constant 0 : i32
        %dma_start3A_221 = tpu.memref_slice %arg8[%add3A_77, %dma_start3A_220] : memref<250x80xi32, #tpu.memory_space<vmem>> -> memref<1x80xi32, #tpu.memory_space<vmem>>
        %dma_start3A_222 = tpu.memref_squeeze %dma_start3A_221 : memref<1x80xi32, #tpu.memory_space<vmem>> -> memref<80xi32, #tpu.memory_space<vmem>>
        %dma_start3A_223 = arith.constant 0 : i32
        %dma_start3A_224 = arith.constant 0 : i32
        %dma_start3A_225 = tpu.memref_slice %arg10[%dma_start3A_223, %dma_start3A_224] : memref<10000x64xf32, #tpu.memory_space<vmem_shared>> -> memref<10000x64xf32, #tpu.memory_space<vmem_shared>>
        tpu.enqueue_indirect_dma source(%dma_start3A_219 : memref<80x64xf32, #tpu.memory_space<vmem>>) target(%dma_start3A_225 : memref<10000x64xf32, #tpu.memory_space<vmem_shared>>) offsets(%dma_start3A_222 : memref<80xi32, #tpu.memory_space<vmem>>) semaphore(%run_scoped3A_215 : memref<!tpu.dma_semaphore, #tpu.memory_space<semaphore_mem>>) {add = true}
        %dma_wait3A_226 = arith.constant 0 : i32
        %dma_wait3A_227 = arith.constant 0 : i32
        %dma_wait3A_228 = tpu.memref_slice %arg9[%run_scoped3A, %dma_wait3A_226, %dma_wait3A_227] : memref<5x80x64xf32, #tpu.memory_space<vmem>> -> memref<1x80x64xf32, #tpu.memory_space<vmem>>
        %dma_wait3A_229 = tpu.memref_squeeze %dma_wait3A_228 : memref<1x80x64xf32, #tpu.memory_space<vmem>> -> memref<80x64xf32, #tpu.memory_space<vmem>>
        %dma_wait3A_230 = arith.constant 0 : i32
        %dma_wait3A_231 = tpu.memref_slice %arg8[%add3A_77, %dma_wait3A_230] : memref<250x80xi32, #tpu.memory_space<vmem>> -> memref<1x80xi32, #tpu.memory_space<vmem>>
        %dma_wait3A_232 = tpu.memref_squeeze %dma_wait3A_231 : memref<1x80xi32, #tpu.memory_space<vmem>> -> memref<80xi32, #tpu.memory_space<vmem>>
        %dma_wait3A_233 = arith.constant 0 : i32
        %dma_wait3A_234 = arith.constant 0 : i32
        %dma_wait3A_235 = tpu.memref_slice %arg10[%dma_wait3A_233, %dma_wait3A_234] : memref<10000x64xf32, #tpu.memory_space<vmem_shared>> -> memref<10000x64xf32, #tpu.memory_space<vmem_shared>>
        tpu.wait_indirect_dma semaphore(%run_scoped3A_215 : memref<!tpu.dma_semaphore, #tpu.memory_space<semaphore_mem>>) src(%dma_wait3A_229 : memref<80x64xf32, #tpu.memory_space<vmem>>) dst(%dma_wait3A_235 : memref<10000x64xf32, #tpu.memory_space<vmem_shared>>)
        tpu.yield
      }) : () -> ()
      %mul3A_99 = arith.constant 5 : i32
      %mul3A_100 = arith.muli %mul3A_99, %scan3A_75 : i32
      %add3A_101 = arith.constant 1 : i32
      %add3A_102 = arith.addi %mul3A_100, %add3A_101 : i32
      %dma_wait3A_103 = arith.constant 1 : i32
      %dma_wait3A_104 = arith.constant 0 : i32
      %dma_wait3A_105 = arith.constant 0 : i32
      %dma_wait3A_106 = tpu.memref_slice %arg9[%dma_wait3A_103, %dma_wait3A_104, %dma_wait3A_105] : memref<5x80x64xf32, #tpu.memory_space<vmem>> -> memref<1x80x64xf32, #tpu.memory_space<vmem>>
      %dma_wait3A_107 = tpu.memref_squeeze %dma_wait3A_106 : memref<1x80x64xf32, #tpu.memory_space<vmem>> -> memref<80x64xf32, #tpu.memory_space<vmem>>
      %dma_wait3A_108 = arith.constant 0 : i32
      %dma_wait3A_109 = tpu.memref_slice %arg7[%add3A_102, %dma_wait3A_108] : memref<250x80xi32, #tpu.memory_space<vmem>> -> memref<1x80xi32, #tpu.memory_space<vmem>>
      %dma_wait3A_110 = tpu.memref_squeeze %dma_wait3A_109 : memref<1x80xi32, #tpu.memory_space<vmem>> -> memref<80xi32, #tpu.memory_space<vmem>>
      %dma_wait3A_111 = arith.constant 0 : i32
      %dma_wait3A_112 = arith.constant 0 : i32
      %dma_wait3A_113 = tpu.memref_slice %arg2[%arg0, %dma_wait3A_111, %dma_wait3A_112] : memref<2x10000x64xf32, #tpu.memory_space<hbm>> -> memref<1x10000x64xf32, #tpu.memory_space<hbm>>
      %dma_wait3A_114 = tpu.memref_squeeze %dma_wait3A_113 : memref<1x10000x64xf32, #tpu.memory_space<hbm>> -> memref<10000x64xf32, #tpu.memory_space<hbm>>
      %dma_wait3A_115 = arith.constant 0 : i32
      %dma_wait3A_116 = arith.constant 0 : i32
      %dma_wait3A_117 = tpu.memref_slice %dma_wait3A_114[%dma_wait3A_115, %dma_wait3A_116] : memref<10000x64xf32, #tpu.memory_space<hbm>> -> memref<10000x64xf32, #tpu.memory_space<hbm>>
      tpu.wait_indirect_dma semaphore(%arg12 : memref<!tpu.dma_semaphore, #tpu.memory_space<semaphore_mem>>) src(%dma_wait3A_117 : memref<10000x64xf32, #tpu.memory_space<hbm>>) dst(%dma_wait3A_107 : memref<80x64xf32, #tpu.memory_space<vmem>>)
      %add3A_118 = arith.constant 5 : i32
      %add3A_119 = arith.addi %add3A_102, %add3A_118 : i32
      %sub3A_120 = arith.constant 1 : i32
      %sub3A_121 = arith.subi %add3A_119, %sub3A_120 : i32
      %lt3A_122 = arith.constant 250 : i32
      %lt3A_123 = arith.cmpi slt, %sub3A_121, %lt3A_122 : i32
      %convert_element_type3A_124 = arith.extui %lt3A_123 : i1 to i32
      %cond3A_125 = arith.constant 0 : i32
      %cond3A_126 = arith.cmpi ne, %convert_element_type3A_124, %cond3A_125 : i32
      scf.if %cond3A_126 {
        %add3A_215 = arith.constant 5 : i32
        %add3A_216 = arith.addi %add3A_102, %add3A_215 : i32
        %sub3A_217 = arith.constant 1 : i32
        %sub3A_218 = arith.subi %add3A_216, %sub3A_217 : i32
        %dma_start3A_219 = arith.constant 0 : i32
        %dma_start3A_220 = arith.constant 0 : i32
        %dma_start3A_221 = arith.constant 0 : i32
        %dma_start3A_222 = tpu.memref_slice %arg9[%dma_start3A_219, %dma_start3A_220, %dma_start3A_221] : memref<5x80x64xf32, #tpu.memory_space<vmem>> -> memref<1x80x64xf32, #tpu.memory_space<vmem>>
        %dma_start3A_223 = tpu.memref_squeeze %dma_start3A_222 : memref<1x80x64xf32, #tpu.memory_space<vmem>> -> memref<80x64xf32, #tpu.memory_space<vmem>>
        %dma_start3A_224 = arith.constant 0 : i32
        %dma_start3A_225 = tpu.memref_slice %arg7[%sub3A_218, %dma_start3A_224] : memref<250x80xi32, #tpu.memory_space<vmem>> -> memref<1x80xi32, #tpu.memory_space<vmem>>
        %dma_start3A_226 = tpu.memref_squeeze %dma_start3A_225 : memref<1x80xi32, #tpu.memory_space<vmem>> -> memref<80xi32, #tpu.memory_space<vmem>>
        %dma_start3A_227 = arith.constant 0 : i32
        %dma_start3A_228 = arith.constant 0 : i32
        %dma_start3A_229 = tpu.memref_slice %arg2[%arg0, %dma_start3A_227, %dma_start3A_228] : memref<2x10000x64xf32, #tpu.memory_space<hbm>> -> memref<1x10000x64xf32, #tpu.memory_space<hbm>>
        %dma_start3A_230 = tpu.memref_squeeze %dma_start3A_229 : memref<1x10000x64xf32, #tpu.memory_space<hbm>> -> memref<10000x64xf32, #tpu.memory_space<hbm>>
        %dma_start3A_231 = arith.constant 0 : i32
        %dma_start3A_232 = arith.constant 0 : i32
        %dma_start3A_233 = tpu.memref_slice %dma_start3A_230[%dma_start3A_231, %dma_start3A_232] : memref<10000x64xf32, #tpu.memory_space<hbm>> -> memref<10000x64xf32, #tpu.memory_space<hbm>>
        tpu.enqueue_indirect_dma source(%dma_start3A_233 : memref<10000x64xf32, #tpu.memory_space<hbm>>) target(%dma_start3A_223 : memref<80x64xf32, #tpu.memory_space<vmem>>) offsets(%dma_start3A_226 : memref<80xi32, #tpu.memory_space<vmem>>) semaphore(%arg11 : memref<!tpu.dma_semaphore, #tpu.memory_space<semaphore_mem>>)
      } else {
      }
      %run_scoped3A_127 = arith.constant 1 : i32
      "tpu.region"() ({
        %run_scoped3A_215 = tpu.sem_alloc : memref<!tpu.dma_semaphore, #tpu.memory_space<semaphore_mem>>
        %dma_start3A_216 = arith.constant 0 : i32
        %dma_start3A_217 = arith.constant 0 : i32
        %dma_start3A_218 = tpu.memref_slice %arg9[%run_scoped3A_127, %dma_start3A_216, %dma_start3A_217] : memref<5x80x64xf32, #tpu.memory_space<vmem>> -> memref<1x80x64xf32, #tpu.memory_space<vmem>>
        %dma_start3A_219 = tpu.memref_squeeze %dma_start3A_218 : memref<1x80x64xf32, #tpu.memory_space<vmem>> -> memref<80x64xf32, #tpu.memory_space<vmem>>
        %dma_start3A_220 = arith.constant 0 : i32
        %dma_start3A_221 = tpu.memref_slice %arg8[%add3A_102, %dma_start3A_220] : memref<250x80xi32, #tpu.memory_space<vmem>> -> memref<1x80xi32, #tpu.memory_space<vmem>>
        %dma_start3A_222 = tpu.memref_squeeze %dma_start3A_221 : memref<1x80xi32, #tpu.memory_space<vmem>> -> memref<80xi32, #tpu.memory_space<vmem>>
        %dma_start3A_223 = arith.constant 0 : i32
        %dma_start3A_224 = arith.constant 0 : i32
        %dma_start3A_225 = tpu.memref_slice %arg10[%dma_start3A_223, %dma_start3A_224] : memref<10000x64xf32, #tpu.memory_space<vmem_shared>> -> memref<10000x64xf32, #tpu.memory_space<vmem_shared>>
        tpu.enqueue_indirect_dma source(%dma_start3A_219 : memref<80x64xf32, #tpu.memory_space<vmem>>) target(%dma_start3A_225 : memref<10000x64xf32, #tpu.memory_space<vmem_shared>>) offsets(%dma_start3A_222 : memref<80xi32, #tpu.memory_space<vmem>>) semaphore(%run_scoped3A_215 : memref<!tpu.dma_semaphore, #tpu.memory_space<semaphore_mem>>) {add = true}
        %dma_wait3A_226 = arith.constant 0 : i32
        %dma_wait3A_227 = arith.constant 0 : i32
        %dma_wait3A_228 = tpu.memref_slice %arg9[%run_scoped3A_127, %dma_wait3A_226, %dma_wait3A_227] : memref<5x80x64xf32, #tpu.memory_space<vmem>> -> memref<1x80x64xf32, #tpu.memory_space<vmem>>
        %dma_wait3A_229 = tpu.memref_squeeze %dma_wait3A_228 : memref<1x80x64xf32, #tpu.memory_space<vmem>> -> memref<80x64xf32, #tpu.memory_space<vmem>>
        %dma_wait3A_230 = arith.constant 0 : i32
        %dma_wait3A_231 = tpu.memref_slice %arg8[%add3A_102, %dma_wait3A_230] : memref<250x80xi32, #tpu.memory_space<vmem>> -> memref<1x80xi32, #tpu.memory_space<vmem>>
        %dma_wait3A_232 = tpu.memref_squeeze %dma_wait3A_231 : memref<1x80xi32, #tpu.memory_space<vmem>> -> memref<80xi32, #tpu.memory_space<vmem>>
        %dma_wait3A_233 = arith.constant 0 : i32
        %dma_wait3A_234 = arith.constant 0 : i32
        %dma_wait3A_235 = tpu.memref_slice %arg10[%dma_wait3A_233, %dma_wait3A_234] : memref<10000x64xf32, #tpu.memory_space<vmem_shared>> -> memref<10000x64xf32, #tpu.memory_space<vmem_shared>>
        tpu.wait_indirect_dma semaphore(%run_scoped3A_215 : memref<!tpu.dma_semaphore, #tpu.memory_space<semaphore_mem>>) src(%dma_wait3A_229 : memref<80x64xf32, #tpu.memory_space<vmem>>) dst(%dma_wait3A_235 : memref<10000x64xf32, #tpu.memory_space<vmem_shared>>)
        tpu.yield
      }) : () -> ()
      %mul3A_128 = arith.constant 5 : i32
      %mul3A_129 = arith.muli %mul3A_128, %scan3A_75 : i32
      %add3A_130 = arith.constant 2 : i32
      %add3A_131 = arith.addi %mul3A_129, %add3A_130 : i32
      %dma_wait3A_132 = arith.constant 2 : i32
      %dma_wait3A_133 = arith.constant 0 : i32
      %dma_wait3A_134 = arith.constant 0 : i32
      %dma_wait3A_135 = tpu.memref_slice %arg9[%dma_wait3A_132, %dma_wait3A_133, %dma_wait3A_134] : memref<5x80x64xf32, #tpu.memory_space<vmem>> -> memref<1x80x64xf32, #tpu.memory_space<vmem>>
      %dma_wait3A_136 = tpu.memref_squeeze %dma_wait3A_135 : memref<1x80x64xf32, #tpu.memory_space<vmem>> -> memref<80x64xf32, #tpu.memory_space<vmem>>
      %dma_wait3A_137 = arith.constant 0 : i32
      %dma_wait3A_138 = tpu.memref_slice %arg7[%add3A_131, %dma_wait3A_137] : memref<250x80xi32, #tpu.memory_space<vmem>> -> memref<1x80xi32, #tpu.memory_space<vmem>>
      %dma_wait3A_139 = tpu.memref_squeeze %dma_wait3A_138 : memref<1x80xi32, #tpu.memory_space<vmem>> -> memref<80xi32, #tpu.memory_space<vmem>>
      %dma_wait3A_140 = arith.constant 0 : i32
      %dma_wait3A_141 = arith.constant 0 : i32
      %dma_wait3A_142 = tpu.memref_slice %arg2[%arg0, %dma_wait3A_140, %dma_wait3A_141] : memref<2x10000x64xf32, #tpu.memory_space<hbm>> -> memref<1x10000x64xf32, #tpu.memory_space<hbm>>
      %dma_wait3A_143 = tpu.memref_squeeze %dma_wait3A_142 : memref<1x10000x64xf32, #tpu.memory_space<hbm>> -> memref<10000x64xf32, #tpu.memory_space<hbm>>
      %dma_wait3A_144 = arith.constant 0 : i32
      %dma_wait3A_145 = arith.constant 0 : i32
      %dma_wait3A_146 = tpu.memref_slice %dma_wait3A_143[%dma_wait3A_144, %dma_wait3A_145] : memref<10000x64xf32, #tpu.memory_space<hbm>> -> memref<10000x64xf32, #tpu.memory_space<hbm>>
      tpu.wait_indirect_dma semaphore(%arg13 : memref<!tpu.dma_semaphore, #tpu.memory_space<semaphore_mem>>) src(%dma_wait3A_146 : memref<10000x64xf32, #tpu.memory_space<hbm>>) dst(%dma_wait3A_136 : memref<80x64xf32, #tpu.memory_space<vmem>>)
      %add3A_147 = arith.constant 5 : i32
      %add3A_148 = arith.addi %add3A_131, %add3A_147 : i32
      %sub3A_149 = arith.constant 1 : i32
      %sub3A_150 = arith.subi %add3A_148, %sub3A_149 : i32
      %lt3A_151 = arith.constant 250 : i32
      %lt3A_152 = arith.cmpi slt, %sub3A_150, %lt3A_151 : i32
      %convert_element_type3A_153 = arith.extui %lt3A_152 : i1 to i32
      %cond3A_154 = arith.constant 0 : i32
      %cond3A_155 = arith.cmpi ne, %convert_element_type3A_153, %cond3A_154 : i32
      scf.if %cond3A_155 {
        %add3A_215 = arith.constant 5 : i32
        %add3A_216 = arith.addi %add3A_131, %add3A_215 : i32
        %sub3A_217 = arith.constant 1 : i32
        %sub3A_218 = arith.subi %add3A_216, %sub3A_217 : i32
        %dma_start3A_219 = arith.constant 1 : i32
        %dma_start3A_220 = arith.constant 0 : i32
        %dma_start3A_221 = arith.constant 0 : i32
        %dma_start3A_222 = tpu.memref_slice %arg9[%dma_start3A_219, %dma_start3A_220, %dma_start3A_221] : memref<5x80x64xf32, #tpu.memory_space<vmem>> -> memref<1x80x64xf32, #tpu.memory_space<vmem>>
        %dma_start3A_223 = tpu.memref_squeeze %dma_start3A_222 : memref<1x80x64xf32, #tpu.memory_space<vmem>> -> memref<80x64xf32, #tpu.memory_space<vmem>>
        %dma_start3A_224 = arith.constant 0 : i32
        %dma_start3A_225 = tpu.memref_slice %arg7[%sub3A_218, %dma_start3A_224] : memref<250x80xi32, #tpu.memory_space<vmem>> -> memref<1x80xi32, #tpu.memory_space<vmem>>
        %dma_start3A_226 = tpu.memref_squeeze %dma_start3A_225 : memref<1x80xi32, #tpu.memory_space<vmem>> -> memref<80xi32, #tpu.memory_space<vmem>>
        %dma_start3A_227 = arith.constant 0 : i32
        %dma_start3A_228 = arith.constant 0 : i32
        %dma_start3A_229 = tpu.memref_slice %arg2[%arg0, %dma_start3A_227, %dma_start3A_228] : memref<2x10000x64xf32, #tpu.memory_space<hbm>> -> memref<1x10000x64xf32, #tpu.memory_space<hbm>>
        %dma_start3A_230 = tpu.memref_squeeze %dma_start3A_229 : memref<1x10000x64xf32, #tpu.memory_space<hbm>> -> memref<10000x64xf32, #tpu.memory_space<hbm>>
        %dma_start3A_231 = arith.constant 0 : i32
        %dma_start3A_232 = arith.constant 0 : i32
        %dma_start3A_233 = tpu.memref_slice %dma_start3A_230[%dma_start3A_231, %dma_start3A_232] : memref<10000x64xf32, #tpu.memory_space<hbm>> -> memref<10000x64xf32, #tpu.memory_space<hbm>>
        tpu.enqueue_indirect_dma source(%dma_start3A_233 : memref<10000x64xf32, #tpu.memory_space<hbm>>) target(%dma_start3A_223 : memref<80x64xf32, #tpu.memory_space<vmem>>) offsets(%dma_start3A_226 : memref<80xi32, #tpu.memory_space<vmem>>) semaphore(%arg12 : memref<!tpu.dma_semaphore, #tpu.memory_space<semaphore_mem>>)
      } else {
      }
      %run_scoped3A_156 = arith.constant 2 : i32
      "tpu.region"() ({
        %run_scoped3A_215 = tpu.sem_alloc : memref<!tpu.dma_semaphore, #tpu.memory_space<semaphore_mem>>
        %dma_start3A_216 = arith.constant 0 : i32
        %dma_start3A_217 = arith.constant 0 : i32
        %dma_start3A_218 = tpu.memref_slice %arg9[%run_scoped3A_156, %dma_start3A_216, %dma_start3A_217] : memref<5x80x64xf32, #tpu.memory_space<vmem>> -> memref<1x80x64xf32, #tpu.memory_space<vmem>>
        %dma_start3A_219 = tpu.memref_squeeze %dma_start3A_218 : memref<1x80x64xf32, #tpu.memory_space<vmem>> -> memref<80x64xf32, #tpu.memory_space<vmem>>
        %dma_start3A_220 = arith.constant 0 : i32
        %dma_start3A_221 = tpu.memref_slice %arg8[%add3A_131, %dma_start3A_220] : memref<250x80xi32, #tpu.memory_space<vmem>> -> memref<1x80xi32, #tpu.memory_space<vmem>>
        %dma_start3A_222 = tpu.memref_squeeze %dma_start3A_221 : memref<1x80xi32, #tpu.memory_space<vmem>> -> memref<80xi32, #tpu.memory_space<vmem>>
        %dma_start3A_223 = arith.constant 0 : i32
        %dma_start3A_224 = arith.constant 0 : i32
        %dma_start3A_225 = tpu.memref_slice %arg10[%dma_start3A_223, %dma_start3A_224] : memref<10000x64xf32, #tpu.memory_space<vmem_shared>> -> memref<10000x64xf32, #tpu.memory_space<vmem_shared>>
        tpu.enqueue_indirect_dma source(%dma_start3A_219 : memref<80x64xf32, #tpu.memory_space<vmem>>) target(%dma_start3A_225 : memref<10000x64xf32, #tpu.memory_space<vmem_shared>>) offsets(%dma_start3A_222 : memref<80xi32, #tpu.memory_space<vmem>>) semaphore(%run_scoped3A_215 : memref<!tpu.dma_semaphore, #tpu.memory_space<semaphore_mem>>) {add = true}
        %dma_wait3A_226 = arith.constant 0 : i32
        %dma_wait3A_227 = arith.constant 0 : i32
        %dma_wait3A_228 = tpu.memref_slice %arg9[%run_scoped3A_156, %dma_wait3A_226, %dma_wait3A_227] : memref<5x80x64xf32, #tpu.memory_space<vmem>> -> memref<1x80x64xf32, #tpu.memory_space<vmem>>
        %dma_wait3A_229 = tpu.memref_squeeze %dma_wait3A_228 : memref<1x80x64xf32, #tpu.memory_space<vmem>> -> memref<80x64xf32, #tpu.memory_space<vmem>>
        %dma_wait3A_230 = arith.constant 0 : i32
        %dma_wait3A_231 = tpu.memref_slice %arg8[%add3A_131, %dma_wait3A_230] : memref<250x80xi32, #tpu.memory_space<vmem>> -> memref<1x80xi32, #tpu.memory_space<vmem>>
        %dma_wait3A_232 = tpu.memref_squeeze %dma_wait3A_231 : memref<1x80xi32, #tpu.memory_space<vmem>> -> memref<80xi32, #tpu.memory_space<vmem>>
        %dma_wait3A_233 = arith.constant 0 : i32
        %dma_wait3A_234 = arith.constant 0 : i32
        %dma_wait3A_235 = tpu.memref_slice %arg10[%dma_wait3A_233, %dma_wait3A_234] : memref<10000x64xf32, #tpu.memory_space<vmem_shared>> -> memref<10000x64xf32, #tpu.memory_space<vmem_shared>>
        tpu.wait_indirect_dma semaphore(%run_scoped3A_215 : memref<!tpu.dma_semaphore, #tpu.memory_space<semaphore_mem>>) src(%dma_wait3A_229 : memref<80x64xf32, #tpu.memory_space<vmem>>) dst(%dma_wait3A_235 : memref<10000x64xf32, #tpu.memory_space<vmem_shared>>)
        tpu.yield
      }) : () -> ()
      %mul3A_157 = arith.constant 5 : i32
      %mul3A_158 = arith.muli %mul3A_157, %scan3A_75 : i32
      %add3A_159 = arith.constant 3 : i32
      %add3A_160 = arith.addi %mul3A_158, %add3A_159 : i32
      %dma_wait3A_161 = arith.constant 3 : i32
      %dma_wait3A_162 = arith.constant 0 : i32
      %dma_wait3A_163 = arith.constant 0 : i32
      %dma_wait3A_164 = tpu.memref_slice %arg9[%dma_wait3A_161, %dma_wait3A_162, %dma_wait3A_163] : memref<5x80x64xf32, #tpu.memory_space<vmem>> -> memref<1x80x64xf32, #tpu.memory_space<vmem>>
      %dma_wait3A_165 = tpu.memref_squeeze %dma_wait3A_164 : memref<1x80x64xf32, #tpu.memory_space<vmem>> -> memref<80x64xf32, #tpu.memory_space<vmem>>
      %dma_wait3A_166 = arith.constant 0 : i32
      %dma_wait3A_167 = tpu.memref_slice %arg7[%add3A_160, %dma_wait3A_166] : memref<250x80xi32, #tpu.memory_space<vmem>> -> memref<1x80xi32, #tpu.memory_space<vmem>>
      %dma_wait3A_168 = tpu.memref_squeeze %dma_wait3A_167 : memref<1x80xi32, #tpu.memory_space<vmem>> -> memref<80xi32, #tpu.memory_space<vmem>>
      %dma_wait3A_169 = arith.constant 0 : i32
      %dma_wait3A_170 = arith.constant 0 : i32
      %dma_wait3A_171 = tpu.memref_slice %arg2[%arg0, %dma_wait3A_169, %dma_wait3A_170] : memref<2x10000x64xf32, #tpu.memory_space<hbm>> -> memref<1x10000x64xf32, #tpu.memory_space<hbm>>
      %dma_wait3A_172 = tpu.memref_squeeze %dma_wait3A_171 : memref<1x10000x64xf32, #tpu.memory_space<hbm>> -> memref<10000x64xf32, #tpu.memory_space<hbm>>
      %dma_wait3A_173 = arith.constant 0 : i32
      %dma_wait3A_174 = arith.constant 0 : i32
      %dma_wait3A_175 = tpu.memref_slice %dma_wait3A_172[%dma_wait3A_173, %dma_wait3A_174] : memref<10000x64xf32, #tpu.memory_space<hbm>> -> memref<10000x64xf32, #tpu.memory_space<hbm>>
      tpu.wait_indirect_dma semaphore(%arg14 : memref<!tpu.dma_semaphore, #tpu.memory_space<semaphore_mem>>) src(%dma_wait3A_175 : memref<10000x64xf32, #tpu.memory_space<hbm>>) dst(%dma_wait3A_165 : memref<80x64xf32, #tpu.memory_space<vmem>>)
      %add3A_176 = arith.constant 5 : i32
      %add3A_177 = arith.addi %add3A_160, %add3A_176 : i32
      %sub3A_178 = arith.constant 1 : i32
      %sub3A_179 = arith.subi %add3A_177, %sub3A_178 : i32
      %lt3A_180 = arith.constant 250 : i32
      %lt3A_181 = arith.cmpi slt, %sub3A_179, %lt3A_180 : i32
      %convert_element_type3A_182 = arith.extui %lt3A_181 : i1 to i32
      %cond3A_183 = arith.constant 0 : i32
      %cond3A_184 = arith.cmpi ne, %convert_element_type3A_182, %cond3A_183 : i32
      scf.if %cond3A_184 {
        %add3A_215 = arith.constant 5 : i32
        %add3A_216 = arith.addi %add3A_160, %add3A_215 : i32
        %sub3A_217 = arith.constant 1 : i32
        %sub3A_218 = arith.subi %add3A_216, %sub3A_217 : i32
        %dma_start3A_219 = arith.constant 2 : i32
        %dma_start3A_220 = arith.constant 0 : i32
        %dma_start3A_221 = arith.constant 0 : i32
        %dma_start3A_222 = tpu.memref_slice %arg9[%dma_start3A_219, %dma_start3A_220, %dma_start3A_221] : memref<5x80x64xf32, #tpu.memory_space<vmem>> -> memref<1x80x64xf32, #tpu.memory_space<vmem>>
        %dma_start3A_223 = tpu.memref_squeeze %dma_start3A_222 : memref<1x80x64xf32, #tpu.memory_space<vmem>> -> memref<80x64xf32, #tpu.memory_space<vmem>>
        %dma_start3A_224 = arith.constant 0 : i32
        %dma_start3A_225 = tpu.memref_slice %arg7[%sub3A_218, %dma_start3A_224] : memref<250x80xi32, #tpu.memory_space<vmem>> -> memref<1x80xi32, #tpu.memory_space<vmem>>
        %dma_start3A_226 = tpu.memref_squeeze %dma_start3A_225 : memref<1x80xi32, #tpu.memory_space<vmem>> -> memref<80xi32, #tpu.memory_space<vmem>>
        %dma_start3A_227 = arith.constant 0 : i32
        %dma_start3A_228 = arith.constant 0 : i32
        %dma_start3A_229 = tpu.memref_slice %arg2[%arg0, %dma_start3A_227, %dma_start3A_228] : memref<2x10000x64xf32, #tpu.memory_space<hbm>> -> memref<1x10000x64xf32, #tpu.memory_space<hbm>>
        %dma_start3A_230 = tpu.memref_squeeze %dma_start3A_229 : memref<1x10000x64xf32, #tpu.memory_space<hbm>> -> memref<10000x64xf32, #tpu.memory_space<hbm>>
        %dma_start3A_231 = arith.constant 0 : i32
        %dma_start3A_232 = arith.constant 0 : i32
        %dma_start3A_233 = tpu.memref_slice %dma_start3A_230[%dma_start3A_231, %dma_start3A_232] : memref<10000x64xf32, #tpu.memory_space<hbm>> -> memref<10000x64xf32, #tpu.memory_space<hbm>>
        tpu.enqueue_indirect_dma source(%dma_start3A_233 : memref<10000x64xf32, #tpu.memory_space<hbm>>) target(%dma_start3A_223 : memref<80x64xf32, #tpu.memory_space<vmem>>) offsets(%dma_start3A_226 : memref<80xi32, #tpu.memory_space<vmem>>) semaphore(%arg13 : memref<!tpu.dma_semaphore, #tpu.memory_space<semaphore_mem>>)
      } else {
      }
      %run_scoped3A_185 = arith.constant 3 : i32
      "tpu.region"() ({
        %run_scoped3A_215 = tpu.sem_alloc : memref<!tpu.dma_semaphore, #tpu.memory_space<semaphore_mem>>
        %dma_start3A_216 = arith.constant 0 : i32
        %dma_start3A_217 = arith.constant 0 : i32
        %dma_start3A_218 = tpu.memref_slice %arg9[%run_scoped3A_185, %dma_start3A_216, %dma_start3A_217] : memref<5x80x64xf32, #tpu.memory_space<vmem>> -> memref<1x80x64xf32, #tpu.memory_space<vmem>>
        %dma_start3A_219 = tpu.memref_squeeze %dma_start3A_218 : memref<1x80x64xf32, #tpu.memory_space<vmem>> -> memref<80x64xf32, #tpu.memory_space<vmem>>
        %dma_start3A_220 = arith.constant 0 : i32
        %dma_start3A_221 = tpu.memref_slice %arg8[%add3A_160, %dma_start3A_220] : memref<250x80xi32, #tpu.memory_space<vmem>> -> memref<1x80xi32, #tpu.memory_space<vmem>>
        %dma_start3A_222 = tpu.memref_squeeze %dma_start3A_221 : memref<1x80xi32, #tpu.memory_space<vmem>> -> memref<80xi32, #tpu.memory_space<vmem>>
        %dma_start3A_223 = arith.constant 0 : i32
        %dma_start3A_224 = arith.constant 0 : i32
        %dma_start3A_225 = tpu.memref_slice %arg10[%dma_start3A_223, %dma_start3A_224] : memref<10000x64xf32, #tpu.memory_space<vmem_shared>> -> memref<10000x64xf32, #tpu.memory_space<vmem_shared>>
        tpu.enqueue_indirect_dma source(%dma_start3A_219 : memref<80x64xf32, #tpu.memory_space<vmem>>) target(%dma_start3A_225 : memref<10000x64xf32, #tpu.memory_space<vmem_shared>>) offsets(%dma_start3A_222 : memref<80xi32, #tpu.memory_space<vmem>>) semaphore(%run_scoped3A_215 : memref<!tpu.dma_semaphore, #tpu.memory_space<semaphore_mem>>) {add = true}
        %dma_wait3A_226 = arith.constant 0 : i32
        %dma_wait3A_227 = arith.constant 0 : i32
        %dma_wait3A_228 = tpu.memref_slice %arg9[%run_scoped3A_185, %dma_wait3A_226, %dma_wait3A_227] : memref<5x80x64xf32, #tpu.memory_space<vmem>> -> memref<1x80x64xf32, #tpu.memory_space<vmem>>
        %dma_wait3A_229 = tpu.memref_squeeze %dma_wait3A_228 : memref<1x80x64xf32, #tpu.memory_space<vmem>> -> memref<80x64xf32, #tpu.memory_space<vmem>>
        %dma_wait3A_230 = arith.constant 0 : i32
        %dma_wait3A_231 = tpu.memref_slice %arg8[%add3A_160, %dma_wait3A_230] : memref<250x80xi32, #tpu.memory_space<vmem>> -> memref<1x80xi32, #tpu.memory_space<vmem>>
        %dma_wait3A_232 = tpu.memref_squeeze %dma_wait3A_231 : memref<1x80xi32, #tpu.memory_space<vmem>> -> memref<80xi32, #tpu.memory_space<vmem>>
        %dma_wait3A_233 = arith.constant 0 : i32
        %dma_wait3A_234 = arith.constant 0 : i32
        %dma_wait3A_235 = tpu.memref_slice %arg10[%dma_wait3A_233, %dma_wait3A_234] : memref<10000x64xf32, #tpu.memory_space<vmem_shared>> -> memref<10000x64xf32, #tpu.memory_space<vmem_shared>>
        tpu.wait_indirect_dma semaphore(%run_scoped3A_215 : memref<!tpu.dma_semaphore, #tpu.memory_space<semaphore_mem>>) src(%dma_wait3A_229 : memref<80x64xf32, #tpu.memory_space<vmem>>) dst(%dma_wait3A_235 : memref<10000x64xf32, #tpu.memory_space<vmem_shared>>)
        tpu.yield
      }) : () -> ()
      %mul3A_186 = arith.constant 5 : i32
      %mul3A_187 = arith.muli %mul3A_186, %scan3A_75 : i32
      %add3A_188 = arith.constant 4 : i32
      %add3A_189 = arith.addi %mul3A_187, %add3A_188 : i32
      %dma_wait3A_190 = arith.constant 4 : i32
      %dma_wait3A_191 = arith.constant 0 : i32
      %dma_wait3A_192 = arith.constant 0 : i32
      %dma_wait3A_193 = tpu.memref_slice %arg9[%dma_wait3A_190, %dma_wait3A_191, %dma_wait3A_192] : memref<5x80x64xf32, #tpu.memory_space<vmem>> -> memref<1x80x64xf32, #tpu.memory_space<vmem>>
      %dma_wait3A_194 = tpu.memref_squeeze %dma_wait3A_193 : memref<1x80x64xf32, #tpu.memory_space<vmem>> -> memref<80x64xf32, #tpu.memory_space<vmem>>
      %dma_wait3A_195 = arith.constant 0 : i32
      %dma_wait3A_196 = tpu.memref_slice %arg7[%add3A_189, %dma_wait3A_195] : memref<250x80xi32, #tpu.memory_space<vmem>> -> memref<1x80xi32, #tpu.memory_space<vmem>>
      %dma_wait3A_197 = tpu.memref_squeeze %dma_wait3A_196 : memref<1x80xi32, #tpu.memory_space<vmem>> -> memref<80xi32, #tpu.memory_space<vmem>>
      %dma_wait3A_198 = arith.constant 0 : i32
      %dma_wait3A_199 = arith.constant 0 : i32
      %dma_wait3A_200 = tpu.memref_slice %arg2[%arg0, %dma_wait3A_198, %dma_wait3A_199] : memref<2x10000x64xf32, #tpu.memory_space<hbm>> -> memref<1x10000x64xf32, #tpu.memory_space<hbm>>
      %dma_wait3A_201 = tpu.memref_squeeze %dma_wait3A_200 : memref<1x10000x64xf32, #tpu.memory_space<hbm>> -> memref<10000x64xf32, #tpu.memory_space<hbm>>
      %dma_wait3A_202 = arith.constant 0 : i32
      %dma_wait3A_203 = arith.constant 0 : i32
      %dma_wait3A_204 = tpu.memref_slice %dma_wait3A_201[%dma_wait3A_202, %dma_wait3A_203] : memref<10000x64xf32, #tpu.memory_space<hbm>> -> memref<10000x64xf32, #tpu.memory_space<hbm>>
      tpu.wait_indirect_dma semaphore(%arg15 : memref<!tpu.dma_semaphore, #tpu.memory_space<semaphore_mem>>) src(%dma_wait3A_204 : memref<10000x64xf32, #tpu.memory_space<hbm>>) dst(%dma_wait3A_194 : memref<80x64xf32, #tpu.memory_space<vmem>>)
      %add3A_205 = arith.constant 5 : i32
      %add3A_206 = arith.addi %add3A_189, %add3A_205 : i32
      %sub3A_207 = arith.constant 1 : i32
      %sub3A_208 = arith.subi %add3A_206, %sub3A_207 : i32
      %lt3A_209 = arith.constant 250 : i32
      %lt3A_210 = arith.cmpi slt, %sub3A_208, %lt3A_209 : i32
      %convert_element_type3A_211 = arith.extui %lt3A_210 : i1 to i32
      %cond3A_212 = arith.constant 0 : i32
      %cond3A_213 = arith.cmpi ne, %convert_element_type3A_211, %cond3A_212 : i32
      scf.if %cond3A_213 {
        %add3A_215 = arith.constant 5 : i32
        %add3A_216 = arith.addi %add3A_189, %add3A_215 : i32
        %sub3A_217 = arith.constant 1 : i32
        %sub3A_218 = arith.subi %add3A_216, %sub3A_217 : i32
        %dma_start3A_219 = arith.constant 3 : i32
        %dma_start3A_220 = arith.constant 0 : i32
        %dma_start3A_221 = arith.constant 0 : i32
        %dma_start3A_222 = tpu.memref_slice %arg9[%dma_start3A_219, %dma_start3A_220, %dma_start3A_221] : memref<5x80x64xf32, #tpu.memory_space<vmem>> -> memref<1x80x64xf32, #tpu.memory_space<vmem>>
        %dma_start3A_223 = tpu.memref_squeeze %dma_start3A_222 : memref<1x80x64xf32, #tpu.memory_space<vmem>> -> memref<80x64xf32, #tpu.memory_space<vmem>>
        %dma_start3A_224 = arith.constant 0 : i32
        %dma_start3A_225 = tpu.memref_slice %arg7[%sub3A_218, %dma_start3A_224] : memref<250x80xi32, #tpu.memory_space<vmem>> -> memref<1x80xi32, #tpu.memory_space<vmem>>
        %dma_start3A_226 = tpu.memref_squeeze %dma_start3A_225 : memref<1x80xi32, #tpu.memory_space<vmem>> -> memref<80xi32, #tpu.memory_space<vmem>>
        %dma_start3A_227 = arith.constant 0 : i32
        %dma_start3A_228 = arith.constant 0 : i32
        %dma_start3A_229 = tpu.memref_slice %arg2[%arg0, %dma_start3A_227, %dma_start3A_228] : memref<2x10000x64xf32, #tpu.memory_space<hbm>> -> memref<1x10000x64xf32, #tpu.memory_space<hbm>>
        %dma_start3A_230 = tpu.memref_squeeze %dma_start3A_229 : memref<1x10000x64xf32, #tpu.memory_space<hbm>> -> memref<10000x64xf32, #tpu.memory_space<hbm>>
        %dma_start3A_231 = arith.constant 0 : i32
        %dma_start3A_232 = arith.constant 0 : i32
        %dma_start3A_233 = tpu.memref_slice %dma_start3A_230[%dma_start3A_231, %dma_start3A_232] : memref<10000x64xf32, #tpu.memory_space<hbm>> -> memref<10000x64xf32, #tpu.memory_space<hbm>>
        tpu.enqueue_indirect_dma source(%dma_start3A_233 : memref<10000x64xf32, #tpu.memory_space<hbm>>) target(%dma_start3A_223 : memref<80x64xf32, #tpu.memory_space<vmem>>) offsets(%dma_start3A_226 : memref<80xi32, #tpu.memory_space<vmem>>) semaphore(%arg14 : memref<!tpu.dma_semaphore, #tpu.memory_space<semaphore_mem>>)
      } else {
      }
      %run_scoped3A_214 = arith.constant 4 : i32
      "tpu.region"() ({
        %run_scoped3A_215 = tpu.sem_alloc : memref<!tpu.dma_semaphore, #tpu.memory_space<semaphore_mem>>
        %dma_start3A_216 = arith.constant 0 : i32
        %dma_start3A_217 = arith.constant 0 : i32
        %dma_start3A_218 = tpu.memref_slice %arg9[%run_scoped3A_214, %dma_start3A_216, %dma_start3A_217] : memref<5x80x64xf32, #tpu.memory_space<vmem>> -> memref<1x80x64xf32, #tpu.memory_space<vmem>>
        %dma_start3A_219 = tpu.memref_squeeze %dma_start3A_218 : memref<1x80x64xf32, #tpu.memory_space<vmem>> -> memref<80x64xf32, #tpu.memory_space<vmem>>
        %dma_start3A_220 = arith.constant 0 : i32
        %dma_start3A_221 = tpu.memref_slice %arg8[%add3A_189, %dma_start3A_220] : memref<250x80xi32, #tpu.memory_space<vmem>> -> memref<1x80xi32, #tpu.memory_space<vmem>>
        %dma_start3A_222 = tpu.memref_squeeze %dma_start3A_221 : memref<1x80xi32, #tpu.memory_space<vmem>> -> memref<80xi32, #tpu.memory_space<vmem>>
        %dma_start3A_223 = arith.constant 0 : i32
        %dma_start3A_224 = arith.constant 0 : i32
        %dma_start3A_225 = tpu.memref_slice %arg10[%dma_start3A_223, %dma_start3A_224] : memref<10000x64xf32, #tpu.memory_space<vmem_shared>> -> memref<10000x64xf32, #tpu.memory_space<vmem_shared>>
        tpu.enqueue_indirect_dma source(%dma_start3A_219 : memref<80x64xf32, #tpu.memory_space<vmem>>) target(%dma_start3A_225 : memref<10000x64xf32, #tpu.memory_space<vmem_shared>>) offsets(%dma_start3A_222 : memref<80xi32, #tpu.memory_space<vmem>>) semaphore(%run_scoped3A_215 : memref<!tpu.dma_semaphore, #tpu.memory_space<semaphore_mem>>) {add = true}
        %dma_wait3A_226 = arith.constant 0 : i32
        %dma_wait3A_227 = arith.constant 0 : i32
        %dma_wait3A_228 = tpu.memref_slice %arg9[%run_scoped3A_214, %dma_wait3A_226, %dma_wait3A_227] : memref<5x80x64xf32, #tpu.memory_space<vmem>> -> memref<1x80x64xf32, #tpu.memory_space<vmem>>
        %dma_wait3A_229 = tpu.memref_squeeze %dma_wait3A_228 : memref<1x80x64xf32, #tpu.memory_space<vmem>> -> memref<80x64xf32, #tpu.memory_space<vmem>>
        %dma_wait3A_230 = arith.constant 0 : i32
        %dma_wait3A_231 = tpu.memref_slice %arg8[%add3A_189, %dma_wait3A_230] : memref<250x80xi32, #tpu.memory_space<vmem>> -> memref<1x80xi32, #tpu.memory_space<vmem>>
        %dma_wait3A_232 = tpu.memref_squeeze %dma_wait3A_231 : memref<1x80xi32, #tpu.memory_space<vmem>> -> memref<80xi32, #tpu.memory_space<vmem>>
        %dma_wait3A_233 = arith.constant 0 : i32
        %dma_wait3A_234 = arith.constant 0 : i32
        %dma_wait3A_235 = tpu.memref_slice %arg10[%dma_wait3A_233, %dma_wait3A_234] : memref<10000x64xf32, #tpu.memory_space<vmem_shared>> -> memref<10000x64xf32, #tpu.memory_space<vmem_shared>>
        tpu.wait_indirect_dma semaphore(%run_scoped3A_215 : memref<!tpu.dma_semaphore, #tpu.memory_space<semaphore_mem>>) src(%dma_wait3A_229 : memref<80x64xf32, #tpu.memory_space<vmem>>) dst(%dma_wait3A_235 : memref<10000x64xf32, #tpu.memory_space<vmem_shared>>)
        tpu.yield
      }) : () -> ()
    }
    %scan3A_68 = arith.constant 50 : i32
    %barrier3A_69 = arith.constant 0 : index
    tpu.barrier barrier_id(%barrier3A_69)
    %eq3A_70 = arith.constant 0 : i32
    %eq3A_71 = arith.cmpi eq, %arg1, %eq3A_70 : i32
    %convert_element_type3A_72 = arith.extui %eq3A_71 : i1 to i32
    %cond3A_73 = arith.constant 0 : i32
    %cond3A_74 = arith.cmpi ne, %convert_element_type3A_72, %cond3A_73 : i32
    scf.if %cond3A_74 {
      "tpu.region"() ({
        %run_scoped3A = tpu.sem_alloc : memref<!tpu.dma_semaphore, #tpu.memory_space<semaphore_mem>>
        %dma_start3A_75 = arith.constant 0 : i32
        %dma_start3A_76 = arith.constant 0 : i32
        %dma_start3A_77 = tpu.memref_slice %arg6[%arg0, %dma_start3A_75, %dma_start3A_76] : memref<2x10000x64xf32, #tpu.memory_space<hbm>> -> memref<1x10000x64xf32, #tpu.memory_space<hbm>>
        %dma_start3A_78 = tpu.memref_squeeze %dma_start3A_77 : memref<1x10000x64xf32, #tpu.memory_space<hbm>> -> memref<10000x64xf32, #tpu.memory_space<hbm>>
        tpu.enqueue_dma source(%arg10 : memref<10000x64xf32, #tpu.memory_space<vmem_shared>>) target(%dma_start3A_78 : memref<10000x64xf32, #tpu.memory_space<hbm>>) target_semaphore(%run_scoped3A : memref<!tpu.dma_semaphore, #tpu.memory_space<semaphore_mem>>)
        %dma_wait3A = arith.constant 0 : i32
        %dma_wait3A_79 = arith.constant 0 : i32
        %dma_wait3A_80 = tpu.memref_slice %arg6[%arg0, %dma_wait3A, %dma_wait3A_79] : memref<2x10000x64xf32, #tpu.memory_space<hbm>> -> memref<1x10000x64xf32, #tpu.memory_space<hbm>>
        %dma_wait3A_81 = tpu.memref_squeeze %dma_wait3A_80 : memref<1x10000x64xf32, #tpu.memory_space<hbm>> -> memref<10000x64xf32, #tpu.memory_space<hbm>>
        tpu.wait_dma2 semaphore(%run_scoped3A : memref<!tpu.dma_semaphore, #tpu.memory_space<semaphore_mem>>) src(%arg10 : memref<10000x64xf32, #tpu.memory_space<vmem_shared>>) dst(%dma_wait3A_81 : memref<10000x64xf32, #tpu.memory_space<hbm>>)
        tpu.yield
      }) : () -> ()
    } else {
    }
    return
  }
}

#map = affine_map<(d0, d1) -> (0, 0, 0)>
#map1 = affine_map<(d0, d1) -> (0, 0)>
module attributes {stable_mosaic.version = 14 : i64} {
  func.func @_sc_agg_body(%arg0: i32, %arg1: i32, %arg2: memref<2x10000x64xf32, #tpu.memory_space<hbm>>, %arg3: memref<16x250x80xi32, #tpu.memory_space<hbm>>, %arg4: memref<16x250x80xi32, #tpu.memory_space<hbm>>, %arg5: memref<10000x64xf32, #tpu.memory_space<hbm>>, %arg6: memref<2x10000x64xf32, #tpu.memory_space<hbm>>, %arg7: memref<250x80xi32, #tpu.memory_space<vmem>>, %arg8: memref<250x80xi32, #tpu.memory_space<vmem>>, %arg9: memref<5x80x64xf32, #tpu.memory_space<vmem>>, %arg10: memref<10000x64xf32, #tpu.memory_space<vmem_shared>>, %arg11: memref<!tpu.dma_semaphore, #tpu.memory_space<semaphore_mem>>, %arg12: memref<!tpu.dma_semaphore, #tpu.memory_space<semaphore_mem>>, %arg13: memref<!tpu.dma_semaphore, #tpu.memory_space<semaphore_mem>>, %arg14: memref<!tpu.dma_semaphore, #tpu.memory_space<semaphore_mem>>, %arg15: memref<!tpu.dma_semaphore, #tpu.memory_space<semaphore_mem>>) attributes {dimension_semantics = [#tpu.dimension_semantics<core_parallel>, #tpu.dimension_semantics<subcore_parallel>], iteration_bounds = array<i64: 2, 16>, scalar_prefetch = 0 : i64, scratch_operands = 9 : i64, tpu.core_type = #tpu.core_type<sc_vector_subcore>, window_params = [{transform_indices = #map}, {transform_indices = #map}, {transform_indices = #map}, {transform_indices = #map1}, {transform_indices = #map}]} {
    %eq3A = arith.constant 0 : i32
    %eq3A_0 = arith.cmpi eq, %arg1, %eq3A : i32
    %convert_element_type3A = arith.extui %eq3A_0 : i1 to i32
    %cond3A = arith.constant 0 : i32
    %cond3A_1 = arith.cmpi ne, %convert_element_type3A, %cond3A : i32
    scf.if %cond3A_1 {
      "tpu.region"() ({
        %run_scoped3A = tpu.sem_alloc : memref<!tpu.dma_semaphore, #tpu.memory_space<semaphore_mem>>
        tpu.enqueue_dma source(%arg5 : memref<10000x64xf32, #tpu.memory_space<hbm>>) target(%arg10 : memref<10000x64xf32, #tpu.memory_space<vmem_shared>>) target_semaphore(%run_scoped3A : memref<!tpu.dma_semaphore, #tpu.memory_space<semaphore_mem>>)
        tpu.wait_dma2 semaphore(%run_scoped3A : memref<!tpu.dma_semaphore, #tpu.memory_space<semaphore_mem>>) src(%arg5 : memref<10000x64xf32, #tpu.memory_space<hbm>>) dst(%arg10 : memref<10000x64xf32, #tpu.memory_space<vmem_shared>>)
        tpu.yield
      }) : () -> ()
    } else {
    }
    "tpu.region"() ({
      %run_scoped3A = tpu.sem_alloc : memref<!tpu.dma_semaphore, #tpu.memory_space<semaphore_mem>>
      %dma_start3A_75 = arith.constant 0 : i32
      %dma_start3A_76 = arith.constant 0 : i32
      %dma_start3A_77 = tpu.memref_slice %arg3[%arg1, %dma_start3A_75, %dma_start3A_76] : memref<16x250x80xi32, #tpu.memory_space<hbm>> -> memref<1x250x80xi32, #tpu.memory_space<hbm>>
      %dma_start3A_78 = tpu.memref_squeeze %dma_start3A_77 : memref<1x250x80xi32, #tpu.memory_space<hbm>> -> memref<250x80xi32, #tpu.memory_space<hbm>>
      %dma_start3A_79 = arith.constant 0 : i32
      %dma_start3A_80 = arith.constant 0 : i32
      %dma_start3A_81 = tpu.memref_slice %arg3[%arg1, %dma_start3A_79, %dma_start3A_80] : memref<16x250x80xi32, #tpu.memory_space<hbm>> -> memref<1x250x80xi32, #tpu.memory_space<hbm>>
      %dma_start3A_82 = tpu.memref_squeeze %dma_start3A_81 : memref<1x250x80xi32, #tpu.memory_space<hbm>> -> memref<250x80xi32, #tpu.memory_space<hbm>>
      tpu.enqueue_dma source(%dma_start3A_82 : memref<250x80xi32, #tpu.memory_space<hbm>>) target(%arg7 : memref<250x80xi32, #tpu.memory_space<vmem>>) target_semaphore(%run_scoped3A : memref<!tpu.dma_semaphore, #tpu.memory_space<semaphore_mem>>)
      %dma_wait3A = arith.constant 0 : i32
      %dma_wait3A_83 = arith.constant 0 : i32
      %dma_wait3A_84 = tpu.memref_slice %arg3[%arg1, %dma_wait3A, %dma_wait3A_83] : memref<16x250x80xi32, #tpu.memory_space<hbm>> -> memref<1x250x80xi32, #tpu.memory_space<hbm>>
      %dma_wait3A_85 = tpu.memref_squeeze %dma_wait3A_84 : memref<1x250x80xi32, #tpu.memory_space<hbm>> -> memref<250x80xi32, #tpu.memory_space<hbm>>
      %dma_wait3A_86 = arith.constant 0 : i32
      %dma_wait3A_87 = arith.constant 0 : i32
      %dma_wait3A_88 = tpu.memref_slice %arg3[%arg1, %dma_wait3A_86, %dma_wait3A_87] : memref<16x250x80xi32, #tpu.memory_space<hbm>> -> memref<1x250x80xi32, #tpu.memory_space<hbm>>
      %dma_wait3A_89 = tpu.memref_squeeze %dma_wait3A_88 : memref<1x250x80xi32, #tpu.memory_space<hbm>> -> memref<250x80xi32, #tpu.memory_space<hbm>>
      tpu.wait_dma2 semaphore(%run_scoped3A : memref<!tpu.dma_semaphore, #tpu.memory_space<semaphore_mem>>) src(%dma_wait3A_89 : memref<250x80xi32, #tpu.memory_space<hbm>>) dst(%arg7 : memref<250x80xi32, #tpu.memory_space<vmem>>)
      tpu.yield
    }) : () -> ()
    "tpu.region"() ({
      %run_scoped3A = tpu.sem_alloc : memref<!tpu.dma_semaphore, #tpu.memory_space<semaphore_mem>>
      %dma_start3A_75 = arith.constant 0 : i32
      %dma_start3A_76 = arith.constant 0 : i32
      %dma_start3A_77 = tpu.memref_slice %arg4[%arg1, %dma_start3A_75, %dma_start3A_76] : memref<16x250x80xi32, #tpu.memory_space<hbm>> -> memref<1x250x80xi32, #tpu.memory_space<hbm>>
      %dma_start3A_78 = tpu.memref_squeeze %dma_start3A_77 : memref<1x250x80xi32, #tpu.memory_space<hbm>> -> memref<250x80xi32, #tpu.memory_space<hbm>>
      %dma_start3A_79 = arith.constant 0 : i32
      %dma_start3A_80 = arith.constant 0 : i32
      %dma_start3A_81 = tpu.memref_slice %arg4[%arg1, %dma_start3A_79, %dma_start3A_80] : memref<16x250x80xi32, #tpu.memory_space<hbm>> -> memref<1x250x80xi32, #tpu.memory_space<hbm>>
      %dma_start3A_82 = tpu.memref_squeeze %dma_start3A_81 : memref<1x250x80xi32, #tpu.memory_space<hbm>> -> memref<250x80xi32, #tpu.memory_space<hbm>>
      tpu.enqueue_dma source(%dma_start3A_82 : memref<250x80xi32, #tpu.memory_space<hbm>>) target(%arg8 : memref<250x80xi32, #tpu.memory_space<vmem>>) target_semaphore(%run_scoped3A : memref<!tpu.dma_semaphore, #tpu.memory_space<semaphore_mem>>)
      %dma_wait3A = arith.constant 0 : i32
      %dma_wait3A_83 = arith.constant 0 : i32
      %dma_wait3A_84 = tpu.memref_slice %arg4[%arg1, %dma_wait3A, %dma_wait3A_83] : memref<16x250x80xi32, #tpu.memory_space<hbm>> -> memref<1x250x80xi32, #tpu.memory_space<hbm>>
      %dma_wait3A_85 = tpu.memref_squeeze %dma_wait3A_84 : memref<1x250x80xi32, #tpu.memory_space<hbm>> -> memref<250x80xi32, #tpu.memory_space<hbm>>
      %dma_wait3A_86 = arith.constant 0 : i32
      %dma_wait3A_87 = arith.constant 0 : i32
      %dma_wait3A_88 = tpu.memref_slice %arg4[%arg1, %dma_wait3A_86, %dma_wait3A_87] : memref<16x250x80xi32, #tpu.memory_space<hbm>> -> memref<1x250x80xi32, #tpu.memory_space<hbm>>
      %dma_wait3A_89 = tpu.memref_squeeze %dma_wait3A_88 : memref<1x250x80xi32, #tpu.memory_space<hbm>> -> memref<250x80xi32, #tpu.memory_space<hbm>>
      tpu.wait_dma2 semaphore(%run_scoped3A : memref<!tpu.dma_semaphore, #tpu.memory_space<semaphore_mem>>) src(%dma_wait3A_89 : memref<250x80xi32, #tpu.memory_space<hbm>>) dst(%arg8 : memref<250x80xi32, #tpu.memory_space<vmem>>)
      tpu.yield
    }) : () -> ()
    %barrier3A = arith.constant 0 : index
    tpu.barrier barrier_id(%barrier3A)
    %dma_start3A = arith.constant 0 : i32
    %dma_start3A_2 = arith.constant 0 : i32
    %dma_start3A_3 = arith.constant 0 : i32
    %dma_start3A_4 = arith.constant 0 : i32
    %dma_start3A_5 = tpu.memref_slice %arg9[%dma_start3A_2, %dma_start3A_3, %dma_start3A_4] : memref<5x80x64xf32, #tpu.memory_space<vmem>> -> memref<1x80x64xf32, #tpu.memory_space<vmem>>
    %dma_start3A_6 = tpu.memref_squeeze %dma_start3A_5 : memref<1x80x64xf32, #tpu.memory_space<vmem>> -> memref<80x64xf32, #tpu.memory_space<vmem>>
    %dma_start3A_7 = arith.constant 0 : i32
    %dma_start3A_8 = tpu.memref_slice %arg7[%dma_start3A, %dma_start3A_7] : memref<250x80xi32, #tpu.memory_space<vmem>> -> memref<1x80xi32, #tpu.memory_space<vmem>>
    %dma_start3A_9 = tpu.memref_squeeze %dma_start3A_8 : memref<1x80xi32, #tpu.memory_space<vmem>> -> memref<80xi32, #tpu.memory_space<vmem>>
    %dma_start3A_10 = arith.constant 0 : i32
    %dma_start3A_11 = arith.constant 0 : i32
    %dma_start3A_12 = tpu.memref_slice %arg2[%arg0, %dma_start3A_10, %dma_start3A_11] : memref<2x10000x64xf32, #tpu.memory_space<hbm>> -> memref<1x10000x64xf32, #tpu.memory_space<hbm>>
    %dma_start3A_13 = tpu.memref_squeeze %dma_start3A_12 : memref<1x10000x64xf32, #tpu.memory_space<hbm>> -> memref<10000x64xf32, #tpu.memory_space<hbm>>
    %dma_start3A_14 = arith.constant 0 : i32
    %dma_start3A_15 = arith.constant 0 : i32
    %dma_start3A_16 = tpu.memref_slice %dma_start3A_13[%dma_start3A_14, %dma_start3A_15] : memref<10000x64xf32, #tpu.memory_space<hbm>> -> memref<10000x64xf32, #tpu.memory_space<hbm>>
    tpu.enqueue_indirect_dma source(%dma_start3A_16 : memref<10000x64xf32, #tpu.memory_space<hbm>>) target(%dma_start3A_6 : memref<80x64xf32, #tpu.memory_space<vmem>>) offsets(%dma_start3A_9 : memref<80xi32, #tpu.memory_space<vmem>>) semaphore(%arg11 : memref<!tpu.dma_semaphore, #tpu.memory_space<semaphore_mem>>)
    %dma_start3A_17 = arith.constant 1 : i32
    %dma_start3A_18 = arith.constant 1 : i32
    %dma_start3A_19 = arith.constant 0 : i32
    %dma_start3A_20 = arith.constant 0 : i32
    %dma_start3A_21 = tpu.memref_slice %arg9[%dma_start3A_18, %dma_start3A_19, %dma_start3A_20] : memref<5x80x64xf32, #tpu.memory_space<vmem>> -> memref<1x80x64xf32, #tpu.memory_space<vmem>>
    %dma_start3A_22 = tpu.memref_squeeze %dma_start3A_21 : memref<1x80x64xf32, #tpu.memory_space<vmem>> -> memref<80x64xf32, #tpu.memory_space<vmem>>
    %dma_start3A_23 = arith.constant 0 : i32
    %dma_start3A_24 = tpu.memref_slice %arg7[%dma_start3A_17, %dma_start3A_23] : memref<250x80xi32, #tpu.memory_space<vmem>> -> memref<1x80xi32, #tpu.memory_space<vmem>>
    %dma_start3A_25 = tpu.memref_squeeze %dma_start3A_24 : memref<1x80xi32, #tpu.memory_space<vmem>> -> memref<80xi32, #tpu.memory_space<vmem>>
    %dma_start3A_26 = arith.constant 0 : i32
    %dma_start3A_27 = arith.constant 0 : i32
    %dma_start3A_28 = tpu.memref_slice %arg2[%arg0, %dma_start3A_26, %dma_start3A_27] : memref<2x10000x64xf32, #tpu.memory_space<hbm>> -> memref<1x10000x64xf32, #tpu.memory_space<hbm>>
    %dma_start3A_29 = tpu.memref_squeeze %dma_start3A_28 : memref<1x10000x64xf32, #tpu.memory_space<hbm>> -> memref<10000x64xf32, #tpu.memory_space<hbm>>
    %dma_start3A_30 = arith.constant 0 : i32
    %dma_start3A_31 = arith.constant 0 : i32
    %dma_start3A_32 = tpu.memref_slice %dma_start3A_29[%dma_start3A_30, %dma_start3A_31] : memref<10000x64xf32, #tpu.memory_space<hbm>> -> memref<10000x64xf32, #tpu.memory_space<hbm>>
    tpu.enqueue_indirect_dma source(%dma_start3A_32 : memref<10000x64xf32, #tpu.memory_space<hbm>>) target(%dma_start3A_22 : memref<80x64xf32, #tpu.memory_space<vmem>>) offsets(%dma_start3A_25 : memref<80xi32, #tpu.memory_space<vmem>>) semaphore(%arg12 : memref<!tpu.dma_semaphore, #tpu.memory_space<semaphore_mem>>)
    %dma_start3A_33 = arith.constant 2 : i32
    %dma_start3A_34 = arith.constant 2 : i32
    %dma_start3A_35 = arith.constant 0 : i32
    %dma_start3A_36 = arith.constant 0 : i32
    %dma_start3A_37 = tpu.memref_slice %arg9[%dma_start3A_34, %dma_start3A_35, %dma_start3A_36] : memref<5x80x64xf32, #tpu.memory_space<vmem>> -> memref<1x80x64xf32, #tpu.memory_space<vmem>>
    %dma_start3A_38 = tpu.memref_squeeze %dma_start3A_37 : memref<1x80x64xf32, #tpu.memory_space<vmem>> -> memref<80x64xf32, #tpu.memory_space<vmem>>
    %dma_start3A_39 = arith.constant 0 : i32
    %dma_start3A_40 = tpu.memref_slice %arg7[%dma_start3A_33, %dma_start3A_39] : memref<250x80xi32, #tpu.memory_space<vmem>> -> memref<1x80xi32, #tpu.memory_space<vmem>>
    %dma_start3A_41 = tpu.memref_squeeze %dma_start3A_40 : memref<1x80xi32, #tpu.memory_space<vmem>> -> memref<80xi32, #tpu.memory_space<vmem>>
    %dma_start3A_42 = arith.constant 0 : i32
    %dma_start3A_43 = arith.constant 0 : i32
    %dma_start3A_44 = tpu.memref_slice %arg2[%arg0, %dma_start3A_42, %dma_start3A_43] : memref<2x10000x64xf32, #tpu.memory_space<hbm>> -> memref<1x10000x64xf32, #tpu.memory_space<hbm>>
    %dma_start3A_45 = tpu.memref_squeeze %dma_start3A_44 : memref<1x10000x64xf32, #tpu.memory_space<hbm>> -> memref<10000x64xf32, #tpu.memory_space<hbm>>
    %dma_start3A_46 = arith.constant 0 : i32
    %dma_start3A_47 = arith.constant 0 : i32
    %dma_start3A_48 = tpu.memref_slice %dma_start3A_45[%dma_start3A_46, %dma_start3A_47] : memref<10000x64xf32, #tpu.memory_space<hbm>> -> memref<10000x64xf32, #tpu.memory_space<hbm>>
    tpu.enqueue_indirect_dma source(%dma_start3A_48 : memref<10000x64xf32, #tpu.memory_space<hbm>>) target(%dma_start3A_38 : memref<80x64xf32, #tpu.memory_space<vmem>>) offsets(%dma_start3A_41 : memref<80xi32, #tpu.memory_space<vmem>>) semaphore(%arg13 : memref<!tpu.dma_semaphore, #tpu.memory_space<semaphore_mem>>)
    %dma_start3A_49 = arith.constant 3 : i32
    %dma_start3A_50 = arith.constant 3 : i32
    %dma_start3A_51 = arith.constant 0 : i32
    %dma_start3A_52 = arith.constant 0 : i32
    %dma_start3A_53 = tpu.memref_slice %arg9[%dma_start3A_50, %dma_start3A_51, %dma_start3A_52] : memref<5x80x64xf32, #tpu.memory_space<vmem>> -> memref<1x80x64xf32, #tpu.memory_space<vmem>>
    %dma_start3A_54 = tpu.memref_squeeze %dma_start3A_53 : memref<1x80x64xf32, #tpu.memory_space<vmem>> -> memref<80x64xf32, #tpu.memory_space<vmem>>
    %dma_start3A_55 = arith.constant 0 : i32
    %dma_start3A_56 = tpu.memref_slice %arg7[%dma_start3A_49, %dma_start3A_55] : memref<250x80xi32, #tpu.memory_space<vmem>> -> memref<1x80xi32, #tpu.memory_space<vmem>>
    %dma_start3A_57 = tpu.memref_squeeze %dma_start3A_56 : memref<1x80xi32, #tpu.memory_space<vmem>> -> memref<80xi32, #tpu.memory_space<vmem>>
    %dma_start3A_58 = arith.constant 0 : i32
    %dma_start3A_59 = arith.constant 0 : i32
    %dma_start3A_60 = tpu.memref_slice %arg2[%arg0, %dma_start3A_58, %dma_start3A_59] : memref<2x10000x64xf32, #tpu.memory_space<hbm>> -> memref<1x10000x64xf32, #tpu.memory_space<hbm>>
    %dma_start3A_61 = tpu.memref_squeeze %dma_start3A_60 : memref<1x10000x64xf32, #tpu.memory_space<hbm>> -> memref<10000x64xf32, #tpu.memory_space<hbm>>
    %dma_start3A_62 = arith.constant 0 : i32
    %dma_start3A_63 = arith.constant 0 : i32
    %dma_start3A_64 = tpu.memref_slice %dma_start3A_61[%dma_start3A_62, %dma_start3A_63] : memref<10000x64xf32, #tpu.memory_space<hbm>> -> memref<10000x64xf32, #tpu.memory_space<hbm>>
    tpu.enqueue_indirect_dma source(%dma_start3A_64 : memref<10000x64xf32, #tpu.memory_space<hbm>>) target(%dma_start3A_54 : memref<80x64xf32, #tpu.memory_space<vmem>>) offsets(%dma_start3A_57 : memref<80xi32, #tpu.memory_space<vmem>>) semaphore(%arg14 : memref<!tpu.dma_semaphore, #tpu.memory_space<semaphore_mem>>)
    %scan3A = arith.constant 0 : i32
    %scan3A_65 = arith.constant 50 : i32
    %scan3A_66 = arith.addi %scan3A, %scan3A_65 : i32
    %scan3A_67 = arith.constant 1 : i32
    scf.for %scan3A_75 = %scan3A to %scan3A_66 step %scan3A_67  : i32 {
      %mul3A = arith.constant 5 : i32
      %mul3A_76 = arith.muli %mul3A, %scan3A_75 : i32
      %add3A = arith.constant 0 : i32
      %add3A_77 = arith.addi %mul3A_76, %add3A : i32
      %dma_wait3A = arith.constant 0 : i32
      %dma_wait3A_78 = arith.constant 0 : i32
      %dma_wait3A_79 = arith.constant 0 : i32
      %dma_wait3A_80 = tpu.memref_slice %arg9[%dma_wait3A, %dma_wait3A_78, %dma_wait3A_79] : memref<5x80x64xf32, #tpu.memory_space<vmem>> -> memref<1x80x64xf32, #tpu.memory_space<vmem>>
      %dma_wait3A_81 = tpu.memref_squeeze %dma_wait3A_80 : memref<1x80x64xf32, #tpu.memory_space<vmem>> -> memref<80x64xf32, #tpu.memory_space<vmem>>
      %dma_wait3A_82 = arith.constant 0 : i32
      %dma_wait3A_83 = tpu.memref_slice %arg7[%add3A_77, %dma_wait3A_82] : memref<250x80xi32, #tpu.memory_space<vmem>> -> memref<1x80xi32, #tpu.memory_space<vmem>>
      %dma_wait3A_84 = tpu.memref_squeeze %dma_wait3A_83 : memref<1x80xi32, #tpu.memory_space<vmem>> -> memref<80xi32, #tpu.memory_space<vmem>>
      %dma_wait3A_85 = arith.constant 0 : i32
      %dma_wait3A_86 = arith.constant 0 : i32
      %dma_wait3A_87 = tpu.memref_slice %arg2[%arg0, %dma_wait3A_85, %dma_wait3A_86] : memref<2x10000x64xf32, #tpu.memory_space<hbm>> -> memref<1x10000x64xf32, #tpu.memory_space<hbm>>
      %dma_wait3A_88 = tpu.memref_squeeze %dma_wait3A_87 : memref<1x10000x64xf32, #tpu.memory_space<hbm>> -> memref<10000x64xf32, #tpu.memory_space<hbm>>
      %dma_wait3A_89 = arith.constant 0 : i32
      %dma_wait3A_90 = arith.constant 0 : i32
      %dma_wait3A_91 = tpu.memref_slice %dma_wait3A_88[%dma_wait3A_89, %dma_wait3A_90] : memref<10000x64xf32, #tpu.memory_space<hbm>> -> memref<10000x64xf32, #tpu.memory_space<hbm>>
      tpu.wait_indirect_dma semaphore(%arg11 : memref<!tpu.dma_semaphore, #tpu.memory_space<semaphore_mem>>) src(%dma_wait3A_91 : memref<10000x64xf32, #tpu.memory_space<hbm>>) dst(%dma_wait3A_81 : memref<80x64xf32, #tpu.memory_space<vmem>>)
      %add3A_92 = arith.constant 5 : i32
      %add3A_93 = arith.addi %add3A_77, %add3A_92 : i32
      %sub3A = arith.constant 1 : i32
      %sub3A_94 = arith.subi %add3A_93, %sub3A : i32
      %lt3A = arith.constant 250 : i32
      %lt3A_95 = arith.cmpi slt, %sub3A_94, %lt3A : i32
      %convert_element_type3A_96 = arith.extui %lt3A_95 : i1 to i32
      %cond3A_97 = arith.constant 0 : i32
      %cond3A_98 = arith.cmpi ne, %convert_element_type3A_96, %cond3A_97 : i32
      scf.if %cond3A_98 {
        %add3A_215 = arith.constant 5 : i32
        %add3A_216 = arith.addi %add3A_77, %add3A_215 : i32
        %sub3A_217 = arith.constant 1 : i32
        %sub3A_218 = arith.subi %add3A_216, %sub3A_217 : i32
        %dma_start3A_219 = arith.constant 4 : i32
        %dma_start3A_220 = arith.constant 0 : i32
        %dma_start3A_221 = arith.constant 0 : i32
        %dma_start3A_222 = tpu.memref_slice %arg9[%dma_start3A_219, %dma_start3A_220, %dma_start3A_221] : memref<5x80x64xf32, #tpu.memory_space<vmem>> -> memref<1x80x64xf32, #tpu.memory_space<vmem>>
        %dma_start3A_223 = tpu.memref_squeeze %dma_start3A_222 : memref<1x80x64xf32, #tpu.memory_space<vmem>> -> memref<80x64xf32, #tpu.memory_space<vmem>>
        %dma_start3A_224 = arith.constant 0 : i32
        %dma_start3A_225 = tpu.memref_slice %arg7[%sub3A_218, %dma_start3A_224] : memref<250x80xi32, #tpu.memory_space<vmem>> -> memref<1x80xi32, #tpu.memory_space<vmem>>
        %dma_start3A_226 = tpu.memref_squeeze %dma_start3A_225 : memref<1x80xi32, #tpu.memory_space<vmem>> -> memref<80xi32, #tpu.memory_space<vmem>>
        %dma_start3A_227 = arith.constant 0 : i32
        %dma_start3A_228 = arith.constant 0 : i32
        %dma_start3A_229 = tpu.memref_slice %arg2[%arg0, %dma_start3A_227, %dma_start3A_228] : memref<2x10000x64xf32, #tpu.memory_space<hbm>> -> memref<1x10000x64xf32, #tpu.memory_space<hbm>>
        %dma_start3A_230 = tpu.memref_squeeze %dma_start3A_229 : memref<1x10000x64xf32, #tpu.memory_space<hbm>> -> memref<10000x64xf32, #tpu.memory_space<hbm>>
        %dma_start3A_231 = arith.constant 0 : i32
        %dma_start3A_232 = arith.constant 0 : i32
        %dma_start3A_233 = tpu.memref_slice %dma_start3A_230[%dma_start3A_231, %dma_start3A_232] : memref<10000x64xf32, #tpu.memory_space<hbm>> -> memref<10000x64xf32, #tpu.memory_space<hbm>>
        tpu.enqueue_indirect_dma source(%dma_start3A_233 : memref<10000x64xf32, #tpu.memory_space<hbm>>) target(%dma_start3A_223 : memref<80x64xf32, #tpu.memory_space<vmem>>) offsets(%dma_start3A_226 : memref<80xi32, #tpu.memory_space<vmem>>) semaphore(%arg15 : memref<!tpu.dma_semaphore, #tpu.memory_space<semaphore_mem>>)
      } else {
      }
      %run_scoped3A = arith.constant 0 : i32
      "tpu.region"() ({
        %run_scoped3A_215 = tpu.sem_alloc : memref<!tpu.dma_semaphore, #tpu.memory_space<semaphore_mem>>
        %dma_start3A_216 = arith.constant 0 : i32
        %dma_start3A_217 = arith.constant 0 : i32
        %dma_start3A_218 = tpu.memref_slice %arg9[%run_scoped3A, %dma_start3A_216, %dma_start3A_217] : memref<5x80x64xf32, #tpu.memory_space<vmem>> -> memref<1x80x64xf32, #tpu.memory_space<vmem>>
        %dma_start3A_219 = tpu.memref_squeeze %dma_start3A_218 : memref<1x80x64xf32, #tpu.memory_space<vmem>> -> memref<80x64xf32, #tpu.memory_space<vmem>>
        %dma_start3A_220 = arith.constant 0 : i32
        %dma_start3A_221 = tpu.memref_slice %arg8[%add3A_77, %dma_start3A_220] : memref<250x80xi32, #tpu.memory_space<vmem>> -> memref<1x80xi32, #tpu.memory_space<vmem>>
        %dma_start3A_222 = tpu.memref_squeeze %dma_start3A_221 : memref<1x80xi32, #tpu.memory_space<vmem>> -> memref<80xi32, #tpu.memory_space<vmem>>
        %dma_start3A_223 = arith.constant 0 : i32
        %dma_start3A_224 = arith.constant 0 : i32
        %dma_start3A_225 = tpu.memref_slice %arg10[%dma_start3A_223, %dma_start3A_224] : memref<10000x64xf32, #tpu.memory_space<vmem_shared>> -> memref<10000x64xf32, #tpu.memory_space<vmem_shared>>
        tpu.enqueue_indirect_dma source(%dma_start3A_219 : memref<80x64xf32, #tpu.memory_space<vmem>>) target(%dma_start3A_225 : memref<10000x64xf32, #tpu.memory_space<vmem_shared>>) offsets(%dma_start3A_222 : memref<80xi32, #tpu.memory_space<vmem>>) semaphore(%run_scoped3A_215 : memref<!tpu.dma_semaphore, #tpu.memory_space<semaphore_mem>>) {add = true}
        %dma_wait3A_226 = arith.constant 0 : i32
        %dma_wait3A_227 = arith.constant 0 : i32
        %dma_wait3A_228 = tpu.memref_slice %arg9[%run_scoped3A, %dma_wait3A_226, %dma_wait3A_227] : memref<5x80x64xf32, #tpu.memory_space<vmem>> -> memref<1x80x64xf32, #tpu.memory_space<vmem>>
        %dma_wait3A_229 = tpu.memref_squeeze %dma_wait3A_228 : memref<1x80x64xf32, #tpu.memory_space<vmem>> -> memref<80x64xf32, #tpu.memory_space<vmem>>
        %dma_wait3A_230 = arith.constant 0 : i32
        %dma_wait3A_231 = tpu.memref_slice %arg8[%add3A_77, %dma_wait3A_230] : memref<250x80xi32, #tpu.memory_space<vmem>> -> memref<1x80xi32, #tpu.memory_space<vmem>>
        %dma_wait3A_232 = tpu.memref_squeeze %dma_wait3A_231 : memref<1x80xi32, #tpu.memory_space<vmem>> -> memref<80xi32, #tpu.memory_space<vmem>>
        %dma_wait3A_233 = arith.constant 0 : i32
        %dma_wait3A_234 = arith.constant 0 : i32
        %dma_wait3A_235 = tpu.memref_slice %arg10[%dma_wait3A_233, %dma_wait3A_234] : memref<10000x64xf32, #tpu.memory_space<vmem_shared>> -> memref<10000x64xf32, #tpu.memory_space<vmem_shared>>
        tpu.wait_indirect_dma semaphore(%run_scoped3A_215 : memref<!tpu.dma_semaphore, #tpu.memory_space<semaphore_mem>>) src(%dma_wait3A_229 : memref<80x64xf32, #tpu.memory_space<vmem>>) dst(%dma_wait3A_235 : memref<10000x64xf32, #tpu.memory_space<vmem_shared>>)
        tpu.yield
      }) : () -> ()
      %mul3A_99 = arith.constant 5 : i32
      %mul3A_100 = arith.muli %mul3A_99, %scan3A_75 : i32
      %add3A_101 = arith.constant 1 : i32
      %add3A_102 = arith.addi %mul3A_100, %add3A_101 : i32
      %dma_wait3A_103 = arith.constant 1 : i32
      %dma_wait3A_104 = arith.constant 0 : i32
      %dma_wait3A_105 = arith.constant 0 : i32
      %dma_wait3A_106 = tpu.memref_slice %arg9[%dma_wait3A_103, %dma_wait3A_104, %dma_wait3A_105] : memref<5x80x64xf32, #tpu.memory_space<vmem>> -> memref<1x80x64xf32, #tpu.memory_space<vmem>>
      %dma_wait3A_107 = tpu.memref_squeeze %dma_wait3A_106 : memref<1x80x64xf32, #tpu.memory_space<vmem>> -> memref<80x64xf32, #tpu.memory_space<vmem>>
      %dma_wait3A_108 = arith.constant 0 : i32
      %dma_wait3A_109 = tpu.memref_slice %arg7[%add3A_102, %dma_wait3A_108] : memref<250x80xi32, #tpu.memory_space<vmem>> -> memref<1x80xi32, #tpu.memory_space<vmem>>
      %dma_wait3A_110 = tpu.memref_squeeze %dma_wait3A_109 : memref<1x80xi32, #tpu.memory_space<vmem>> -> memref<80xi32, #tpu.memory_space<vmem>>
      %dma_wait3A_111 = arith.constant 0 : i32
      %dma_wait3A_112 = arith.constant 0 : i32
      %dma_wait3A_113 = tpu.memref_slice %arg2[%arg0, %dma_wait3A_111, %dma_wait3A_112] : memref<2x10000x64xf32, #tpu.memory_space<hbm>> -> memref<1x10000x64xf32, #tpu.memory_space<hbm>>
      %dma_wait3A_114 = tpu.memref_squeeze %dma_wait3A_113 : memref<1x10000x64xf32, #tpu.memory_space<hbm>> -> memref<10000x64xf32, #tpu.memory_space<hbm>>
      %dma_wait3A_115 = arith.constant 0 : i32
      %dma_wait3A_116 = arith.constant 0 : i32
      %dma_wait3A_117 = tpu.memref_slice %dma_wait3A_114[%dma_wait3A_115, %dma_wait3A_116] : memref<10000x64xf32, #tpu.memory_space<hbm>> -> memref<10000x64xf32, #tpu.memory_space<hbm>>
      tpu.wait_indirect_dma semaphore(%arg12 : memref<!tpu.dma_semaphore, #tpu.memory_space<semaphore_mem>>) src(%dma_wait3A_117 : memref<10000x64xf32, #tpu.memory_space<hbm>>) dst(%dma_wait3A_107 : memref<80x64xf32, #tpu.memory_space<vmem>>)
      %add3A_118 = arith.constant 5 : i32
      %add3A_119 = arith.addi %add3A_102, %add3A_118 : i32
      %sub3A_120 = arith.constant 1 : i32
      %sub3A_121 = arith.subi %add3A_119, %sub3A_120 : i32
      %lt3A_122 = arith.constant 250 : i32
      %lt3A_123 = arith.cmpi slt, %sub3A_121, %lt3A_122 : i32
      %convert_element_type3A_124 = arith.extui %lt3A_123 : i1 to i32
      %cond3A_125 = arith.constant 0 : i32
      %cond3A_126 = arith.cmpi ne, %convert_element_type3A_124, %cond3A_125 : i32
      scf.if %cond3A_126 {
        %add3A_215 = arith.constant 5 : i32
        %add3A_216 = arith.addi %add3A_102, %add3A_215 : i32
        %sub3A_217 = arith.constant 1 : i32
        %sub3A_218 = arith.subi %add3A_216, %sub3A_217 : i32
        %dma_start3A_219 = arith.constant 0 : i32
        %dma_start3A_220 = arith.constant 0 : i32
        %dma_start3A_221 = arith.constant 0 : i32
        %dma_start3A_222 = tpu.memref_slice %arg9[%dma_start3A_219, %dma_start3A_220, %dma_start3A_221] : memref<5x80x64xf32, #tpu.memory_space<vmem>> -> memref<1x80x64xf32, #tpu.memory_space<vmem>>
        %dma_start3A_223 = tpu.memref_squeeze %dma_start3A_222 : memref<1x80x64xf32, #tpu.memory_space<vmem>> -> memref<80x64xf32, #tpu.memory_space<vmem>>
        %dma_start3A_224 = arith.constant 0 : i32
        %dma_start3A_225 = tpu.memref_slice %arg7[%sub3A_218, %dma_start3A_224] : memref<250x80xi32, #tpu.memory_space<vmem>> -> memref<1x80xi32, #tpu.memory_space<vmem>>
        %dma_start3A_226 = tpu.memref_squeeze %dma_start3A_225 : memref<1x80xi32, #tpu.memory_space<vmem>> -> memref<80xi32, #tpu.memory_space<vmem>>
        %dma_start3A_227 = arith.constant 0 : i32
        %dma_start3A_228 = arith.constant 0 : i32
        %dma_start3A_229 = tpu.memref_slice %arg2[%arg0, %dma_start3A_227, %dma_start3A_228] : memref<2x10000x64xf32, #tpu.memory_space<hbm>> -> memref<1x10000x64xf32, #tpu.memory_space<hbm>>
        %dma_start3A_230 = tpu.memref_squeeze %dma_start3A_229 : memref<1x10000x64xf32, #tpu.memory_space<hbm>> -> memref<10000x64xf32, #tpu.memory_space<hbm>>
        %dma_start3A_231 = arith.constant 0 : i32
        %dma_start3A_232 = arith.constant 0 : i32
        %dma_start3A_233 = tpu.memref_slice %dma_start3A_230[%dma_start3A_231, %dma_start3A_232] : memref<10000x64xf32, #tpu.memory_space<hbm>> -> memref<10000x64xf32, #tpu.memory_space<hbm>>
        tpu.enqueue_indirect_dma source(%dma_start3A_233 : memref<10000x64xf32, #tpu.memory_space<hbm>>) target(%dma_start3A_223 : memref<80x64xf32, #tpu.memory_space<vmem>>) offsets(%dma_start3A_226 : memref<80xi32, #tpu.memory_space<vmem>>) semaphore(%arg11 : memref<!tpu.dma_semaphore, #tpu.memory_space<semaphore_mem>>)
      } else {
      }
      %run_scoped3A_127 = arith.constant 1 : i32
      "tpu.region"() ({
        %run_scoped3A_215 = tpu.sem_alloc : memref<!tpu.dma_semaphore, #tpu.memory_space<semaphore_mem>>
        %dma_start3A_216 = arith.constant 0 : i32
        %dma_start3A_217 = arith.constant 0 : i32
        %dma_start3A_218 = tpu.memref_slice %arg9[%run_scoped3A_127, %dma_start3A_216, %dma_start3A_217] : memref<5x80x64xf32, #tpu.memory_space<vmem>> -> memref<1x80x64xf32, #tpu.memory_space<vmem>>
        %dma_start3A_219 = tpu.memref_squeeze %dma_start3A_218 : memref<1x80x64xf32, #tpu.memory_space<vmem>> -> memref<80x64xf32, #tpu.memory_space<vmem>>
        %dma_start3A_220 = arith.constant 0 : i32
        %dma_start3A_221 = tpu.memref_slice %arg8[%add3A_102, %dma_start3A_220] : memref<250x80xi32, #tpu.memory_space<vmem>> -> memref<1x80xi32, #tpu.memory_space<vmem>>
        %dma_start3A_222 = tpu.memref_squeeze %dma_start3A_221 : memref<1x80xi32, #tpu.memory_space<vmem>> -> memref<80xi32, #tpu.memory_space<vmem>>
        %dma_start3A_223 = arith.constant 0 : i32
        %dma_start3A_224 = arith.constant 0 : i32
        %dma_start3A_225 = tpu.memref_slice %arg10[%dma_start3A_223, %dma_start3A_224] : memref<10000x64xf32, #tpu.memory_space<vmem_shared>> -> memref<10000x64xf32, #tpu.memory_space<vmem_shared>>
        tpu.enqueue_indirect_dma source(%dma_start3A_219 : memref<80x64xf32, #tpu.memory_space<vmem>>) target(%dma_start3A_225 : memref<10000x64xf32, #tpu.memory_space<vmem_shared>>) offsets(%dma_start3A_222 : memref<80xi32, #tpu.memory_space<vmem>>) semaphore(%run_scoped3A_215 : memref<!tpu.dma_semaphore, #tpu.memory_space<semaphore_mem>>) {add = true}
        %dma_wait3A_226 = arith.constant 0 : i32
        %dma_wait3A_227 = arith.constant 0 : i32
        %dma_wait3A_228 = tpu.memref_slice %arg9[%run_scoped3A_127, %dma_wait3A_226, %dma_wait3A_227] : memref<5x80x64xf32, #tpu.memory_space<vmem>> -> memref<1x80x64xf32, #tpu.memory_space<vmem>>
        %dma_wait3A_229 = tpu.memref_squeeze %dma_wait3A_228 : memref<1x80x64xf32, #tpu.memory_space<vmem>> -> memref<80x64xf32, #tpu.memory_space<vmem>>
        %dma_wait3A_230 = arith.constant 0 : i32
        %dma_wait3A_231 = tpu.memref_slice %arg8[%add3A_102, %dma_wait3A_230] : memref<250x80xi32, #tpu.memory_space<vmem>> -> memref<1x80xi32, #tpu.memory_space<vmem>>
        %dma_wait3A_232 = tpu.memref_squeeze %dma_wait3A_231 : memref<1x80xi32, #tpu.memory_space<vmem>> -> memref<80xi32, #tpu.memory_space<vmem>>
        %dma_wait3A_233 = arith.constant 0 : i32
        %dma_wait3A_234 = arith.constant 0 : i32
        %dma_wait3A_235 = tpu.memref_slice %arg10[%dma_wait3A_233, %dma_wait3A_234] : memref<10000x64xf32, #tpu.memory_space<vmem_shared>> -> memref<10000x64xf32, #tpu.memory_space<vmem_shared>>
        tpu.wait_indirect_dma semaphore(%run_scoped3A_215 : memref<!tpu.dma_semaphore, #tpu.memory_space<semaphore_mem>>) src(%dma_wait3A_229 : memref<80x64xf32, #tpu.memory_space<vmem>>) dst(%dma_wait3A_235 : memref<10000x64xf32, #tpu.memory_space<vmem_shared>>)
        tpu.yield
      }) : () -> ()
      %mul3A_128 = arith.constant 5 : i32
      %mul3A_129 = arith.muli %mul3A_128, %scan3A_75 : i32
      %add3A_130 = arith.constant 2 : i32
      %add3A_131 = arith.addi %mul3A_129, %add3A_130 : i32
      %dma_wait3A_132 = arith.constant 2 : i32
      %dma_wait3A_133 = arith.constant 0 : i32
      %dma_wait3A_134 = arith.constant 0 : i32
      %dma_wait3A_135 = tpu.memref_slice %arg9[%dma_wait3A_132, %dma_wait3A_133, %dma_wait3A_134] : memref<5x80x64xf32, #tpu.memory_space<vmem>> -> memref<1x80x64xf32, #tpu.memory_space<vmem>>
      %dma_wait3A_136 = tpu.memref_squeeze %dma_wait3A_135 : memref<1x80x64xf32, #tpu.memory_space<vmem>> -> memref<80x64xf32, #tpu.memory_space<vmem>>
      %dma_wait3A_137 = arith.constant 0 : i32
      %dma_wait3A_138 = tpu.memref_slice %arg7[%add3A_131, %dma_wait3A_137] : memref<250x80xi32, #tpu.memory_space<vmem>> -> memref<1x80xi32, #tpu.memory_space<vmem>>
      %dma_wait3A_139 = tpu.memref_squeeze %dma_wait3A_138 : memref<1x80xi32, #tpu.memory_space<vmem>> -> memref<80xi32, #tpu.memory_space<vmem>>
      %dma_wait3A_140 = arith.constant 0 : i32
      %dma_wait3A_141 = arith.constant 0 : i32
      %dma_wait3A_142 = tpu.memref_slice %arg2[%arg0, %dma_wait3A_140, %dma_wait3A_141] : memref<2x10000x64xf32, #tpu.memory_space<hbm>> -> memref<1x10000x64xf32, #tpu.memory_space<hbm>>
      %dma_wait3A_143 = tpu.memref_squeeze %dma_wait3A_142 : memref<1x10000x64xf32, #tpu.memory_space<hbm>> -> memref<10000x64xf32, #tpu.memory_space<hbm>>
      %dma_wait3A_144 = arith.constant 0 : i32
      %dma_wait3A_145 = arith.constant 0 : i32
      %dma_wait3A_146 = tpu.memref_slice %dma_wait3A_143[%dma_wait3A_144, %dma_wait3A_145] : memref<10000x64xf32, #tpu.memory_space<hbm>> -> memref<10000x64xf32, #tpu.memory_space<hbm>>
      tpu.wait_indirect_dma semaphore(%arg13 : memref<!tpu.dma_semaphore, #tpu.memory_space<semaphore_mem>>) src(%dma_wait3A_146 : memref<10000x64xf32, #tpu.memory_space<hbm>>) dst(%dma_wait3A_136 : memref<80x64xf32, #tpu.memory_space<vmem>>)
      %add3A_147 = arith.constant 5 : i32
      %add3A_148 = arith.addi %add3A_131, %add3A_147 : i32
      %sub3A_149 = arith.constant 1 : i32
      %sub3A_150 = arith.subi %add3A_148, %sub3A_149 : i32
      %lt3A_151 = arith.constant 250 : i32
      %lt3A_152 = arith.cmpi slt, %sub3A_150, %lt3A_151 : i32
      %convert_element_type3A_153 = arith.extui %lt3A_152 : i1 to i32
      %cond3A_154 = arith.constant 0 : i32
      %cond3A_155 = arith.cmpi ne, %convert_element_type3A_153, %cond3A_154 : i32
      scf.if %cond3A_155 {
        %add3A_215 = arith.constant 5 : i32
        %add3A_216 = arith.addi %add3A_131, %add3A_215 : i32
        %sub3A_217 = arith.constant 1 : i32
        %sub3A_218 = arith.subi %add3A_216, %sub3A_217 : i32
        %dma_start3A_219 = arith.constant 1 : i32
        %dma_start3A_220 = arith.constant 0 : i32
        %dma_start3A_221 = arith.constant 0 : i32
        %dma_start3A_222 = tpu.memref_slice %arg9[%dma_start3A_219, %dma_start3A_220, %dma_start3A_221] : memref<5x80x64xf32, #tpu.memory_space<vmem>> -> memref<1x80x64xf32, #tpu.memory_space<vmem>>
        %dma_start3A_223 = tpu.memref_squeeze %dma_start3A_222 : memref<1x80x64xf32, #tpu.memory_space<vmem>> -> memref<80x64xf32, #tpu.memory_space<vmem>>
        %dma_start3A_224 = arith.constant 0 : i32
        %dma_start3A_225 = tpu.memref_slice %arg7[%sub3A_218, %dma_start3A_224] : memref<250x80xi32, #tpu.memory_space<vmem>> -> memref<1x80xi32, #tpu.memory_space<vmem>>
        %dma_start3A_226 = tpu.memref_squeeze %dma_start3A_225 : memref<1x80xi32, #tpu.memory_space<vmem>> -> memref<80xi32, #tpu.memory_space<vmem>>
        %dma_start3A_227 = arith.constant 0 : i32
        %dma_start3A_228 = arith.constant 0 : i32
        %dma_start3A_229 = tpu.memref_slice %arg2[%arg0, %dma_start3A_227, %dma_start3A_228] : memref<2x10000x64xf32, #tpu.memory_space<hbm>> -> memref<1x10000x64xf32, #tpu.memory_space<hbm>>
        %dma_start3A_230 = tpu.memref_squeeze %dma_start3A_229 : memref<1x10000x64xf32, #tpu.memory_space<hbm>> -> memref<10000x64xf32, #tpu.memory_space<hbm>>
        %dma_start3A_231 = arith.constant 0 : i32
        %dma_start3A_232 = arith.constant 0 : i32
        %dma_start3A_233 = tpu.memref_slice %dma_start3A_230[%dma_start3A_231, %dma_start3A_232] : memref<10000x64xf32, #tpu.memory_space<hbm>> -> memref<10000x64xf32, #tpu.memory_space<hbm>>
        tpu.enqueue_indirect_dma source(%dma_start3A_233 : memref<10000x64xf32, #tpu.memory_space<hbm>>) target(%dma_start3A_223 : memref<80x64xf32, #tpu.memory_space<vmem>>) offsets(%dma_start3A_226 : memref<80xi32, #tpu.memory_space<vmem>>) semaphore(%arg12 : memref<!tpu.dma_semaphore, #tpu.memory_space<semaphore_mem>>)
      } else {
      }
      %run_scoped3A_156 = arith.constant 2 : i32
      "tpu.region"() ({
        %run_scoped3A_215 = tpu.sem_alloc : memref<!tpu.dma_semaphore, #tpu.memory_space<semaphore_mem>>
        %dma_start3A_216 = arith.constant 0 : i32
        %dma_start3A_217 = arith.constant 0 : i32
        %dma_start3A_218 = tpu.memref_slice %arg9[%run_scoped3A_156, %dma_start3A_216, %dma_start3A_217] : memref<5x80x64xf32, #tpu.memory_space<vmem>> -> memref<1x80x64xf32, #tpu.memory_space<vmem>>
        %dma_start3A_219 = tpu.memref_squeeze %dma_start3A_218 : memref<1x80x64xf32, #tpu.memory_space<vmem>> -> memref<80x64xf32, #tpu.memory_space<vmem>>
        %dma_start3A_220 = arith.constant 0 : i32
        %dma_start3A_221 = tpu.memref_slice %arg8[%add3A_131, %dma_start3A_220] : memref<250x80xi32, #tpu.memory_space<vmem>> -> memref<1x80xi32, #tpu.memory_space<vmem>>
        %dma_start3A_222 = tpu.memref_squeeze %dma_start3A_221 : memref<1x80xi32, #tpu.memory_space<vmem>> -> memref<80xi32, #tpu.memory_space<vmem>>
        %dma_start3A_223 = arith.constant 0 : i32
        %dma_start3A_224 = arith.constant 0 : i32
        %dma_start3A_225 = tpu.memref_slice %arg10[%dma_start3A_223, %dma_start3A_224] : memref<10000x64xf32, #tpu.memory_space<vmem_shared>> -> memref<10000x64xf32, #tpu.memory_space<vmem_shared>>
        tpu.enqueue_indirect_dma source(%dma_start3A_219 : memref<80x64xf32, #tpu.memory_space<vmem>>) target(%dma_start3A_225 : memref<10000x64xf32, #tpu.memory_space<vmem_shared>>) offsets(%dma_start3A_222 : memref<80xi32, #tpu.memory_space<vmem>>) semaphore(%run_scoped3A_215 : memref<!tpu.dma_semaphore, #tpu.memory_space<semaphore_mem>>) {add = true}
        %dma_wait3A_226 = arith.constant 0 : i32
        %dma_wait3A_227 = arith.constant 0 : i32
        %dma_wait3A_228 = tpu.memref_slice %arg9[%run_scoped3A_156, %dma_wait3A_226, %dma_wait3A_227] : memref<5x80x64xf32, #tpu.memory_space<vmem>> -> memref<1x80x64xf32, #tpu.memory_space<vmem>>
        %dma_wait3A_229 = tpu.memref_squeeze %dma_wait3A_228 : memref<1x80x64xf32, #tpu.memory_space<vmem>> -> memref<80x64xf32, #tpu.memory_space<vmem>>
        %dma_wait3A_230 = arith.constant 0 : i32
        %dma_wait3A_231 = tpu.memref_slice %arg8[%add3A_131, %dma_wait3A_230] : memref<250x80xi32, #tpu.memory_space<vmem>> -> memref<1x80xi32, #tpu.memory_space<vmem>>
        %dma_wait3A_232 = tpu.memref_squeeze %dma_wait3A_231 : memref<1x80xi32, #tpu.memory_space<vmem>> -> memref<80xi32, #tpu.memory_space<vmem>>
        %dma_wait3A_233 = arith.constant 0 : i32
        %dma_wait3A_234 = arith.constant 0 : i32
        %dma_wait3A_235 = tpu.memref_slice %arg10[%dma_wait3A_233, %dma_wait3A_234] : memref<10000x64xf32, #tpu.memory_space<vmem_shared>> -> memref<10000x64xf32, #tpu.memory_space<vmem_shared>>
        tpu.wait_indirect_dma semaphore(%run_scoped3A_215 : memref<!tpu.dma_semaphore, #tpu.memory_space<semaphore_mem>>) src(%dma_wait3A_229 : memref<80x64xf32, #tpu.memory_space<vmem>>) dst(%dma_wait3A_235 : memref<10000x64xf32, #tpu.memory_space<vmem_shared>>)
        tpu.yield
      }) : () -> ()
      %mul3A_157 = arith.constant 5 : i32
      %mul3A_158 = arith.muli %mul3A_157, %scan3A_75 : i32
      %add3A_159 = arith.constant 3 : i32
      %add3A_160 = arith.addi %mul3A_158, %add3A_159 : i32
      %dma_wait3A_161 = arith.constant 3 : i32
      %dma_wait3A_162 = arith.constant 0 : i32
      %dma_wait3A_163 = arith.constant 0 : i32
      %dma_wait3A_164 = tpu.memref_slice %arg9[%dma_wait3A_161, %dma_wait3A_162, %dma_wait3A_163] : memref<5x80x64xf32, #tpu.memory_space<vmem>> -> memref<1x80x64xf32, #tpu.memory_space<vmem>>
      %dma_wait3A_165 = tpu.memref_squeeze %dma_wait3A_164 : memref<1x80x64xf32, #tpu.memory_space<vmem>> -> memref<80x64xf32, #tpu.memory_space<vmem>>
      %dma_wait3A_166 = arith.constant 0 : i32
      %dma_wait3A_167 = tpu.memref_slice %arg7[%add3A_160, %dma_wait3A_166] : memref<250x80xi32, #tpu.memory_space<vmem>> -> memref<1x80xi32, #tpu.memory_space<vmem>>
      %dma_wait3A_168 = tpu.memref_squeeze %dma_wait3A_167 : memref<1x80xi32, #tpu.memory_space<vmem>> -> memref<80xi32, #tpu.memory_space<vmem>>
      %dma_wait3A_169 = arith.constant 0 : i32
      %dma_wait3A_170 = arith.constant 0 : i32
      %dma_wait3A_171 = tpu.memref_slice %arg2[%arg0, %dma_wait3A_169, %dma_wait3A_170] : memref<2x10000x64xf32, #tpu.memory_space<hbm>> -> memref<1x10000x64xf32, #tpu.memory_space<hbm>>
      %dma_wait3A_172 = tpu.memref_squeeze %dma_wait3A_171 : memref<1x10000x64xf32, #tpu.memory_space<hbm>> -> memref<10000x64xf32, #tpu.memory_space<hbm>>
      %dma_wait3A_173 = arith.constant 0 : i32
      %dma_wait3A_174 = arith.constant 0 : i32
      %dma_wait3A_175 = tpu.memref_slice %dma_wait3A_172[%dma_wait3A_173, %dma_wait3A_174] : memref<10000x64xf32, #tpu.memory_space<hbm>> -> memref<10000x64xf32, #tpu.memory_space<hbm>>
      tpu.wait_indirect_dma semaphore(%arg14 : memref<!tpu.dma_semaphore, #tpu.memory_space<semaphore_mem>>) src(%dma_wait3A_175 : memref<10000x64xf32, #tpu.memory_space<hbm>>) dst(%dma_wait3A_165 : memref<80x64xf32, #tpu.memory_space<vmem>>)
      %add3A_176 = arith.constant 5 : i32
      %add3A_177 = arith.addi %add3A_160, %add3A_176 : i32
      %sub3A_178 = arith.constant 1 : i32
      %sub3A_179 = arith.subi %add3A_177, %sub3A_178 : i32
      %lt3A_180 = arith.constant 250 : i32
      %lt3A_181 = arith.cmpi slt, %sub3A_179, %lt3A_180 : i32
      %convert_element_type3A_182 = arith.extui %lt3A_181 : i1 to i32
      %cond3A_183 = arith.constant 0 : i32
      %cond3A_184 = arith.cmpi ne, %convert_element_type3A_182, %cond3A_183 : i32
      scf.if %cond3A_184 {
        %add3A_215 = arith.constant 5 : i32
        %add3A_216 = arith.addi %add3A_160, %add3A_215 : i32
        %sub3A_217 = arith.constant 1 : i32
        %sub3A_218 = arith.subi %add3A_216, %sub3A_217 : i32
        %dma_start3A_219 = arith.constant 2 : i32
        %dma_start3A_220 = arith.constant 0 : i32
        %dma_start3A_221 = arith.constant 0 : i32
        %dma_start3A_222 = tpu.memref_slice %arg9[%dma_start3A_219, %dma_start3A_220, %dma_start3A_221] : memref<5x80x64xf32, #tpu.memory_space<vmem>> -> memref<1x80x64xf32, #tpu.memory_space<vmem>>
        %dma_start3A_223 = tpu.memref_squeeze %dma_start3A_222 : memref<1x80x64xf32, #tpu.memory_space<vmem>> -> memref<80x64xf32, #tpu.memory_space<vmem>>
        %dma_start3A_224 = arith.constant 0 : i32
        %dma_start3A_225 = tpu.memref_slice %arg7[%sub3A_218, %dma_start3A_224] : memref<250x80xi32, #tpu.memory_space<vmem>> -> memref<1x80xi32, #tpu.memory_space<vmem>>
        %dma_start3A_226 = tpu.memref_squeeze %dma_start3A_225 : memref<1x80xi32, #tpu.memory_space<vmem>> -> memref<80xi32, #tpu.memory_space<vmem>>
        %dma_start3A_227 = arith.constant 0 : i32
        %dma_start3A_228 = arith.constant 0 : i32
        %dma_start3A_229 = tpu.memref_slice %arg2[%arg0, %dma_start3A_227, %dma_start3A_228] : memref<2x10000x64xf32, #tpu.memory_space<hbm>> -> memref<1x10000x64xf32, #tpu.memory_space<hbm>>
        %dma_start3A_230 = tpu.memref_squeeze %dma_start3A_229 : memref<1x10000x64xf32, #tpu.memory_space<hbm>> -> memref<10000x64xf32, #tpu.memory_space<hbm>>
        %dma_start3A_231 = arith.constant 0 : i32
        %dma_start3A_232 = arith.constant 0 : i32
        %dma_start3A_233 = tpu.memref_slice %dma_start3A_230[%dma_start3A_231, %dma_start3A_232] : memref<10000x64xf32, #tpu.memory_space<hbm>> -> memref<10000x64xf32, #tpu.memory_space<hbm>>
        tpu.enqueue_indirect_dma source(%dma_start3A_233 : memref<10000x64xf32, #tpu.memory_space<hbm>>) target(%dma_start3A_223 : memref<80x64xf32, #tpu.memory_space<vmem>>) offsets(%dma_start3A_226 : memref<80xi32, #tpu.memory_space<vmem>>) semaphore(%arg13 : memref<!tpu.dma_semaphore, #tpu.memory_space<semaphore_mem>>)
      } else {
      }
      %run_scoped3A_185 = arith.constant 3 : i32
      "tpu.region"() ({
        %run_scoped3A_215 = tpu.sem_alloc : memref<!tpu.dma_semaphore, #tpu.memory_space<semaphore_mem>>
        %dma_start3A_216 = arith.constant 0 : i32
        %dma_start3A_217 = arith.constant 0 : i32
        %dma_start3A_218 = tpu.memref_slice %arg9[%run_scoped3A_185, %dma_start3A_216, %dma_start3A_217] : memref<5x80x64xf32, #tpu.memory_space<vmem>> -> memref<1x80x64xf32, #tpu.memory_space<vmem>>
        %dma_start3A_219 = tpu.memref_squeeze %dma_start3A_218 : memref<1x80x64xf32, #tpu.memory_space<vmem>> -> memref<80x64xf32, #tpu.memory_space<vmem>>
        %dma_start3A_220 = arith.constant 0 : i32
        %dma_start3A_221 = tpu.memref_slice %arg8[%add3A_160, %dma_start3A_220] : memref<250x80xi32, #tpu.memory_space<vmem>> -> memref<1x80xi32, #tpu.memory_space<vmem>>
        %dma_start3A_222 = tpu.memref_squeeze %dma_start3A_221 : memref<1x80xi32, #tpu.memory_space<vmem>> -> memref<80xi32, #tpu.memory_space<vmem>>
        %dma_start3A_223 = arith.constant 0 : i32
        %dma_start3A_224 = arith.constant 0 : i32
        %dma_start3A_225 = tpu.memref_slice %arg10[%dma_start3A_223, %dma_start3A_224] : memref<10000x64xf32, #tpu.memory_space<vmem_shared>> -> memref<10000x64xf32, #tpu.memory_space<vmem_shared>>
        tpu.enqueue_indirect_dma source(%dma_start3A_219 : memref<80x64xf32, #tpu.memory_space<vmem>>) target(%dma_start3A_225 : memref<10000x64xf32, #tpu.memory_space<vmem_shared>>) offsets(%dma_start3A_222 : memref<80xi32, #tpu.memory_space<vmem>>) semaphore(%run_scoped3A_215 : memref<!tpu.dma_semaphore, #tpu.memory_space<semaphore_mem>>) {add = true}
        %dma_wait3A_226 = arith.constant 0 : i32
        %dma_wait3A_227 = arith.constant 0 : i32
        %dma_wait3A_228 = tpu.memref_slice %arg9[%run_scoped3A_185, %dma_wait3A_226, %dma_wait3A_227] : memref<5x80x64xf32, #tpu.memory_space<vmem>> -> memref<1x80x64xf32, #tpu.memory_space<vmem>>
        %dma_wait3A_229 = tpu.memref_squeeze %dma_wait3A_228 : memref<1x80x64xf32, #tpu.memory_space<vmem>> -> memref<80x64xf32, #tpu.memory_space<vmem>>
        %dma_wait3A_230 = arith.constant 0 : i32
        %dma_wait3A_231 = tpu.memref_slice %arg8[%add3A_160, %dma_wait3A_230] : memref<250x80xi32, #tpu.memory_space<vmem>> -> memref<1x80xi32, #tpu.memory_space<vmem>>
        %dma_wait3A_232 = tpu.memref_squeeze %dma_wait3A_231 : memref<1x80xi32, #tpu.memory_space<vmem>> -> memref<80xi32, #tpu.memory_space<vmem>>
        %dma_wait3A_233 = arith.constant 0 : i32
        %dma_wait3A_234 = arith.constant 0 : i32
        %dma_wait3A_235 = tpu.memref_slice %arg10[%dma_wait3A_233, %dma_wait3A_234] : memref<10000x64xf32, #tpu.memory_space<vmem_shared>> -> memref<10000x64xf32, #tpu.memory_space<vmem_shared>>
        tpu.wait_indirect_dma semaphore(%run_scoped3A_215 : memref<!tpu.dma_semaphore, #tpu.memory_space<semaphore_mem>>) src(%dma_wait3A_229 : memref<80x64xf32, #tpu.memory_space<vmem>>) dst(%dma_wait3A_235 : memref<10000x64xf32, #tpu.memory_space<vmem_shared>>)
        tpu.yield
      }) : () -> ()
      %mul3A_186 = arith.constant 5 : i32
      %mul3A_187 = arith.muli %mul3A_186, %scan3A_75 : i32
      %add3A_188 = arith.constant 4 : i32
      %add3A_189 = arith.addi %mul3A_187, %add3A_188 : i32
      %dma_wait3A_190 = arith.constant 4 : i32
      %dma_wait3A_191 = arith.constant 0 : i32
      %dma_wait3A_192 = arith.constant 0 : i32
      %dma_wait3A_193 = tpu.memref_slice %arg9[%dma_wait3A_190, %dma_wait3A_191, %dma_wait3A_192] : memref<5x80x64xf32, #tpu.memory_space<vmem>> -> memref<1x80x64xf32, #tpu.memory_space<vmem>>
      %dma_wait3A_194 = tpu.memref_squeeze %dma_wait3A_193 : memref<1x80x64xf32, #tpu.memory_space<vmem>> -> memref<80x64xf32, #tpu.memory_space<vmem>>
      %dma_wait3A_195 = arith.constant 0 : i32
      %dma_wait3A_196 = tpu.memref_slice %arg7[%add3A_189, %dma_wait3A_195] : memref<250x80xi32, #tpu.memory_space<vmem>> -> memref<1x80xi32, #tpu.memory_space<vmem>>
      %dma_wait3A_197 = tpu.memref_squeeze %dma_wait3A_196 : memref<1x80xi32, #tpu.memory_space<vmem>> -> memref<80xi32, #tpu.memory_space<vmem>>
      %dma_wait3A_198 = arith.constant 0 : i32
      %dma_wait3A_199 = arith.constant 0 : i32
      %dma_wait3A_200 = tpu.memref_slice %arg2[%arg0, %dma_wait3A_198, %dma_wait3A_199] : memref<2x10000x64xf32, #tpu.memory_space<hbm>> -> memref<1x10000x64xf32, #tpu.memory_space<hbm>>
      %dma_wait3A_201 = tpu.memref_squeeze %dma_wait3A_200 : memref<1x10000x64xf32, #tpu.memory_space<hbm>> -> memref<10000x64xf32, #tpu.memory_space<hbm>>
      %dma_wait3A_202 = arith.constant 0 : i32
      %dma_wait3A_203 = arith.constant 0 : i32
      %dma_wait3A_204 = tpu.memref_slice %dma_wait3A_201[%dma_wait3A_202, %dma_wait3A_203] : memref<10000x64xf32, #tpu.memory_space<hbm>> -> memref<10000x64xf32, #tpu.memory_space<hbm>>
      tpu.wait_indirect_dma semaphore(%arg15 : memref<!tpu.dma_semaphore, #tpu.memory_space<semaphore_mem>>) src(%dma_wait3A_204 : memref<10000x64xf32, #tpu.memory_space<hbm>>) dst(%dma_wait3A_194 : memref<80x64xf32, #tpu.memory_space<vmem>>)
      %add3A_205 = arith.constant 5 : i32
      %add3A_206 = arith.addi %add3A_189, %add3A_205 : i32
      %sub3A_207 = arith.constant 1 : i32
      %sub3A_208 = arith.subi %add3A_206, %sub3A_207 : i32
      %lt3A_209 = arith.constant 250 : i32
      %lt3A_210 = arith.cmpi slt, %sub3A_208, %lt3A_209 : i32
      %convert_element_type3A_211 = arith.extui %lt3A_210 : i1 to i32
      %cond3A_212 = arith.constant 0 : i32
      %cond3A_213 = arith.cmpi ne, %convert_element_type3A_211, %cond3A_212 : i32
      scf.if %cond3A_213 {
        %add3A_215 = arith.constant 5 : i32
        %add3A_216 = arith.addi %add3A_189, %add3A_215 : i32
        %sub3A_217 = arith.constant 1 : i32
        %sub3A_218 = arith.subi %add3A_216, %sub3A_217 : i32
        %dma_start3A_219 = arith.constant 3 : i32
        %dma_start3A_220 = arith.constant 0 : i32
        %dma_start3A_221 = arith.constant 0 : i32
        %dma_start3A_222 = tpu.memref_slice %arg9[%dma_start3A_219, %dma_start3A_220, %dma_start3A_221] : memref<5x80x64xf32, #tpu.memory_space<vmem>> -> memref<1x80x64xf32, #tpu.memory_space<vmem>>
        %dma_start3A_223 = tpu.memref_squeeze %dma_start3A_222 : memref<1x80x64xf32, #tpu.memory_space<vmem>> -> memref<80x64xf32, #tpu.memory_space<vmem>>
        %dma_start3A_224 = arith.constant 0 : i32
        %dma_start3A_225 = tpu.memref_slice %arg7[%sub3A_218, %dma_start3A_224] : memref<250x80xi32, #tpu.memory_space<vmem>> -> memref<1x80xi32, #tpu.memory_space<vmem>>
        %dma_start3A_226 = tpu.memref_squeeze %dma_start3A_225 : memref<1x80xi32, #tpu.memory_space<vmem>> -> memref<80xi32, #tpu.memory_space<vmem>>
        %dma_start3A_227 = arith.constant 0 : i32
        %dma_start3A_228 = arith.constant 0 : i32
        %dma_start3A_229 = tpu.memref_slice %arg2[%arg0, %dma_start3A_227, %dma_start3A_228] : memref<2x10000x64xf32, #tpu.memory_space<hbm>> -> memref<1x10000x64xf32, #tpu.memory_space<hbm>>
        %dma_start3A_230 = tpu.memref_squeeze %dma_start3A_229 : memref<1x10000x64xf32, #tpu.memory_space<hbm>> -> memref<10000x64xf32, #tpu.memory_space<hbm>>
        %dma_start3A_231 = arith.constant 0 : i32
        %dma_start3A_232 = arith.constant 0 : i32
        %dma_start3A_233 = tpu.memref_slice %dma_start3A_230[%dma_start3A_231, %dma_start3A_232] : memref<10000x64xf32, #tpu.memory_space<hbm>> -> memref<10000x64xf32, #tpu.memory_space<hbm>>
        tpu.enqueue_indirect_dma source(%dma_start3A_233 : memref<10000x64xf32, #tpu.memory_space<hbm>>) target(%dma_start3A_223 : memref<80x64xf32, #tpu.memory_space<vmem>>) offsets(%dma_start3A_226 : memref<80xi32, #tpu.memory_space<vmem>>) semaphore(%arg14 : memref<!tpu.dma_semaphore, #tpu.memory_space<semaphore_mem>>)
      } else {
      }
      %run_scoped3A_214 = arith.constant 4 : i32
      "tpu.region"() ({
        %run_scoped3A_215 = tpu.sem_alloc : memref<!tpu.dma_semaphore, #tpu.memory_space<semaphore_mem>>
        %dma_start3A_216 = arith.constant 0 : i32
        %dma_start3A_217 = arith.constant 0 : i32
        %dma_start3A_218 = tpu.memref_slice %arg9[%run_scoped3A_214, %dma_start3A_216, %dma_start3A_217] : memref<5x80x64xf32, #tpu.memory_space<vmem>> -> memref<1x80x64xf32, #tpu.memory_space<vmem>>
        %dma_start3A_219 = tpu.memref_squeeze %dma_start3A_218 : memref<1x80x64xf32, #tpu.memory_space<vmem>> -> memref<80x64xf32, #tpu.memory_space<vmem>>
        %dma_start3A_220 = arith.constant 0 : i32
        %dma_start3A_221 = tpu.memref_slice %arg8[%add3A_189, %dma_start3A_220] : memref<250x80xi32, #tpu.memory_space<vmem>> -> memref<1x80xi32, #tpu.memory_space<vmem>>
        %dma_start3A_222 = tpu.memref_squeeze %dma_start3A_221 : memref<1x80xi32, #tpu.memory_space<vmem>> -> memref<80xi32, #tpu.memory_space<vmem>>
        %dma_start3A_223 = arith.constant 0 : i32
        %dma_start3A_224 = arith.constant 0 : i32
        %dma_start3A_225 = tpu.memref_slice %arg10[%dma_start3A_223, %dma_start3A_224] : memref<10000x64xf32, #tpu.memory_space<vmem_shared>> -> memref<10000x64xf32, #tpu.memory_space<vmem_shared>>
        tpu.enqueue_indirect_dma source(%dma_start3A_219 : memref<80x64xf32, #tpu.memory_space<vmem>>) target(%dma_start3A_225 : memref<10000x64xf32, #tpu.memory_space<vmem_shared>>) offsets(%dma_start3A_222 : memref<80xi32, #tpu.memory_space<vmem>>) semaphore(%run_scoped3A_215 : memref<!tpu.dma_semaphore, #tpu.memory_space<semaphore_mem>>) {add = true}
        %dma_wait3A_226 = arith.constant 0 : i32
        %dma_wait3A_227 = arith.constant 0 : i32
        %dma_wait3A_228 = tpu.memref_slice %arg9[%run_scoped3A_214, %dma_wait3A_226, %dma_wait3A_227] : memref<5x80x64xf32, #tpu.memory_space<vmem>> -> memref<1x80x64xf32, #tpu.memory_space<vmem>>
        %dma_wait3A_229 = tpu.memref_squeeze %dma_wait3A_228 : memref<1x80x64xf32, #tpu.memory_space<vmem>> -> memref<80x64xf32, #tpu.memory_space<vmem>>
        %dma_wait3A_230 = arith.constant 0 : i32
        %dma_wait3A_231 = tpu.memref_slice %arg8[%add3A_189, %dma_wait3A_230] : memref<250x80xi32, #tpu.memory_space<vmem>> -> memref<1x80xi32, #tpu.memory_space<vmem>>
        %dma_wait3A_232 = tpu.memref_squeeze %dma_wait3A_231 : memref<1x80xi32, #tpu.memory_space<vmem>> -> memref<80xi32, #tpu.memory_space<vmem>>
        %dma_wait3A_233 = arith.constant 0 : i32
        %dma_wait3A_234 = arith.constant 0 : i32
        %dma_wait3A_235 = tpu.memref_slice %arg10[%dma_wait3A_233, %dma_wait3A_234] : memref<10000x64xf32, #tpu.memory_space<vmem_shared>> -> memref<10000x64xf32, #tpu.memory_space<vmem_shared>>
        tpu.wait_indirect_dma semaphore(%run_scoped3A_215 : memref<!tpu.dma_semaphore, #tpu.memory_space<semaphore_mem>>) src(%dma_wait3A_229 : memref<80x64xf32, #tpu.memory_space<vmem>>) dst(%dma_wait3A_235 : memref<10000x64xf32, #tpu.memory_space<vmem_shared>>)
        tpu.yield
      }) : () -> ()
    }
    %scan3A_68 = arith.constant 50 : i32
    %barrier3A_69 = arith.constant 0 : index
    tpu.barrier barrier_id(%barrier3A_69)
    %eq3A_70 = arith.constant 0 : i32
    %eq3A_71 = arith.cmpi eq, %arg1, %eq3A_70 : i32
    %convert_element_type3A_72 = arith.extui %eq3A_71 : i1 to i32
    %cond3A_73 = arith.constant 0 : i32
    %cond3A_74 = arith.cmpi ne, %convert_element_type3A_72, %cond3A_73 : i32
    scf.if %cond3A_74 {
      "tpu.region"() ({
        %run_scoped3A = tpu.sem_alloc : memref<!tpu.dma_semaphore, #tpu.memory_space<semaphore_mem>>
        %dma_start3A_75 = arith.constant 0 : i32
        %dma_start3A_76 = arith.constant 0 : i32
        %dma_start3A_77 = tpu.memref_slice %arg6[%arg0, %dma_start3A_75, %dma_start3A_76] : memref<2x10000x64xf32, #tpu.memory_space<hbm>> -> memref<1x10000x64xf32, #tpu.memory_space<hbm>>
        %dma_start3A_78 = tpu.memref_squeeze %dma_start3A_77 : memref<1x10000x64xf32, #tpu.memory_space<hbm>> -> memref<10000x64xf32, #tpu.memory_space<hbm>>
        tpu.enqueue_dma source(%arg10 : memref<10000x64xf32, #tpu.memory_space<vmem_shared>>) target(%dma_start3A_78 : memref<10000x64xf32, #tpu.memory_space<hbm>>) target_semaphore(%run_scoped3A : memref<!tpu.dma_semaphore, #tpu.memory_space<semaphore_mem>>)
        %dma_wait3A = arith.constant 0 : i32
        %dma_wait3A_79 = arith.constant 0 : i32
        %dma_wait3A_80 = tpu.memref_slice %arg6[%arg0, %dma_wait3A, %dma_wait3A_79] : memref<2x10000x64xf32, #tpu.memory_space<hbm>> -> memref<1x10000x64xf32, #tpu.memory_space<hbm>>
        %dma_wait3A_81 = tpu.memref_squeeze %dma_wait3A_80 : memref<1x10000x64xf32, #tpu.memory_space<hbm>> -> memref<10000x64xf32, #tpu.memory_space<hbm>>
        tpu.wait_dma2 semaphore(%run_scoped3A : memref<!tpu.dma_semaphore, #tpu.memory_space<semaphore_mem>>) src(%arg10 : memref<10000x64xf32, #tpu.memory_space<vmem_shared>>) dst(%dma_wait3A_81 : memref<10000x64xf32, #tpu.memory_space<hbm>>)
        tpu.yield
      }) : () -> ()
    } else {
    }
    return
  }
}

#map = affine_map<(d0, d1) -> (0, 0, 0)>
#map1 = affine_map<(d0, d1) -> (0, 0)>
module attributes {stable_mosaic.version = 14 : i64} {
  func.func @_sc_agg_body(%arg0: i32, %arg1: i32, %arg2: memref<2x10000x64xf32, #tpu.memory_space<hbm>>, %arg3: memref<16x250x80xi32, #tpu.memory_space<hbm>>, %arg4: memref<16x250x80xi32, #tpu.memory_space<hbm>>, %arg5: memref<10000x64xf32, #tpu.memory_space<hbm>>, %arg6: memref<2x10000x64xf32, #tpu.memory_space<hbm>>, %arg7: memref<250x80xi32, #tpu.memory_space<vmem>>, %arg8: memref<250x80xi32, #tpu.memory_space<vmem>>, %arg9: memref<5x80x64xf32, #tpu.memory_space<vmem>>, %arg10: memref<10000x64xf32, #tpu.memory_space<vmem_shared>>, %arg11: memref<!tpu.dma_semaphore, #tpu.memory_space<semaphore_mem>>, %arg12: memref<!tpu.dma_semaphore, #tpu.memory_space<semaphore_mem>>, %arg13: memref<!tpu.dma_semaphore, #tpu.memory_space<semaphore_mem>>, %arg14: memref<!tpu.dma_semaphore, #tpu.memory_space<semaphore_mem>>, %arg15: memref<!tpu.dma_semaphore, #tpu.memory_space<semaphore_mem>>) attributes {dimension_semantics = [#tpu.dimension_semantics<core_parallel>, #tpu.dimension_semantics<subcore_parallel>], iteration_bounds = array<i64: 2, 16>, scalar_prefetch = 0 : i64, scratch_operands = 9 : i64, tpu.core_type = #tpu.core_type<sc_vector_subcore>, window_params = [{transform_indices = #map}, {transform_indices = #map}, {transform_indices = #map}, {transform_indices = #map1}, {transform_indices = #map}]} {
    %eq3A = arith.constant 0 : i32
    %eq3A_0 = arith.cmpi eq, %arg1, %eq3A : i32
    %convert_element_type3A = arith.extui %eq3A_0 : i1 to i32
    %cond3A = arith.constant 0 : i32
    %cond3A_1 = arith.cmpi ne, %convert_element_type3A, %cond3A : i32
    scf.if %cond3A_1 {
      "tpu.region"() ({
        %run_scoped3A = tpu.sem_alloc : memref<!tpu.dma_semaphore, #tpu.memory_space<semaphore_mem>>
        tpu.enqueue_dma source(%arg5 : memref<10000x64xf32, #tpu.memory_space<hbm>>) target(%arg10 : memref<10000x64xf32, #tpu.memory_space<vmem_shared>>) target_semaphore(%run_scoped3A : memref<!tpu.dma_semaphore, #tpu.memory_space<semaphore_mem>>)
        tpu.wait_dma2 semaphore(%run_scoped3A : memref<!tpu.dma_semaphore, #tpu.memory_space<semaphore_mem>>) src(%arg5 : memref<10000x64xf32, #tpu.memory_space<hbm>>) dst(%arg10 : memref<10000x64xf32, #tpu.memory_space<vmem_shared>>)
        tpu.yield
      }) : () -> ()
    } else {
    }
    "tpu.region"() ({
      %run_scoped3A = tpu.sem_alloc : memref<!tpu.dma_semaphore, #tpu.memory_space<semaphore_mem>>
      %dma_start3A_75 = arith.constant 0 : i32
      %dma_start3A_76 = arith.constant 0 : i32
      %dma_start3A_77 = tpu.memref_slice %arg3[%arg1, %dma_start3A_75, %dma_start3A_76] : memref<16x250x80xi32, #tpu.memory_space<hbm>> -> memref<1x250x80xi32, #tpu.memory_space<hbm>>
      %dma_start3A_78 = tpu.memref_squeeze %dma_start3A_77 : memref<1x250x80xi32, #tpu.memory_space<hbm>> -> memref<250x80xi32, #tpu.memory_space<hbm>>
      %dma_start3A_79 = arith.constant 0 : i32
      %dma_start3A_80 = arith.constant 0 : i32
      %dma_start3A_81 = tpu.memref_slice %arg3[%arg1, %dma_start3A_79, %dma_start3A_80] : memref<16x250x80xi32, #tpu.memory_space<hbm>> -> memref<1x250x80xi32, #tpu.memory_space<hbm>>
      %dma_start3A_82 = tpu.memref_squeeze %dma_start3A_81 : memref<1x250x80xi32, #tpu.memory_space<hbm>> -> memref<250x80xi32, #tpu.memory_space<hbm>>
      tpu.enqueue_dma source(%dma_start3A_82 : memref<250x80xi32, #tpu.memory_space<hbm>>) target(%arg7 : memref<250x80xi32, #tpu.memory_space<vmem>>) target_semaphore(%run_scoped3A : memref<!tpu.dma_semaphore, #tpu.memory_space<semaphore_mem>>)
      %dma_wait3A = arith.constant 0 : i32
      %dma_wait3A_83 = arith.constant 0 : i32
      %dma_wait3A_84 = tpu.memref_slice %arg3[%arg1, %dma_wait3A, %dma_wait3A_83] : memref<16x250x80xi32, #tpu.memory_space<hbm>> -> memref<1x250x80xi32, #tpu.memory_space<hbm>>
      %dma_wait3A_85 = tpu.memref_squeeze %dma_wait3A_84 : memref<1x250x80xi32, #tpu.memory_space<hbm>> -> memref<250x80xi32, #tpu.memory_space<hbm>>
      %dma_wait3A_86 = arith.constant 0 : i32
      %dma_wait3A_87 = arith.constant 0 : i32
      %dma_wait3A_88 = tpu.memref_slice %arg3[%arg1, %dma_wait3A_86, %dma_wait3A_87] : memref<16x250x80xi32, #tpu.memory_space<hbm>> -> memref<1x250x80xi32, #tpu.memory_space<hbm>>
      %dma_wait3A_89 = tpu.memref_squeeze %dma_wait3A_88 : memref<1x250x80xi32, #tpu.memory_space<hbm>> -> memref<250x80xi32, #tpu.memory_space<hbm>>
      tpu.wait_dma2 semaphore(%run_scoped3A : memref<!tpu.dma_semaphore, #tpu.memory_space<semaphore_mem>>) src(%dma_wait3A_89 : memref<250x80xi32, #tpu.memory_space<hbm>>) dst(%arg7 : memref<250x80xi32, #tpu.memory_space<vmem>>)
      tpu.yield
    }) : () -> ()
    "tpu.region"() ({
      %run_scoped3A = tpu.sem_alloc : memref<!tpu.dma_semaphore, #tpu.memory_space<semaphore_mem>>
      %dma_start3A_75 = arith.constant 0 : i32
      %dma_start3A_76 = arith.constant 0 : i32
      %dma_start3A_77 = tpu.memref_slice %arg4[%arg1, %dma_start3A_75, %dma_start3A_76] : memref<16x250x80xi32, #tpu.memory_space<hbm>> -> memref<1x250x80xi32, #tpu.memory_space<hbm>>
      %dma_start3A_78 = tpu.memref_squeeze %dma_start3A_77 : memref<1x250x80xi32, #tpu.memory_space<hbm>> -> memref<250x80xi32, #tpu.memory_space<hbm>>
      %dma_start3A_79 = arith.constant 0 : i32
      %dma_start3A_80 = arith.constant 0 : i32
      %dma_start3A_81 = tpu.memref_slice %arg4[%arg1, %dma_start3A_79, %dma_start3A_80] : memref<16x250x80xi32, #tpu.memory_space<hbm>> -> memref<1x250x80xi32, #tpu.memory_space<hbm>>
      %dma_start3A_82 = tpu.memref_squeeze %dma_start3A_81 : memref<1x250x80xi32, #tpu.memory_space<hbm>> -> memref<250x80xi32, #tpu.memory_space<hbm>>
      tpu.enqueue_dma source(%dma_start3A_82 : memref<250x80xi32, #tpu.memory_space<hbm>>) target(%arg8 : memref<250x80xi32, #tpu.memory_space<vmem>>) target_semaphore(%run_scoped3A : memref<!tpu.dma_semaphore, #tpu.memory_space<semaphore_mem>>)
      %dma_wait3A = arith.constant 0 : i32
      %dma_wait3A_83 = arith.constant 0 : i32
      %dma_wait3A_84 = tpu.memref_slice %arg4[%arg1, %dma_wait3A, %dma_wait3A_83] : memref<16x250x80xi32, #tpu.memory_space<hbm>> -> memref<1x250x80xi32, #tpu.memory_space<hbm>>
      %dma_wait3A_85 = tpu.memref_squeeze %dma_wait3A_84 : memref<1x250x80xi32, #tpu.memory_space<hbm>> -> memref<250x80xi32, #tpu.memory_space<hbm>>
      %dma_wait3A_86 = arith.constant 0 : i32
      %dma_wait3A_87 = arith.constant 0 : i32
      %dma_wait3A_88 = tpu.memref_slice %arg4[%arg1, %dma_wait3A_86, %dma_wait3A_87] : memref<16x250x80xi32, #tpu.memory_space<hbm>> -> memref<1x250x80xi32, #tpu.memory_space<hbm>>
      %dma_wait3A_89 = tpu.memref_squeeze %dma_wait3A_88 : memref<1x250x80xi32, #tpu.memory_space<hbm>> -> memref<250x80xi32, #tpu.memory_space<hbm>>
      tpu.wait_dma2 semaphore(%run_scoped3A : memref<!tpu.dma_semaphore, #tpu.memory_space<semaphore_mem>>) src(%dma_wait3A_89 : memref<250x80xi32, #tpu.memory_space<hbm>>) dst(%arg8 : memref<250x80xi32, #tpu.memory_space<vmem>>)
      tpu.yield
    }) : () -> ()
    %barrier3A = arith.constant 0 : index
    tpu.barrier barrier_id(%barrier3A)
    %dma_start3A = arith.constant 0 : i32
    %dma_start3A_2 = arith.constant 0 : i32
    %dma_start3A_3 = arith.constant 0 : i32
    %dma_start3A_4 = arith.constant 0 : i32
    %dma_start3A_5 = tpu.memref_slice %arg9[%dma_start3A_2, %dma_start3A_3, %dma_start3A_4] : memref<5x80x64xf32, #tpu.memory_space<vmem>> -> memref<1x80x64xf32, #tpu.memory_space<vmem>>
    %dma_start3A_6 = tpu.memref_squeeze %dma_start3A_5 : memref<1x80x64xf32, #tpu.memory_space<vmem>> -> memref<80x64xf32, #tpu.memory_space<vmem>>
    %dma_start3A_7 = arith.constant 0 : i32
    %dma_start3A_8 = tpu.memref_slice %arg7[%dma_start3A, %dma_start3A_7] : memref<250x80xi32, #tpu.memory_space<vmem>> -> memref<1x80xi32, #tpu.memory_space<vmem>>
    %dma_start3A_9 = tpu.memref_squeeze %dma_start3A_8 : memref<1x80xi32, #tpu.memory_space<vmem>> -> memref<80xi32, #tpu.memory_space<vmem>>
    %dma_start3A_10 = arith.constant 0 : i32
    %dma_start3A_11 = arith.constant 0 : i32
    %dma_start3A_12 = tpu.memref_slice %arg2[%arg0, %dma_start3A_10, %dma_start3A_11] : memref<2x10000x64xf32, #tpu.memory_space<hbm>> -> memref<1x10000x64xf32, #tpu.memory_space<hbm>>
    %dma_start3A_13 = tpu.memref_squeeze %dma_start3A_12 : memref<1x10000x64xf32, #tpu.memory_space<hbm>> -> memref<10000x64xf32, #tpu.memory_space<hbm>>
    %dma_start3A_14 = arith.constant 0 : i32
    %dma_start3A_15 = arith.constant 0 : i32
    %dma_start3A_16 = tpu.memref_slice %dma_start3A_13[%dma_start3A_14, %dma_start3A_15] : memref<10000x64xf32, #tpu.memory_space<hbm>> -> memref<10000x64xf32, #tpu.memory_space<hbm>>
    tpu.enqueue_indirect_dma source(%dma_start3A_16 : memref<10000x64xf32, #tpu.memory_space<hbm>>) target(%dma_start3A_6 : memref<80x64xf32, #tpu.memory_space<vmem>>) offsets(%dma_start3A_9 : memref<80xi32, #tpu.memory_space<vmem>>) semaphore(%arg11 : memref<!tpu.dma_semaphore, #tpu.memory_space<semaphore_mem>>)
    %dma_start3A_17 = arith.constant 1 : i32
    %dma_start3A_18 = arith.constant 1 : i32
    %dma_start3A_19 = arith.constant 0 : i32
    %dma_start3A_20 = arith.constant 0 : i32
    %dma_start3A_21 = tpu.memref_slice %arg9[%dma_start3A_18, %dma_start3A_19, %dma_start3A_20] : memref<5x80x64xf32, #tpu.memory_space<vmem>> -> memref<1x80x64xf32, #tpu.memory_space<vmem>>
    %dma_start3A_22 = tpu.memref_squeeze %dma_start3A_21 : memref<1x80x64xf32, #tpu.memory_space<vmem>> -> memref<80x64xf32, #tpu.memory_space<vmem>>
    %dma_start3A_23 = arith.constant 0 : i32
    %dma_start3A_24 = tpu.memref_slice %arg7[%dma_start3A_17, %dma_start3A_23] : memref<250x80xi32, #tpu.memory_space<vmem>> -> memref<1x80xi32, #tpu.memory_space<vmem>>
    %dma_start3A_25 = tpu.memref_squeeze %dma_start3A_24 : memref<1x80xi32, #tpu.memory_space<vmem>> -> memref<80xi32, #tpu.memory_space<vmem>>
    %dma_start3A_26 = arith.constant 0 : i32
    %dma_start3A_27 = arith.constant 0 : i32
    %dma_start3A_28 = tpu.memref_slice %arg2[%arg0, %dma_start3A_26, %dma_start3A_27] : memref<2x10000x64xf32, #tpu.memory_space<hbm>> -> memref<1x10000x64xf32, #tpu.memory_space<hbm>>
    %dma_start3A_29 = tpu.memref_squeeze %dma_start3A_28 : memref<1x10000x64xf32, #tpu.memory_space<hbm>> -> memref<10000x64xf32, #tpu.memory_space<hbm>>
    %dma_start3A_30 = arith.constant 0 : i32
    %dma_start3A_31 = arith.constant 0 : i32
    %dma_start3A_32 = tpu.memref_slice %dma_start3A_29[%dma_start3A_30, %dma_start3A_31] : memref<10000x64xf32, #tpu.memory_space<hbm>> -> memref<10000x64xf32, #tpu.memory_space<hbm>>
    tpu.enqueue_indirect_dma source(%dma_start3A_32 : memref<10000x64xf32, #tpu.memory_space<hbm>>) target(%dma_start3A_22 : memref<80x64xf32, #tpu.memory_space<vmem>>) offsets(%dma_start3A_25 : memref<80xi32, #tpu.memory_space<vmem>>) semaphore(%arg12 : memref<!tpu.dma_semaphore, #tpu.memory_space<semaphore_mem>>)
    %dma_start3A_33 = arith.constant 2 : i32
    %dma_start3A_34 = arith.constant 2 : i32
    %dma_start3A_35 = arith.constant 0 : i32
    %dma_start3A_36 = arith.constant 0 : i32
    %dma_start3A_37 = tpu.memref_slice %arg9[%dma_start3A_34, %dma_start3A_35, %dma_start3A_36] : memref<5x80x64xf32, #tpu.memory_space<vmem>> -> memref<1x80x64xf32, #tpu.memory_space<vmem>>
    %dma_start3A_38 = tpu.memref_squeeze %dma_start3A_37 : memref<1x80x64xf32, #tpu.memory_space<vmem>> -> memref<80x64xf32, #tpu.memory_space<vmem>>
    %dma_start3A_39 = arith.constant 0 : i32
    %dma_start3A_40 = tpu.memref_slice %arg7[%dma_start3A_33, %dma_start3A_39] : memref<250x80xi32, #tpu.memory_space<vmem>> -> memref<1x80xi32, #tpu.memory_space<vmem>>
    %dma_start3A_41 = tpu.memref_squeeze %dma_start3A_40 : memref<1x80xi32, #tpu.memory_space<vmem>> -> memref<80xi32, #tpu.memory_space<vmem>>
    %dma_start3A_42 = arith.constant 0 : i32
    %dma_start3A_43 = arith.constant 0 : i32
    %dma_start3A_44 = tpu.memref_slice %arg2[%arg0, %dma_start3A_42, %dma_start3A_43] : memref<2x10000x64xf32, #tpu.memory_space<hbm>> -> memref<1x10000x64xf32, #tpu.memory_space<hbm>>
    %dma_start3A_45 = tpu.memref_squeeze %dma_start3A_44 : memref<1x10000x64xf32, #tpu.memory_space<hbm>> -> memref<10000x64xf32, #tpu.memory_space<hbm>>
    %dma_start3A_46 = arith.constant 0 : i32
    %dma_start3A_47 = arith.constant 0 : i32
    %dma_start3A_48 = tpu.memref_slice %dma_start3A_45[%dma_start3A_46, %dma_start3A_47] : memref<10000x64xf32, #tpu.memory_space<hbm>> -> memref<10000x64xf32, #tpu.memory_space<hbm>>
    tpu.enqueue_indirect_dma source(%dma_start3A_48 : memref<10000x64xf32, #tpu.memory_space<hbm>>) target(%dma_start3A_38 : memref<80x64xf32, #tpu.memory_space<vmem>>) offsets(%dma_start3A_41 : memref<80xi32, #tpu.memory_space<vmem>>) semaphore(%arg13 : memref<!tpu.dma_semaphore, #tpu.memory_space<semaphore_mem>>)
    %dma_start3A_49 = arith.constant 3 : i32
    %dma_start3A_50 = arith.constant 3 : i32
    %dma_start3A_51 = arith.constant 0 : i32
    %dma_start3A_52 = arith.constant 0 : i32
    %dma_start3A_53 = tpu.memref_slice %arg9[%dma_start3A_50, %dma_start3A_51, %dma_start3A_52] : memref<5x80x64xf32, #tpu.memory_space<vmem>> -> memref<1x80x64xf32, #tpu.memory_space<vmem>>
    %dma_start3A_54 = tpu.memref_squeeze %dma_start3A_53 : memref<1x80x64xf32, #tpu.memory_space<vmem>> -> memref<80x64xf32, #tpu.memory_space<vmem>>
    %dma_start3A_55 = arith.constant 0 : i32
    %dma_start3A_56 = tpu.memref_slice %arg7[%dma_start3A_49, %dma_start3A_55] : memref<250x80xi32, #tpu.memory_space<vmem>> -> memref<1x80xi32, #tpu.memory_space<vmem>>
    %dma_start3A_57 = tpu.memref_squeeze %dma_start3A_56 : memref<1x80xi32, #tpu.memory_space<vmem>> -> memref<80xi32, #tpu.memory_space<vmem>>
    %dma_start3A_58 = arith.constant 0 : i32
    %dma_start3A_59 = arith.constant 0 : i32
    %dma_start3A_60 = tpu.memref_slice %arg2[%arg0, %dma_start3A_58, %dma_start3A_59] : memref<2x10000x64xf32, #tpu.memory_space<hbm>> -> memref<1x10000x64xf32, #tpu.memory_space<hbm>>
    %dma_start3A_61 = tpu.memref_squeeze %dma_start3A_60 : memref<1x10000x64xf32, #tpu.memory_space<hbm>> -> memref<10000x64xf32, #tpu.memory_space<hbm>>
    %dma_start3A_62 = arith.constant 0 : i32
    %dma_start3A_63 = arith.constant 0 : i32
    %dma_start3A_64 = tpu.memref_slice %dma_start3A_61[%dma_start3A_62, %dma_start3A_63] : memref<10000x64xf32, #tpu.memory_space<hbm>> -> memref<10000x64xf32, #tpu.memory_space<hbm>>
    tpu.enqueue_indirect_dma source(%dma_start3A_64 : memref<10000x64xf32, #tpu.memory_space<hbm>>) target(%dma_start3A_54 : memref<80x64xf32, #tpu.memory_space<vmem>>) offsets(%dma_start3A_57 : memref<80xi32, #tpu.memory_space<vmem>>) semaphore(%arg14 : memref<!tpu.dma_semaphore, #tpu.memory_space<semaphore_mem>>)
    %scan3A = arith.constant 0 : i32
    %scan3A_65 = arith.constant 50 : i32
    %scan3A_66 = arith.addi %scan3A, %scan3A_65 : i32
    %scan3A_67 = arith.constant 1 : i32
    scf.for %scan3A_75 = %scan3A to %scan3A_66 step %scan3A_67  : i32 {
      %mul3A = arith.constant 5 : i32
      %mul3A_76 = arith.muli %mul3A, %scan3A_75 : i32
      %add3A = arith.constant 0 : i32
      %add3A_77 = arith.addi %mul3A_76, %add3A : i32
      %dma_wait3A = arith.constant 0 : i32
      %dma_wait3A_78 = arith.constant 0 : i32
      %dma_wait3A_79 = arith.constant 0 : i32
      %dma_wait3A_80 = tpu.memref_slice %arg9[%dma_wait3A, %dma_wait3A_78, %dma_wait3A_79] : memref<5x80x64xf32, #tpu.memory_space<vmem>> -> memref<1x80x64xf32, #tpu.memory_space<vmem>>
      %dma_wait3A_81 = tpu.memref_squeeze %dma_wait3A_80 : memref<1x80x64xf32, #tpu.memory_space<vmem>> -> memref<80x64xf32, #tpu.memory_space<vmem>>
      %dma_wait3A_82 = arith.constant 0 : i32
      %dma_wait3A_83 = tpu.memref_slice %arg7[%add3A_77, %dma_wait3A_82] : memref<250x80xi32, #tpu.memory_space<vmem>> -> memref<1x80xi32, #tpu.memory_space<vmem>>
      %dma_wait3A_84 = tpu.memref_squeeze %dma_wait3A_83 : memref<1x80xi32, #tpu.memory_space<vmem>> -> memref<80xi32, #tpu.memory_space<vmem>>
      %dma_wait3A_85 = arith.constant 0 : i32
      %dma_wait3A_86 = arith.constant 0 : i32
      %dma_wait3A_87 = tpu.memref_slice %arg2[%arg0, %dma_wait3A_85, %dma_wait3A_86] : memref<2x10000x64xf32, #tpu.memory_space<hbm>> -> memref<1x10000x64xf32, #tpu.memory_space<hbm>>
      %dma_wait3A_88 = tpu.memref_squeeze %dma_wait3A_87 : memref<1x10000x64xf32, #tpu.memory_space<hbm>> -> memref<10000x64xf32, #tpu.memory_space<hbm>>
      %dma_wait3A_89 = arith.constant 0 : i32
      %dma_wait3A_90 = arith.constant 0 : i32
      %dma_wait3A_91 = tpu.memref_slice %dma_wait3A_88[%dma_wait3A_89, %dma_wait3A_90] : memref<10000x64xf32, #tpu.memory_space<hbm>> -> memref<10000x64xf32, #tpu.memory_space<hbm>>
      tpu.wait_indirect_dma semaphore(%arg11 : memref<!tpu.dma_semaphore, #tpu.memory_space<semaphore_mem>>) src(%dma_wait3A_91 : memref<10000x64xf32, #tpu.memory_space<hbm>>) dst(%dma_wait3A_81 : memref<80x64xf32, #tpu.memory_space<vmem>>)
      %add3A_92 = arith.constant 5 : i32
      %add3A_93 = arith.addi %add3A_77, %add3A_92 : i32
      %sub3A = arith.constant 1 : i32
      %sub3A_94 = arith.subi %add3A_93, %sub3A : i32
      %lt3A = arith.constant 250 : i32
      %lt3A_95 = arith.cmpi slt, %sub3A_94, %lt3A : i32
      %convert_element_type3A_96 = arith.extui %lt3A_95 : i1 to i32
      %cond3A_97 = arith.constant 0 : i32
      %cond3A_98 = arith.cmpi ne, %convert_element_type3A_96, %cond3A_97 : i32
      scf.if %cond3A_98 {
        %add3A_215 = arith.constant 5 : i32
        %add3A_216 = arith.addi %add3A_77, %add3A_215 : i32
        %sub3A_217 = arith.constant 1 : i32
        %sub3A_218 = arith.subi %add3A_216, %sub3A_217 : i32
        %dma_start3A_219 = arith.constant 4 : i32
        %dma_start3A_220 = arith.constant 0 : i32
        %dma_start3A_221 = arith.constant 0 : i32
        %dma_start3A_222 = tpu.memref_slice %arg9[%dma_start3A_219, %dma_start3A_220, %dma_start3A_221] : memref<5x80x64xf32, #tpu.memory_space<vmem>> -> memref<1x80x64xf32, #tpu.memory_space<vmem>>
        %dma_start3A_223 = tpu.memref_squeeze %dma_start3A_222 : memref<1x80x64xf32, #tpu.memory_space<vmem>> -> memref<80x64xf32, #tpu.memory_space<vmem>>
        %dma_start3A_224 = arith.constant 0 : i32
        %dma_start3A_225 = tpu.memref_slice %arg7[%sub3A_218, %dma_start3A_224] : memref<250x80xi32, #tpu.memory_space<vmem>> -> memref<1x80xi32, #tpu.memory_space<vmem>>
        %dma_start3A_226 = tpu.memref_squeeze %dma_start3A_225 : memref<1x80xi32, #tpu.memory_space<vmem>> -> memref<80xi32, #tpu.memory_space<vmem>>
        %dma_start3A_227 = arith.constant 0 : i32
        %dma_start3A_228 = arith.constant 0 : i32
        %dma_start3A_229 = tpu.memref_slice %arg2[%arg0, %dma_start3A_227, %dma_start3A_228] : memref<2x10000x64xf32, #tpu.memory_space<hbm>> -> memref<1x10000x64xf32, #tpu.memory_space<hbm>>
        %dma_start3A_230 = tpu.memref_squeeze %dma_start3A_229 : memref<1x10000x64xf32, #tpu.memory_space<hbm>> -> memref<10000x64xf32, #tpu.memory_space<hbm>>
        %dma_start3A_231 = arith.constant 0 : i32
        %dma_start3A_232 = arith.constant 0 : i32
        %dma_start3A_233 = tpu.memref_slice %dma_start3A_230[%dma_start3A_231, %dma_start3A_232] : memref<10000x64xf32, #tpu.memory_space<hbm>> -> memref<10000x64xf32, #tpu.memory_space<hbm>>
        tpu.enqueue_indirect_dma source(%dma_start3A_233 : memref<10000x64xf32, #tpu.memory_space<hbm>>) target(%dma_start3A_223 : memref<80x64xf32, #tpu.memory_space<vmem>>) offsets(%dma_start3A_226 : memref<80xi32, #tpu.memory_space<vmem>>) semaphore(%arg15 : memref<!tpu.dma_semaphore, #tpu.memory_space<semaphore_mem>>)
      } else {
      }
      %run_scoped3A = arith.constant 0 : i32
      "tpu.region"() ({
        %run_scoped3A_215 = tpu.sem_alloc : memref<!tpu.dma_semaphore, #tpu.memory_space<semaphore_mem>>
        %dma_start3A_216 = arith.constant 0 : i32
        %dma_start3A_217 = arith.constant 0 : i32
        %dma_start3A_218 = tpu.memref_slice %arg9[%run_scoped3A, %dma_start3A_216, %dma_start3A_217] : memref<5x80x64xf32, #tpu.memory_space<vmem>> -> memref<1x80x64xf32, #tpu.memory_space<vmem>>
        %dma_start3A_219 = tpu.memref_squeeze %dma_start3A_218 : memref<1x80x64xf32, #tpu.memory_space<vmem>> -> memref<80x64xf32, #tpu.memory_space<vmem>>
        %dma_start3A_220 = arith.constant 0 : i32
        %dma_start3A_221 = tpu.memref_slice %arg8[%add3A_77, %dma_start3A_220] : memref<250x80xi32, #tpu.memory_space<vmem>> -> memref<1x80xi32, #tpu.memory_space<vmem>>
        %dma_start3A_222 = tpu.memref_squeeze %dma_start3A_221 : memref<1x80xi32, #tpu.memory_space<vmem>> -> memref<80xi32, #tpu.memory_space<vmem>>
        %dma_start3A_223 = arith.constant 0 : i32
        %dma_start3A_224 = arith.constant 0 : i32
        %dma_start3A_225 = tpu.memref_slice %arg10[%dma_start3A_223, %dma_start3A_224] : memref<10000x64xf32, #tpu.memory_space<vmem_shared>> -> memref<10000x64xf32, #tpu.memory_space<vmem_shared>>
        tpu.enqueue_indirect_dma source(%dma_start3A_219 : memref<80x64xf32, #tpu.memory_space<vmem>>) target(%dma_start3A_225 : memref<10000x64xf32, #tpu.memory_space<vmem_shared>>) offsets(%dma_start3A_222 : memref<80xi32, #tpu.memory_space<vmem>>) semaphore(%run_scoped3A_215 : memref<!tpu.dma_semaphore, #tpu.memory_space<semaphore_mem>>) {add = true}
        %dma_wait3A_226 = arith.constant 0 : i32
        %dma_wait3A_227 = arith.constant 0 : i32
        %dma_wait3A_228 = tpu.memref_slice %arg9[%run_scoped3A, %dma_wait3A_226, %dma_wait3A_227] : memref<5x80x64xf32, #tpu.memory_space<vmem>> -> memref<1x80x64xf32, #tpu.memory_space<vmem>>
        %dma_wait3A_229 = tpu.memref_squeeze %dma_wait3A_228 : memref<1x80x64xf32, #tpu.memory_space<vmem>> -> memref<80x64xf32, #tpu.memory_space<vmem>>
        %dma_wait3A_230 = arith.constant 0 : i32
        %dma_wait3A_231 = tpu.memref_slice %arg8[%add3A_77, %dma_wait3A_230] : memref<250x80xi32, #tpu.memory_space<vmem>> -> memref<1x80xi32, #tpu.memory_space<vmem>>
        %dma_wait3A_232 = tpu.memref_squeeze %dma_wait3A_231 : memref<1x80xi32, #tpu.memory_space<vmem>> -> memref<80xi32, #tpu.memory_space<vmem>>
        %dma_wait3A_233 = arith.constant 0 : i32
        %dma_wait3A_234 = arith.constant 0 : i32
        %dma_wait3A_235 = tpu.memref_slice %arg10[%dma_wait3A_233, %dma_wait3A_234] : memref<10000x64xf32, #tpu.memory_space<vmem_shared>> -> memref<10000x64xf32, #tpu.memory_space<vmem_shared>>
        tpu.wait_indirect_dma semaphore(%run_scoped3A_215 : memref<!tpu.dma_semaphore, #tpu.memory_space<semaphore_mem>>) src(%dma_wait3A_229 : memref<80x64xf32, #tpu.memory_space<vmem>>) dst(%dma_wait3A_235 : memref<10000x64xf32, #tpu.memory_space<vmem_shared>>)
        tpu.yield
      }) : () -> ()
      %mul3A_99 = arith.constant 5 : i32
      %mul3A_100 = arith.muli %mul3A_99, %scan3A_75 : i32
      %add3A_101 = arith.constant 1 : i32
      %add3A_102 = arith.addi %mul3A_100, %add3A_101 : i32
      %dma_wait3A_103 = arith.constant 1 : i32
      %dma_wait3A_104 = arith.constant 0 : i32
      %dma_wait3A_105 = arith.constant 0 : i32
      %dma_wait3A_106 = tpu.memref_slice %arg9[%dma_wait3A_103, %dma_wait3A_104, %dma_wait3A_105] : memref<5x80x64xf32, #tpu.memory_space<vmem>> -> memref<1x80x64xf32, #tpu.memory_space<vmem>>
      %dma_wait3A_107 = tpu.memref_squeeze %dma_wait3A_106 : memref<1x80x64xf32, #tpu.memory_space<vmem>> -> memref<80x64xf32, #tpu.memory_space<vmem>>
      %dma_wait3A_108 = arith.constant 0 : i32
      %dma_wait3A_109 = tpu.memref_slice %arg7[%add3A_102, %dma_wait3A_108] : memref<250x80xi32, #tpu.memory_space<vmem>> -> memref<1x80xi32, #tpu.memory_space<vmem>>
      %dma_wait3A_110 = tpu.memref_squeeze %dma_wait3A_109 : memref<1x80xi32, #tpu.memory_space<vmem>> -> memref<80xi32, #tpu.memory_space<vmem>>
      %dma_wait3A_111 = arith.constant 0 : i32
      %dma_wait3A_112 = arith.constant 0 : i32
      %dma_wait3A_113 = tpu.memref_slice %arg2[%arg0, %dma_wait3A_111, %dma_wait3A_112] : memref<2x10000x64xf32, #tpu.memory_space<hbm>> -> memref<1x10000x64xf32, #tpu.memory_space<hbm>>
      %dma_wait3A_114 = tpu.memref_squeeze %dma_wait3A_113 : memref<1x10000x64xf32, #tpu.memory_space<hbm>> -> memref<10000x64xf32, #tpu.memory_space<hbm>>
      %dma_wait3A_115 = arith.constant 0 : i32
      %dma_wait3A_116 = arith.constant 0 : i32
      %dma_wait3A_117 = tpu.memref_slice %dma_wait3A_114[%dma_wait3A_115, %dma_wait3A_116] : memref<10000x64xf32, #tpu.memory_space<hbm>> -> memref<10000x64xf32, #tpu.memory_space<hbm>>
      tpu.wait_indirect_dma semaphore(%arg12 : memref<!tpu.dma_semaphore, #tpu.memory_space<semaphore_mem>>) src(%dma_wait3A_117 : memref<10000x64xf32, #tpu.memory_space<hbm>>) dst(%dma_wait3A_107 : memref<80x64xf32, #tpu.memory_space<vmem>>)
      %add3A_118 = arith.constant 5 : i32
      %add3A_119 = arith.addi %add3A_102, %add3A_118 : i32
      %sub3A_120 = arith.constant 1 : i32
      %sub3A_121 = arith.subi %add3A_119, %sub3A_120 : i32
      %lt3A_122 = arith.constant 250 : i32
      %lt3A_123 = arith.cmpi slt, %sub3A_121, %lt3A_122 : i32
      %convert_element_type3A_124 = arith.extui %lt3A_123 : i1 to i32
      %cond3A_125 = arith.constant 0 : i32
      %cond3A_126 = arith.cmpi ne, %convert_element_type3A_124, %cond3A_125 : i32
      scf.if %cond3A_126 {
        %add3A_215 = arith.constant 5 : i32
        %add3A_216 = arith.addi %add3A_102, %add3A_215 : i32
        %sub3A_217 = arith.constant 1 : i32
        %sub3A_218 = arith.subi %add3A_216, %sub3A_217 : i32
        %dma_start3A_219 = arith.constant 0 : i32
        %dma_start3A_220 = arith.constant 0 : i32
        %dma_start3A_221 = arith.constant 0 : i32
        %dma_start3A_222 = tpu.memref_slice %arg9[%dma_start3A_219, %dma_start3A_220, %dma_start3A_221] : memref<5x80x64xf32, #tpu.memory_space<vmem>> -> memref<1x80x64xf32, #tpu.memory_space<vmem>>
        %dma_start3A_223 = tpu.memref_squeeze %dma_start3A_222 : memref<1x80x64xf32, #tpu.memory_space<vmem>> -> memref<80x64xf32, #tpu.memory_space<vmem>>
        %dma_start3A_224 = arith.constant 0 : i32
        %dma_start3A_225 = tpu.memref_slice %arg7[%sub3A_218, %dma_start3A_224] : memref<250x80xi32, #tpu.memory_space<vmem>> -> memref<1x80xi32, #tpu.memory_space<vmem>>
        %dma_start3A_226 = tpu.memref_squeeze %dma_start3A_225 : memref<1x80xi32, #tpu.memory_space<vmem>> -> memref<80xi32, #tpu.memory_space<vmem>>
        %dma_start3A_227 = arith.constant 0 : i32
        %dma_start3A_228 = arith.constant 0 : i32
        %dma_start3A_229 = tpu.memref_slice %arg2[%arg0, %dma_start3A_227, %dma_start3A_228] : memref<2x10000x64xf32, #tpu.memory_space<hbm>> -> memref<1x10000x64xf32, #tpu.memory_space<hbm>>
        %dma_start3A_230 = tpu.memref_squeeze %dma_start3A_229 : memref<1x10000x64xf32, #tpu.memory_space<hbm>> -> memref<10000x64xf32, #tpu.memory_space<hbm>>
        %dma_start3A_231 = arith.constant 0 : i32
        %dma_start3A_232 = arith.constant 0 : i32
        %dma_start3A_233 = tpu.memref_slice %dma_start3A_230[%dma_start3A_231, %dma_start3A_232] : memref<10000x64xf32, #tpu.memory_space<hbm>> -> memref<10000x64xf32, #tpu.memory_space<hbm>>
        tpu.enqueue_indirect_dma source(%dma_start3A_233 : memref<10000x64xf32, #tpu.memory_space<hbm>>) target(%dma_start3A_223 : memref<80x64xf32, #tpu.memory_space<vmem>>) offsets(%dma_start3A_226 : memref<80xi32, #tpu.memory_space<vmem>>) semaphore(%arg11 : memref<!tpu.dma_semaphore, #tpu.memory_space<semaphore_mem>>)
      } else {
      }
      %run_scoped3A_127 = arith.constant 1 : i32
      "tpu.region"() ({
        %run_scoped3A_215 = tpu.sem_alloc : memref<!tpu.dma_semaphore, #tpu.memory_space<semaphore_mem>>
        %dma_start3A_216 = arith.constant 0 : i32
        %dma_start3A_217 = arith.constant 0 : i32
        %dma_start3A_218 = tpu.memref_slice %arg9[%run_scoped3A_127, %dma_start3A_216, %dma_start3A_217] : memref<5x80x64xf32, #tpu.memory_space<vmem>> -> memref<1x80x64xf32, #tpu.memory_space<vmem>>
        %dma_start3A_219 = tpu.memref_squeeze %dma_start3A_218 : memref<1x80x64xf32, #tpu.memory_space<vmem>> -> memref<80x64xf32, #tpu.memory_space<vmem>>
        %dma_start3A_220 = arith.constant 0 : i32
        %dma_start3A_221 = tpu.memref_slice %arg8[%add3A_102, %dma_start3A_220] : memref<250x80xi32, #tpu.memory_space<vmem>> -> memref<1x80xi32, #tpu.memory_space<vmem>>
        %dma_start3A_222 = tpu.memref_squeeze %dma_start3A_221 : memref<1x80xi32, #tpu.memory_space<vmem>> -> memref<80xi32, #tpu.memory_space<vmem>>
        %dma_start3A_223 = arith.constant 0 : i32
        %dma_start3A_224 = arith.constant 0 : i32
        %dma_start3A_225 = tpu.memref_slice %arg10[%dma_start3A_223, %dma_start3A_224] : memref<10000x64xf32, #tpu.memory_space<vmem_shared>> -> memref<10000x64xf32, #tpu.memory_space<vmem_shared>>
        tpu.enqueue_indirect_dma source(%dma_start3A_219 : memref<80x64xf32, #tpu.memory_space<vmem>>) target(%dma_start3A_225 : memref<10000x64xf32, #tpu.memory_space<vmem_shared>>) offsets(%dma_start3A_222 : memref<80xi32, #tpu.memory_space<vmem>>) semaphore(%run_scoped3A_215 : memref<!tpu.dma_semaphore, #tpu.memory_space<semaphore_mem>>) {add = true}
        %dma_wait3A_226 = arith.constant 0 : i32
        %dma_wait3A_227 = arith.constant 0 : i32
        %dma_wait3A_228 = tpu.memref_slice %arg9[%run_scoped3A_127, %dma_wait3A_226, %dma_wait3A_227] : memref<5x80x64xf32, #tpu.memory_space<vmem>> -> memref<1x80x64xf32, #tpu.memory_space<vmem>>
        %dma_wait3A_229 = tpu.memref_squeeze %dma_wait3A_228 : memref<1x80x64xf32, #tpu.memory_space<vmem>> -> memref<80x64xf32, #tpu.memory_space<vmem>>
        %dma_wait3A_230 = arith.constant 0 : i32
        %dma_wait3A_231 = tpu.memref_slice %arg8[%add3A_102, %dma_wait3A_230] : memref<250x80xi32, #tpu.memory_space<vmem>> -> memref<1x80xi32, #tpu.memory_space<vmem>>
        %dma_wait3A_232 = tpu.memref_squeeze %dma_wait3A_231 : memref<1x80xi32, #tpu.memory_space<vmem>> -> memref<80xi32, #tpu.memory_space<vmem>>
        %dma_wait3A_233 = arith.constant 0 : i32
        %dma_wait3A_234 = arith.constant 0 : i32
        %dma_wait3A_235 = tpu.memref_slice %arg10[%dma_wait3A_233, %dma_wait3A_234] : memref<10000x64xf32, #tpu.memory_space<vmem_shared>> -> memref<10000x64xf32, #tpu.memory_space<vmem_shared>>
        tpu.wait_indirect_dma semaphore(%run_scoped3A_215 : memref<!tpu.dma_semaphore, #tpu.memory_space<semaphore_mem>>) src(%dma_wait3A_229 : memref<80x64xf32, #tpu.memory_space<vmem>>) dst(%dma_wait3A_235 : memref<10000x64xf32, #tpu.memory_space<vmem_shared>>)
        tpu.yield
      }) : () -> ()
      %mul3A_128 = arith.constant 5 : i32
      %mul3A_129 = arith.muli %mul3A_128, %scan3A_75 : i32
      %add3A_130 = arith.constant 2 : i32
      %add3A_131 = arith.addi %mul3A_129, %add3A_130 : i32
      %dma_wait3A_132 = arith.constant 2 : i32
      %dma_wait3A_133 = arith.constant 0 : i32
      %dma_wait3A_134 = arith.constant 0 : i32
      %dma_wait3A_135 = tpu.memref_slice %arg9[%dma_wait3A_132, %dma_wait3A_133, %dma_wait3A_134] : memref<5x80x64xf32, #tpu.memory_space<vmem>> -> memref<1x80x64xf32, #tpu.memory_space<vmem>>
      %dma_wait3A_136 = tpu.memref_squeeze %dma_wait3A_135 : memref<1x80x64xf32, #tpu.memory_space<vmem>> -> memref<80x64xf32, #tpu.memory_space<vmem>>
      %dma_wait3A_137 = arith.constant 0 : i32
      %dma_wait3A_138 = tpu.memref_slice %arg7[%add3A_131, %dma_wait3A_137] : memref<250x80xi32, #tpu.memory_space<vmem>> -> memref<1x80xi32, #tpu.memory_space<vmem>>
      %dma_wait3A_139 = tpu.memref_squeeze %dma_wait3A_138 : memref<1x80xi32, #tpu.memory_space<vmem>> -> memref<80xi32, #tpu.memory_space<vmem>>
      %dma_wait3A_140 = arith.constant 0 : i32
      %dma_wait3A_141 = arith.constant 0 : i32
      %dma_wait3A_142 = tpu.memref_slice %arg2[%arg0, %dma_wait3A_140, %dma_wait3A_141] : memref<2x10000x64xf32, #tpu.memory_space<hbm>> -> memref<1x10000x64xf32, #tpu.memory_space<hbm>>
      %dma_wait3A_143 = tpu.memref_squeeze %dma_wait3A_142 : memref<1x10000x64xf32, #tpu.memory_space<hbm>> -> memref<10000x64xf32, #tpu.memory_space<hbm>>
      %dma_wait3A_144 = arith.constant 0 : i32
      %dma_wait3A_145 = arith.constant 0 : i32
      %dma_wait3A_146 = tpu.memref_slice %dma_wait3A_143[%dma_wait3A_144, %dma_wait3A_145] : memref<10000x64xf32, #tpu.memory_space<hbm>> -> memref<10000x64xf32, #tpu.memory_space<hbm>>
      tpu.wait_indirect_dma semaphore(%arg13 : memref<!tpu.dma_semaphore, #tpu.memory_space<semaphore_mem>>) src(%dma_wait3A_146 : memref<10000x64xf32, #tpu.memory_space<hbm>>) dst(%dma_wait3A_136 : memref<80x64xf32, #tpu.memory_space<vmem>>)
      %add3A_147 = arith.constant 5 : i32
      %add3A_148 = arith.addi %add3A_131, %add3A_147 : i32
      %sub3A_149 = arith.constant 1 : i32
      %sub3A_150 = arith.subi %add3A_148, %sub3A_149 : i32
      %lt3A_151 = arith.constant 250 : i32
      %lt3A_152 = arith.cmpi slt, %sub3A_150, %lt3A_151 : i32
      %convert_element_type3A_153 = arith.extui %lt3A_152 : i1 to i32
      %cond3A_154 = arith.constant 0 : i32
      %cond3A_155 = arith.cmpi ne, %convert_element_type3A_153, %cond3A_154 : i32
      scf.if %cond3A_155 {
        %add3A_215 = arith.constant 5 : i32
        %add3A_216 = arith.addi %add3A_131, %add3A_215 : i32
        %sub3A_217 = arith.constant 1 : i32
        %sub3A_218 = arith.subi %add3A_216, %sub3A_217 : i32
        %dma_start3A_219 = arith.constant 1 : i32
        %dma_start3A_220 = arith.constant 0 : i32
        %dma_start3A_221 = arith.constant 0 : i32
        %dma_start3A_222 = tpu.memref_slice %arg9[%dma_start3A_219, %dma_start3A_220, %dma_start3A_221] : memref<5x80x64xf32, #tpu.memory_space<vmem>> -> memref<1x80x64xf32, #tpu.memory_space<vmem>>
        %dma_start3A_223 = tpu.memref_squeeze %dma_start3A_222 : memref<1x80x64xf32, #tpu.memory_space<vmem>> -> memref<80x64xf32, #tpu.memory_space<vmem>>
        %dma_start3A_224 = arith.constant 0 : i32
        %dma_start3A_225 = tpu.memref_slice %arg7[%sub3A_218, %dma_start3A_224] : memref<250x80xi32, #tpu.memory_space<vmem>> -> memref<1x80xi32, #tpu.memory_space<vmem>>
        %dma_start3A_226 = tpu.memref_squeeze %dma_start3A_225 : memref<1x80xi32, #tpu.memory_space<vmem>> -> memref<80xi32, #tpu.memory_space<vmem>>
        %dma_start3A_227 = arith.constant 0 : i32
        %dma_start3A_228 = arith.constant 0 : i32
        %dma_start3A_229 = tpu.memref_slice %arg2[%arg0, %dma_start3A_227, %dma_start3A_228] : memref<2x10000x64xf32, #tpu.memory_space<hbm>> -> memref<1x10000x64xf32, #tpu.memory_space<hbm>>
        %dma_start3A_230 = tpu.memref_squeeze %dma_start3A_229 : memref<1x10000x64xf32, #tpu.memory_space<hbm>> -> memref<10000x64xf32, #tpu.memory_space<hbm>>
        %dma_start3A_231 = arith.constant 0 : i32
        %dma_start3A_232 = arith.constant 0 : i32
        %dma_start3A_233 = tpu.memref_slice %dma_start3A_230[%dma_start3A_231, %dma_start3A_232] : memref<10000x64xf32, #tpu.memory_space<hbm>> -> memref<10000x64xf32, #tpu.memory_space<hbm>>
        tpu.enqueue_indirect_dma source(%dma_start3A_233 : memref<10000x64xf32, #tpu.memory_space<hbm>>) target(%dma_start3A_223 : memref<80x64xf32, #tpu.memory_space<vmem>>) offsets(%dma_start3A_226 : memref<80xi32, #tpu.memory_space<vmem>>) semaphore(%arg12 : memref<!tpu.dma_semaphore, #tpu.memory_space<semaphore_mem>>)
      } else {
      }
      %run_scoped3A_156 = arith.constant 2 : i32
      "tpu.region"() ({
        %run_scoped3A_215 = tpu.sem_alloc : memref<!tpu.dma_semaphore, #tpu.memory_space<semaphore_mem>>
        %dma_start3A_216 = arith.constant 0 : i32
        %dma_start3A_217 = arith.constant 0 : i32
        %dma_start3A_218 = tpu.memref_slice %arg9[%run_scoped3A_156, %dma_start3A_216, %dma_start3A_217] : memref<5x80x64xf32, #tpu.memory_space<vmem>> -> memref<1x80x64xf32, #tpu.memory_space<vmem>>
        %dma_start3A_219 = tpu.memref_squeeze %dma_start3A_218 : memref<1x80x64xf32, #tpu.memory_space<vmem>> -> memref<80x64xf32, #tpu.memory_space<vmem>>
        %dma_start3A_220 = arith.constant 0 : i32
        %dma_start3A_221 = tpu.memref_slice %arg8[%add3A_131, %dma_start3A_220] : memref<250x80xi32, #tpu.memory_space<vmem>> -> memref<1x80xi32, #tpu.memory_space<vmem>>
        %dma_start3A_222 = tpu.memref_squeeze %dma_start3A_221 : memref<1x80xi32, #tpu.memory_space<vmem>> -> memref<80xi32, #tpu.memory_space<vmem>>
        %dma_start3A_223 = arith.constant 0 : i32
        %dma_start3A_224 = arith.constant 0 : i32
        %dma_start3A_225 = tpu.memref_slice %arg10[%dma_start3A_223, %dma_start3A_224] : memref<10000x64xf32, #tpu.memory_space<vmem_shared>> -> memref<10000x64xf32, #tpu.memory_space<vmem_shared>>
        tpu.enqueue_indirect_dma source(%dma_start3A_219 : memref<80x64xf32, #tpu.memory_space<vmem>>) target(%dma_start3A_225 : memref<10000x64xf32, #tpu.memory_space<vmem_shared>>) offsets(%dma_start3A_222 : memref<80xi32, #tpu.memory_space<vmem>>) semaphore(%run_scoped3A_215 : memref<!tpu.dma_semaphore, #tpu.memory_space<semaphore_mem>>) {add = true}
        %dma_wait3A_226 = arith.constant 0 : i32
        %dma_wait3A_227 = arith.constant 0 : i32
        %dma_wait3A_228 = tpu.memref_slice %arg9[%run_scoped3A_156, %dma_wait3A_226, %dma_wait3A_227] : memref<5x80x64xf32, #tpu.memory_space<vmem>> -> memref<1x80x64xf32, #tpu.memory_space<vmem>>
        %dma_wait3A_229 = tpu.memref_squeeze %dma_wait3A_228 : memref<1x80x64xf32, #tpu.memory_space<vmem>> -> memref<80x64xf32, #tpu.memory_space<vmem>>
        %dma_wait3A_230 = arith.constant 0 : i32
        %dma_wait3A_231 = tpu.memref_slice %arg8[%add3A_131, %dma_wait3A_230] : memref<250x80xi32, #tpu.memory_space<vmem>> -> memref<1x80xi32, #tpu.memory_space<vmem>>
        %dma_wait3A_232 = tpu.memref_squeeze %dma_wait3A_231 : memref<1x80xi32, #tpu.memory_space<vmem>> -> memref<80xi32, #tpu.memory_space<vmem>>
        %dma_wait3A_233 = arith.constant 0 : i32
        %dma_wait3A_234 = arith.constant 0 : i32
        %dma_wait3A_235 = tpu.memref_slice %arg10[%dma_wait3A_233, %dma_wait3A_234] : memref<10000x64xf32, #tpu.memory_space<vmem_shared>> -> memref<10000x64xf32, #tpu.memory_space<vmem_shared>>
        tpu.wait_indirect_dma semaphore(%run_scoped3A_215 : memref<!tpu.dma_semaphore, #tpu.memory_space<semaphore_mem>>) src(%dma_wait3A_229 : memref<80x64xf32, #tpu.memory_space<vmem>>) dst(%dma_wait3A_235 : memref<10000x64xf32, #tpu.memory_space<vmem_shared>>)
        tpu.yield
      }) : () -> ()
      %mul3A_157 = arith.constant 5 : i32
      %mul3A_158 = arith.muli %mul3A_157, %scan3A_75 : i32
      %add3A_159 = arith.constant 3 : i32
      %add3A_160 = arith.addi %mul3A_158, %add3A_159 : i32
      %dma_wait3A_161 = arith.constant 3 : i32
      %dma_wait3A_162 = arith.constant 0 : i32
      %dma_wait3A_163 = arith.constant 0 : i32
      %dma_wait3A_164 = tpu.memref_slice %arg9[%dma_wait3A_161, %dma_wait3A_162, %dma_wait3A_163] : memref<5x80x64xf32, #tpu.memory_space<vmem>> -> memref<1x80x64xf32, #tpu.memory_space<vmem>>
      %dma_wait3A_165 = tpu.memref_squeeze %dma_wait3A_164 : memref<1x80x64xf32, #tpu.memory_space<vmem>> -> memref<80x64xf32, #tpu.memory_space<vmem>>
      %dma_wait3A_166 = arith.constant 0 : i32
      %dma_wait3A_167 = tpu.memref_slice %arg7[%add3A_160, %dma_wait3A_166] : memref<250x80xi32, #tpu.memory_space<vmem>> -> memref<1x80xi32, #tpu.memory_space<vmem>>
      %dma_wait3A_168 = tpu.memref_squeeze %dma_wait3A_167 : memref<1x80xi32, #tpu.memory_space<vmem>> -> memref<80xi32, #tpu.memory_space<vmem>>
      %dma_wait3A_169 = arith.constant 0 : i32
      %dma_wait3A_170 = arith.constant 0 : i32
      %dma_wait3A_171 = tpu.memref_slice %arg2[%arg0, %dma_wait3A_169, %dma_wait3A_170] : memref<2x10000x64xf32, #tpu.memory_space<hbm>> -> memref<1x10000x64xf32, #tpu.memory_space<hbm>>
      %dma_wait3A_172 = tpu.memref_squeeze %dma_wait3A_171 : memref<1x10000x64xf32, #tpu.memory_space<hbm>> -> memref<10000x64xf32, #tpu.memory_space<hbm>>
      %dma_wait3A_173 = arith.constant 0 : i32
      %dma_wait3A_174 = arith.constant 0 : i32
      %dma_wait3A_175 = tpu.memref_slice %dma_wait3A_172[%dma_wait3A_173, %dma_wait3A_174] : memref<10000x64xf32, #tpu.memory_space<hbm>> -> memref<10000x64xf32, #tpu.memory_space<hbm>>
      tpu.wait_indirect_dma semaphore(%arg14 : memref<!tpu.dma_semaphore, #tpu.memory_space<semaphore_mem>>) src(%dma_wait3A_175 : memref<10000x64xf32, #tpu.memory_space<hbm>>) dst(%dma_wait3A_165 : memref<80x64xf32, #tpu.memory_space<vmem>>)
      %add3A_176 = arith.constant 5 : i32
      %add3A_177 = arith.addi %add3A_160, %add3A_176 : i32
      %sub3A_178 = arith.constant 1 : i32
      %sub3A_179 = arith.subi %add3A_177, %sub3A_178 : i32
      %lt3A_180 = arith.constant 250 : i32
      %lt3A_181 = arith.cmpi slt, %sub3A_179, %lt3A_180 : i32
      %convert_element_type3A_182 = arith.extui %lt3A_181 : i1 to i32
      %cond3A_183 = arith.constant 0 : i32
      %cond3A_184 = arith.cmpi ne, %convert_element_type3A_182, %cond3A_183 : i32
      scf.if %cond3A_184 {
        %add3A_215 = arith.constant 5 : i32
        %add3A_216 = arith.addi %add3A_160, %add3A_215 : i32
        %sub3A_217 = arith.constant 1 : i32
        %sub3A_218 = arith.subi %add3A_216, %sub3A_217 : i32
        %dma_start3A_219 = arith.constant 2 : i32
        %dma_start3A_220 = arith.constant 0 : i32
        %dma_start3A_221 = arith.constant 0 : i32
        %dma_start3A_222 = tpu.memref_slice %arg9[%dma_start3A_219, %dma_start3A_220, %dma_start3A_221] : memref<5x80x64xf32, #tpu.memory_space<vmem>> -> memref<1x80x64xf32, #tpu.memory_space<vmem>>
        %dma_start3A_223 = tpu.memref_squeeze %dma_start3A_222 : memref<1x80x64xf32, #tpu.memory_space<vmem>> -> memref<80x64xf32, #tpu.memory_space<vmem>>
        %dma_start3A_224 = arith.constant 0 : i32
        %dma_start3A_225 = tpu.memref_slice %arg7[%sub3A_218, %dma_start3A_224] : memref<250x80xi32, #tpu.memory_space<vmem>> -> memref<1x80xi32, #tpu.memory_space<vmem>>
        %dma_start3A_226 = tpu.memref_squeeze %dma_start3A_225 : memref<1x80xi32, #tpu.memory_space<vmem>> -> memref<80xi32, #tpu.memory_space<vmem>>
        %dma_start3A_227 = arith.constant 0 : i32
        %dma_start3A_228 = arith.constant 0 : i32
        %dma_start3A_229 = tpu.memref_slice %arg2[%arg0, %dma_start3A_227, %dma_start3A_228] : memref<2x10000x64xf32, #tpu.memory_space<hbm>> -> memref<1x10000x64xf32, #tpu.memory_space<hbm>>
        %dma_start3A_230 = tpu.memref_squeeze %dma_start3A_229 : memref<1x10000x64xf32, #tpu.memory_space<hbm>> -> memref<10000x64xf32, #tpu.memory_space<hbm>>
        %dma_start3A_231 = arith.constant 0 : i32
        %dma_start3A_232 = arith.constant 0 : i32
        %dma_start3A_233 = tpu.memref_slice %dma_start3A_230[%dma_start3A_231, %dma_start3A_232] : memref<10000x64xf32, #tpu.memory_space<hbm>> -> memref<10000x64xf32, #tpu.memory_space<hbm>>
        tpu.enqueue_indirect_dma source(%dma_start3A_233 : memref<10000x64xf32, #tpu.memory_space<hbm>>) target(%dma_start3A_223 : memref<80x64xf32, #tpu.memory_space<vmem>>) offsets(%dma_start3A_226 : memref<80xi32, #tpu.memory_space<vmem>>) semaphore(%arg13 : memref<!tpu.dma_semaphore, #tpu.memory_space<semaphore_mem>>)
      } else {
      }
      %run_scoped3A_185 = arith.constant 3 : i32
      "tpu.region"() ({
        %run_scoped3A_215 = tpu.sem_alloc : memref<!tpu.dma_semaphore, #tpu.memory_space<semaphore_mem>>
        %dma_start3A_216 = arith.constant 0 : i32
        %dma_start3A_217 = arith.constant 0 : i32
        %dma_start3A_218 = tpu.memref_slice %arg9[%run_scoped3A_185, %dma_start3A_216, %dma_start3A_217] : memref<5x80x64xf32, #tpu.memory_space<vmem>> -> memref<1x80x64xf32, #tpu.memory_space<vmem>>
        %dma_start3A_219 = tpu.memref_squeeze %dma_start3A_218 : memref<1x80x64xf32, #tpu.memory_space<vmem>> -> memref<80x64xf32, #tpu.memory_space<vmem>>
        %dma_start3A_220 = arith.constant 0 : i32
        %dma_start3A_221 = tpu.memref_slice %arg8[%add3A_160, %dma_start3A_220] : memref<250x80xi32, #tpu.memory_space<vmem>> -> memref<1x80xi32, #tpu.memory_space<vmem>>
        %dma_start3A_222 = tpu.memref_squeeze %dma_start3A_221 : memref<1x80xi32, #tpu.memory_space<vmem>> -> memref<80xi32, #tpu.memory_space<vmem>>
        %dma_start3A_223 = arith.constant 0 : i32
        %dma_start3A_224 = arith.constant 0 : i32
        %dma_start3A_225 = tpu.memref_slice %arg10[%dma_start3A_223, %dma_start3A_224] : memref<10000x64xf32, #tpu.memory_space<vmem_shared>> -> memref<10000x64xf32, #tpu.memory_space<vmem_shared>>
        tpu.enqueue_indirect_dma source(%dma_start3A_219 : memref<80x64xf32, #tpu.memory_space<vmem>>) target(%dma_start3A_225 : memref<10000x64xf32, #tpu.memory_space<vmem_shared>>) offsets(%dma_start3A_222 : memref<80xi32, #tpu.memory_space<vmem>>) semaphore(%run_scoped3A_215 : memref<!tpu.dma_semaphore, #tpu.memory_space<semaphore_mem>>) {add = true}
        %dma_wait3A_226 = arith.constant 0 : i32
        %dma_wait3A_227 = arith.constant 0 : i32
        %dma_wait3A_228 = tpu.memref_slice %arg9[%run_scoped3A_185, %dma_wait3A_226, %dma_wait3A_227] : memref<5x80x64xf32, #tpu.memory_space<vmem>> -> memref<1x80x64xf32, #tpu.memory_space<vmem>>
        %dma_wait3A_229 = tpu.memref_squeeze %dma_wait3A_228 : memref<1x80x64xf32, #tpu.memory_space<vmem>> -> memref<80x64xf32, #tpu.memory_space<vmem>>
        %dma_wait3A_230 = arith.constant 0 : i32
        %dma_wait3A_231 = tpu.memref_slice %arg8[%add3A_160, %dma_wait3A_230] : memref<250x80xi32, #tpu.memory_space<vmem>> -> memref<1x80xi32, #tpu.memory_space<vmem>>
        %dma_wait3A_232 = tpu.memref_squeeze %dma_wait3A_231 : memref<1x80xi32, #tpu.memory_space<vmem>> -> memref<80xi32, #tpu.memory_space<vmem>>
        %dma_wait3A_233 = arith.constant 0 : i32
        %dma_wait3A_234 = arith.constant 0 : i32
        %dma_wait3A_235 = tpu.memref_slice %arg10[%dma_wait3A_233, %dma_wait3A_234] : memref<10000x64xf32, #tpu.memory_space<vmem_shared>> -> memref<10000x64xf32, #tpu.memory_space<vmem_shared>>
        tpu.wait_indirect_dma semaphore(%run_scoped3A_215 : memref<!tpu.dma_semaphore, #tpu.memory_space<semaphore_mem>>) src(%dma_wait3A_229 : memref<80x64xf32, #tpu.memory_space<vmem>>) dst(%dma_wait3A_235 : memref<10000x64xf32, #tpu.memory_space<vmem_shared>>)
        tpu.yield
      }) : () -> ()
      %mul3A_186 = arith.constant 5 : i32
      %mul3A_187 = arith.muli %mul3A_186, %scan3A_75 : i32
      %add3A_188 = arith.constant 4 : i32
      %add3A_189 = arith.addi %mul3A_187, %add3A_188 : i32
      %dma_wait3A_190 = arith.constant 4 : i32
      %dma_wait3A_191 = arith.constant 0 : i32
      %dma_wait3A_192 = arith.constant 0 : i32
      %dma_wait3A_193 = tpu.memref_slice %arg9[%dma_wait3A_190, %dma_wait3A_191, %dma_wait3A_192] : memref<5x80x64xf32, #tpu.memory_space<vmem>> -> memref<1x80x64xf32, #tpu.memory_space<vmem>>
      %dma_wait3A_194 = tpu.memref_squeeze %dma_wait3A_193 : memref<1x80x64xf32, #tpu.memory_space<vmem>> -> memref<80x64xf32, #tpu.memory_space<vmem>>
      %dma_wait3A_195 = arith.constant 0 : i32
      %dma_wait3A_196 = tpu.memref_slice %arg7[%add3A_189, %dma_wait3A_195] : memref<250x80xi32, #tpu.memory_space<vmem>> -> memref<1x80xi32, #tpu.memory_space<vmem>>
      %dma_wait3A_197 = tpu.memref_squeeze %dma_wait3A_196 : memref<1x80xi32, #tpu.memory_space<vmem>> -> memref<80xi32, #tpu.memory_space<vmem>>
      %dma_wait3A_198 = arith.constant 0 : i32
      %dma_wait3A_199 = arith.constant 0 : i32
      %dma_wait3A_200 = tpu.memref_slice %arg2[%arg0, %dma_wait3A_198, %dma_wait3A_199] : memref<2x10000x64xf32, #tpu.memory_space<hbm>> -> memref<1x10000x64xf32, #tpu.memory_space<hbm>>
      %dma_wait3A_201 = tpu.memref_squeeze %dma_wait3A_200 : memref<1x10000x64xf32, #tpu.memory_space<hbm>> -> memref<10000x64xf32, #tpu.memory_space<hbm>>
      %dma_wait3A_202 = arith.constant 0 : i32
      %dma_wait3A_203 = arith.constant 0 : i32
      %dma_wait3A_204 = tpu.memref_slice %dma_wait3A_201[%dma_wait3A_202, %dma_wait3A_203] : memref<10000x64xf32, #tpu.memory_space<hbm>> -> memref<10000x64xf32, #tpu.memory_space<hbm>>
      tpu.wait_indirect_dma semaphore(%arg15 : memref<!tpu.dma_semaphore, #tpu.memory_space<semaphore_mem>>) src(%dma_wait3A_204 : memref<10000x64xf32, #tpu.memory_space<hbm>>) dst(%dma_wait3A_194 : memref<80x64xf32, #tpu.memory_space<vmem>>)
      %add3A_205 = arith.constant 5 : i32
      %add3A_206 = arith.addi %add3A_189, %add3A_205 : i32
      %sub3A_207 = arith.constant 1 : i32
      %sub3A_208 = arith.subi %add3A_206, %sub3A_207 : i32
      %lt3A_209 = arith.constant 250 : i32
      %lt3A_210 = arith.cmpi slt, %sub3A_208, %lt3A_209 : i32
      %convert_element_type3A_211 = arith.extui %lt3A_210 : i1 to i32
      %cond3A_212 = arith.constant 0 : i32
      %cond3A_213 = arith.cmpi ne, %convert_element_type3A_211, %cond3A_212 : i32
      scf.if %cond3A_213 {
        %add3A_215 = arith.constant 5 : i32
        %add3A_216 = arith.addi %add3A_189, %add3A_215 : i32
        %sub3A_217 = arith.constant 1 : i32
        %sub3A_218 = arith.subi %add3A_216, %sub3A_217 : i32
        %dma_start3A_219 = arith.constant 3 : i32
        %dma_start3A_220 = arith.constant 0 : i32
        %dma_start3A_221 = arith.constant 0 : i32
        %dma_start3A_222 = tpu.memref_slice %arg9[%dma_start3A_219, %dma_start3A_220, %dma_start3A_221] : memref<5x80x64xf32, #tpu.memory_space<vmem>> -> memref<1x80x64xf32, #tpu.memory_space<vmem>>
        %dma_start3A_223 = tpu.memref_squeeze %dma_start3A_222 : memref<1x80x64xf32, #tpu.memory_space<vmem>> -> memref<80x64xf32, #tpu.memory_space<vmem>>
        %dma_start3A_224 = arith.constant 0 : i32
        %dma_start3A_225 = tpu.memref_slice %arg7[%sub3A_218, %dma_start3A_224] : memref<250x80xi32, #tpu.memory_space<vmem>> -> memref<1x80xi32, #tpu.memory_space<vmem>>
        %dma_start3A_226 = tpu.memref_squeeze %dma_start3A_225 : memref<1x80xi32, #tpu.memory_space<vmem>> -> memref<80xi32, #tpu.memory_space<vmem>>
        %dma_start3A_227 = arith.constant 0 : i32
        %dma_start3A_228 = arith.constant 0 : i32
        %dma_start3A_229 = tpu.memref_slice %arg2[%arg0, %dma_start3A_227, %dma_start3A_228] : memref<2x10000x64xf32, #tpu.memory_space<hbm>> -> memref<1x10000x64xf32, #tpu.memory_space<hbm>>
        %dma_start3A_230 = tpu.memref_squeeze %dma_start3A_229 : memref<1x10000x64xf32, #tpu.memory_space<hbm>> -> memref<10000x64xf32, #tpu.memory_space<hbm>>
        %dma_start3A_231 = arith.constant 0 : i32
        %dma_start3A_232 = arith.constant 0 : i32
        %dma_start3A_233 = tpu.memref_slice %dma_start3A_230[%dma_start3A_231, %dma_start3A_232] : memref<10000x64xf32, #tpu.memory_space<hbm>> -> memref<10000x64xf32, #tpu.memory_space<hbm>>
        tpu.enqueue_indirect_dma source(%dma_start3A_233 : memref<10000x64xf32, #tpu.memory_space<hbm>>) target(%dma_start3A_223 : memref<80x64xf32, #tpu.memory_space<vmem>>) offsets(%dma_start3A_226 : memref<80xi32, #tpu.memory_space<vmem>>) semaphore(%arg14 : memref<!tpu.dma_semaphore, #tpu.memory_space<semaphore_mem>>)
      } else {
      }
      %run_scoped3A_214 = arith.constant 4 : i32
      "tpu.region"() ({
        %run_scoped3A_215 = tpu.sem_alloc : memref<!tpu.dma_semaphore, #tpu.memory_space<semaphore_mem>>
        %dma_start3A_216 = arith.constant 0 : i32
        %dma_start3A_217 = arith.constant 0 : i32
        %dma_start3A_218 = tpu.memref_slice %arg9[%run_scoped3A_214, %dma_start3A_216, %dma_start3A_217] : memref<5x80x64xf32, #tpu.memory_space<vmem>> -> memref<1x80x64xf32, #tpu.memory_space<vmem>>
        %dma_start3A_219 = tpu.memref_squeeze %dma_start3A_218 : memref<1x80x64xf32, #tpu.memory_space<vmem>> -> memref<80x64xf32, #tpu.memory_space<vmem>>
        %dma_start3A_220 = arith.constant 0 : i32
        %dma_start3A_221 = tpu.memref_slice %arg8[%add3A_189, %dma_start3A_220] : memref<250x80xi32, #tpu.memory_space<vmem>> -> memref<1x80xi32, #tpu.memory_space<vmem>>
        %dma_start3A_222 = tpu.memref_squeeze %dma_start3A_221 : memref<1x80xi32, #tpu.memory_space<vmem>> -> memref<80xi32, #tpu.memory_space<vmem>>
        %dma_start3A_223 = arith.constant 0 : i32
        %dma_start3A_224 = arith.constant 0 : i32
        %dma_start3A_225 = tpu.memref_slice %arg10[%dma_start3A_223, %dma_start3A_224] : memref<10000x64xf32, #tpu.memory_space<vmem_shared>> -> memref<10000x64xf32, #tpu.memory_space<vmem_shared>>
        tpu.enqueue_indirect_dma source(%dma_start3A_219 : memref<80x64xf32, #tpu.memory_space<vmem>>) target(%dma_start3A_225 : memref<10000x64xf32, #tpu.memory_space<vmem_shared>>) offsets(%dma_start3A_222 : memref<80xi32, #tpu.memory_space<vmem>>) semaphore(%run_scoped3A_215 : memref<!tpu.dma_semaphore, #tpu.memory_space<semaphore_mem>>) {add = true}
        %dma_wait3A_226 = arith.constant 0 : i32
        %dma_wait3A_227 = arith.constant 0 : i32
        %dma_wait3A_228 = tpu.memref_slice %arg9[%run_scoped3A_214, %dma_wait3A_226, %dma_wait3A_227] : memref<5x80x64xf32, #tpu.memory_space<vmem>> -> memref<1x80x64xf32, #tpu.memory_space<vmem>>
        %dma_wait3A_229 = tpu.memref_squeeze %dma_wait3A_228 : memref<1x80x64xf32, #tpu.memory_space<vmem>> -> memref<80x64xf32, #tpu.memory_space<vmem>>
        %dma_wait3A_230 = arith.constant 0 : i32
        %dma_wait3A_231 = tpu.memref_slice %arg8[%add3A_189, %dma_wait3A_230] : memref<250x80xi32, #tpu.memory_space<vmem>> -> memref<1x80xi32, #tpu.memory_space<vmem>>
        %dma_wait3A_232 = tpu.memref_squeeze %dma_wait3A_231 : memref<1x80xi32, #tpu.memory_space<vmem>> -> memref<80xi32, #tpu.memory_space<vmem>>
        %dma_wait3A_233 = arith.constant 0 : i32
        %dma_wait3A_234 = arith.constant 0 : i32
        %dma_wait3A_235 = tpu.memref_slice %arg10[%dma_wait3A_233, %dma_wait3A_234] : memref<10000x64xf32, #tpu.memory_space<vmem_shared>> -> memref<10000x64xf32, #tpu.memory_space<vmem_shared>>
        tpu.wait_indirect_dma semaphore(%run_scoped3A_215 : memref<!tpu.dma_semaphore, #tpu.memory_space<semaphore_mem>>) src(%dma_wait3A_229 : memref<80x64xf32, #tpu.memory_space<vmem>>) dst(%dma_wait3A_235 : memref<10000x64xf32, #tpu.memory_space<vmem_shared>>)
        tpu.yield
      }) : () -> ()
    }
    %scan3A_68 = arith.constant 50 : i32
    %barrier3A_69 = arith.constant 0 : index
    tpu.barrier barrier_id(%barrier3A_69)
    %eq3A_70 = arith.constant 0 : i32
    %eq3A_71 = arith.cmpi eq, %arg1, %eq3A_70 : i32
    %convert_element_type3A_72 = arith.extui %eq3A_71 : i1 to i32
    %cond3A_73 = arith.constant 0 : i32
    %cond3A_74 = arith.cmpi ne, %convert_element_type3A_72, %cond3A_73 : i32
    scf.if %cond3A_74 {
      "tpu.region"() ({
        %run_scoped3A = tpu.sem_alloc : memref<!tpu.dma_semaphore, #tpu.memory_space<semaphore_mem>>
        %dma_start3A_75 = arith.constant 0 : i32
        %dma_start3A_76 = arith.constant 0 : i32
        %dma_start3A_77 = tpu.memref_slice %arg6[%arg0, %dma_start3A_75, %dma_start3A_76] : memref<2x10000x64xf32, #tpu.memory_space<hbm>> -> memref<1x10000x64xf32, #tpu.memory_space<hbm>>
        %dma_start3A_78 = tpu.memref_squeeze %dma_start3A_77 : memref<1x10000x64xf32, #tpu.memory_space<hbm>> -> memref<10000x64xf32, #tpu.memory_space<hbm>>
        tpu.enqueue_dma source(%arg10 : memref<10000x64xf32, #tpu.memory_space<vmem_shared>>) target(%dma_start3A_78 : memref<10000x64xf32, #tpu.memory_space<hbm>>) target_semaphore(%run_scoped3A : memref<!tpu.dma_semaphore, #tpu.memory_space<semaphore_mem>>)
        %dma_wait3A = arith.constant 0 : i32
        %dma_wait3A_79 = arith.constant 0 : i32
        %dma_wait3A_80 = tpu.memref_slice %arg6[%arg0, %dma_wait3A, %dma_wait3A_79] : memref<2x10000x64xf32, #tpu.memory_space<hbm>> -> memref<1x10000x64xf32, #tpu.memory_space<hbm>>
        %dma_wait3A_81 = tpu.memref_squeeze %dma_wait3A_80 : memref<1x10000x64xf32, #tpu.memory_space<hbm>> -> memref<10000x64xf32, #tpu.memory_space<hbm>>
        tpu.wait_dma2 semaphore(%run_scoped3A : memref<!tpu.dma_semaphore, #tpu.memory_space<semaphore_mem>>) src(%arg10 : memref<10000x64xf32, #tpu.memory_space<vmem_shared>>) dst(%dma_wait3A_81 : memref<10000x64xf32, #tpu.memory_space<hbm>>)
        tpu.yield
      }) : () -> ()
    } else {
    }
    return
  }
}

module attributes {stable_mosaic.version = 14 : i64} {
  func.func @_tc_hist_body(%arg0: i32, %arg1: memref<1x1x4000xi32, #tpu.memory_space<vmem>>, %arg2: memref<128x128xf32, #tpu.memory_space<vmem>>) attributes {dimension_semantics = [#tpu.dimension_semantics<arbitrary>], iteration_bounds = array<i64: 80>, scalar_prefetch = 0 : i64, scratch_operands = 0 : i64, tpu.core_type = #tpu.core_type<tc>, window_params = [{transform_indices = @transform_0, window_bounds = array<i64: 1, 1, 4000>}, {pipeline_mode = #tpu.pipeline_mode<synchronous>, transform_indices = @transform_1, window_bounds = array<i64: 128, 128>}]} {
    %eq3A = arith.constant 0 : i32
    %eq3A_0 = arith.cmpi eq, %arg0, %eq3A : i32
    %convert_element_type3A = arith.extui %eq3A_0 : i1 to i32
    %cond3A = arith.constant 0 : i32
    %cond3A_1 = arith.cmpi ne, %convert_element_type3A, %cond3A : i32
    scf.if %cond3A_1 {
      %broadcast_in_dim3A = arith.constant 0.000000e+00 : f32
      %broadcast_in_dim3A_66 = vector.broadcast %broadcast_in_dim3A : f32 to vector<128x128xf32>
      %swap3A_67 = arith.constant 0 : index
      %swap3A_68 = arith.constant 0 : index
      %swap3A_69 = vector.load %arg2[%swap3A_67, %swap3A_68] : memref<128x128xf32, #tpu.memory_space<vmem>>, vector<128x128xf32>
      tpu.vector_store %arg2[%swap3A_67, %swap3A_68], %broadcast_in_dim3A_66 {strides = array<i32>} : memref<128x128xf32, #tpu.memory_space<vmem>>, vector<128x128xf32>,
    } else {
    }
    %get3A = arith.constant 0 : index
    %get3A_2 = arith.constant 0 : index
    %get3A_3 = arith.constant 0 : index
    %get3A_4 = vector.load %arg1[%get3A, %get3A_2, %get3A_3] : memref<1x1x4000xi32, #tpu.memory_space<vmem>>, vector<1x1x4000xi32>
    %get3A_5 = vector.shape_cast %get3A_4 : vector<1x1x4000xi32> to vector<1x4000xi32>
    %iota3A = tpu.iota {dimensions = array<i32: 0>} : vector<128x4000xi32>
    %jit3A = arith.constant 100 : i32
    %div3A = vector.broadcast %jit3A : i32 to vector<1x4000xi32>
    %div3A_6 = arith.divsi %get3A_5, %div3A : vector<1x4000xi32>
    %sign3A = arith.constant 0 : i32
    %sign3A_7 = vector.broadcast %sign3A : i32 to vector<1x4000xi32>
    %sign3A_8 = arith.cmpi sgt, %get3A_5, %sign3A_7 : vector<1x4000xi32>
    %sign3A_9 = arith.extui %sign3A_8 : vector<1x4000xi1> to vector<1x4000xi32>
    %sign3A_10 = arith.constant 0 : i32
    %sign3A_11 = vector.broadcast %sign3A_10 : i32 to vector<1x4000xi32>
    %sign3A_12 = arith.cmpi slt, %get3A_5, %sign3A_11 : vector<1x4000xi32>
    %sign3A_13 = arith.extui %sign3A_12 : vector<1x4000xi1> to vector<1x4000xi32>
    %sign3A_14 = arith.subi %sign3A_9, %sign3A_13 : vector<1x4000xi32>
    %sign3A_15 = arith.constant 0 : i32
    %sign3A_16 = arith.cmpi sgt, %jit3A, %sign3A_15 : i32
    %sign3A_17 = arith.extui %sign3A_16 : i1 to i32
    %sign3A_18 = arith.constant 0 : i32
    %sign3A_19 = arith.cmpi slt, %jit3A, %sign3A_18 : i32
    %sign3A_20 = arith.extui %sign3A_19 : i1 to i32
    %sign3A_21 = arith.subi %sign3A_17, %sign3A_20 : i32
    %ne3A = vector.broadcast %sign3A_21 : i32 to vector<1x4000xi32>
    %ne3A_22 = arith.cmpi ne, %sign3A_14, %ne3A : vector<1x4000xi32>
    %rem3A = vector.broadcast %jit3A : i32 to vector<1x4000xi32>
    %rem3A_23 = arith.remsi %get3A_5, %rem3A : vector<1x4000xi32>
    %ne3A_24 = arith.constant 0 : i32
    %ne3A_25 = vector.broadcast %ne3A_24 : i32 to vector<1x4000xi32>
    %ne3A_26 = arith.cmpi ne, %rem3A_23, %ne3A_25 : vector<1x4000xi32>
    %and3A = arith.andi %ne3A_22, %ne3A_26 : vector<1x4000xi1>
    %sub3A = arith.constant 1 : i32
    %sub3A_27 = vector.broadcast %sub3A : i32 to vector<1x4000xi32>
    %sub3A_28 = arith.subi %div3A_6, %sub3A_27 : vector<1x4000xi32>
    %select_n3A = arith.select %and3A, %sub3A_28, %div3A_6 : vector<1x4000xi1>, vector<1x4000xi32>
    %eq3A_29 = vector.broadcast %select_n3A : vector<1x4000xi32> to vector<128x4000xi32>
    %eq3A_30 = arith.cmpi eq, %eq3A_29, %iota3A : vector<128x4000xi32>
    %convert_element_type3A_31 = arith.extui %eq3A_30 : vector<128x4000xi1> to vector<128x4000xi32>
    %convert_element_type3A_32 = arith.sitofp %convert_element_type3A_31 : vector<128x4000xi32> to vector<128x4000xf32>
    %convert_element_type3A_33 = arith.truncf %convert_element_type3A_32 : vector<128x4000xf32> to vector<128x4000xbf16>
    %jit3A_34 = arith.constant 100 : i32
    %eq3A_35 = arith.constant 0 : i32
    %eq3A_36 = arith.cmpi eq, %jit3A_34, %eq3A_35 : i32
    %jit3A_37 = arith.constant 1 : i32
    %select_n3A_38 = arith.select %eq3A_36, %jit3A_37, %jit3A_34 : i32
    %rem3A_39 = vector.broadcast %select_n3A_38 : i32 to vector<1x4000xi32>
    %rem3A_40 = arith.remsi %get3A_5, %rem3A_39 : vector<1x4000xi32>
    %ne3A_41 = arith.constant 0 : i32
    %ne3A_42 = vector.broadcast %ne3A_41 : i32 to vector<1x4000xi32>
    %ne3A_43 = arith.cmpi ne, %rem3A_40, %ne3A_42 : vector<1x4000xi32>
    %lt3A = arith.constant 0 : i32
    %lt3A_44 = vector.broadcast %lt3A : i32 to vector<1x4000xi32>
    %lt3A_45 = arith.cmpi slt, %rem3A_40, %lt3A_44 : vector<1x4000xi32>
    %lt3A_46 = arith.constant 0 : i32
    %lt3A_47 = arith.cmpi slt, %select_n3A_38, %lt3A_46 : i32
    %ne3A_48 = vector.broadcast %lt3A_47 : i1 to vector<1x4000xi1>
    %ne3A_49 = vector.broadcast %ne3A_48 : vector<1x4000xi1> to vector<1x4000xi1>
    %ne3A_50 = arith.xori %lt3A_45, %ne3A_49 : vector<1x4000xi1>
    %and3A_51 = arith.andi %ne3A_50, %ne3A_43 : vector<1x4000xi1>
    %add3A = vector.broadcast %select_n3A_38 : i32 to vector<1x4000xi32>
    %add3A_52 = arith.addi %rem3A_40, %add3A : vector<1x4000xi32>
    %select_n3A_53 = arith.select %and3A_51, %add3A_52, %rem3A_40 : vector<1x4000xi1>, vector<1x4000xi32>
    %eq3A_54 = vector.broadcast %select_n3A_53 : vector<1x4000xi32> to vector<128x4000xi32>
    %eq3A_55 = arith.cmpi eq, %eq3A_54, %iota3A : vector<128x4000xi32>
    %convert_element_type3A_56 = arith.extui %eq3A_55 : vector<128x4000xi1> to vector<128x4000xi32>
    %convert_element_type3A_57 = arith.sitofp %convert_element_type3A_56 : vector<128x4000xi32> to vector<128x4000xf32>
    %convert_element_type3A_58 = arith.truncf %convert_element_type3A_57 : vector<128x4000xf32> to vector<128x4000xbf16>
    %get3A_59 = arith.constant 0 : index
    %get3A_60 = arith.constant 0 : index
    %get3A_61 = vector.load %arg2[%get3A_59, %get3A_60] : memref<128x128xf32, #tpu.memory_space<vmem>>, vector<128x128xf32>
    %dot_general3A = arith.constant dense<0.000000e+00> : vector<128x128xf32>
    %dot_general3A_62 = tpu.matmul %convert_element_type3A_33, %convert_element_type3A_58, %dot_general3A {dimension_numbers = #tpu.dot_dimension_numbers<[1], [1], [0], [0], [0, 0, 1, 0], [], []>, transpose_lhs_hint = false} : vector<128x4000xbf16>, vector<128x4000xbf16>, vector<128x128xf32> -> vector<128x128xf32>
    %add3A_63 = arith.addf %get3A_61, %dot_general3A_62 : vector<128x128xf32>
    %swap3A = arith.constant 0 : index
    %swap3A_64 = arith.constant 0 : index
    %swap3A_65 = vector.load %arg2[%swap3A, %swap3A_64] : memref<128x128xf32, #tpu.memory_space<vmem>>, vector<128x128xf32>
    tpu.vector_store %arg2[%swap3A, %swap3A_64], %add3A_63 {strides = array<i32>} : memref<128x128xf32, #tpu.memory_space<vmem>>, vector<128x128xf32>,
    return
  }
  func.func @transform_0(%arg0: i32) -> (i32, i32, i32) {
    %c0_i32 = arith.constant 0 : i32
    %c0_i32_0 = arith.constant 0 : i32
    %c0_i32_1 = arith.constant 0 : i32
    return %arg0, %c0_i32, %c0_i32_0 : i32, i32, i32
  }
  func.func @transform_1(%arg0: i32) -> (i32, i32) {
    %c0_i32 = arith.constant 0 : i32
    %c0_i32_0 = arith.constant 0 : i32
    %c0_i32_1 = arith.constant 0 : i32
    return %c0_i32, %c0_i32_0 : i32, i32
  }
}

module attributes {stable_mosaic.version = 14 : i64} {
  func.func @_tc_recip_body(%arg0: i32, %arg1: memref<128x128xf32, #tpu.memory_space<vmem>>, %arg2: memref<1000x128xf32, #tpu.memory_space<vmem>>) attributes {dimension_semantics = [#tpu.dimension_semantics<arbitrary>], iteration_bounds = array<i64: 5>, scalar_prefetch = 0 : i64, scratch_operands = 0 : i64, tpu.core_type = #tpu.core_type<tc>, window_params = [{pipeline_mode = #tpu.pipeline_mode<synchronous>, transform_indices = @transform_0, window_bounds = array<i64: 128, 128>}, {transform_indices = @transform_1, window_bounds = array<i64: 1000, 128>}]} {
    %mul3A = arith.constant 1000 : i32
    %mul3A_0 = arith.muli %arg0, %mul3A : i32
    %iota3A = tpu.iota {dimensions = array<i32: 0>} : vector<1000x128xi32>
    %add3A = vector.broadcast %mul3A_0 : i32 to vector<1000x128xi32>
    %add3A_1 = arith.addi %iota3A, %add3A : vector<1000x128xi32>
    %iota3A_2 = tpu.iota {dimensions = array<i32: 1>} : vector<1000x128xi32>
    %mul3A_3 = arith.constant 2 : i32
    %mul3A_4 = vector.broadcast %mul3A_3 : i32 to vector<1000x128xi32>
    %mul3A_5 = arith.muli %mul3A_4, %add3A_1 : vector<1000x128xi32>
    %add3A_6 = arith.constant 0 : i32
    %add3A_7 = vector.broadcast %add3A_6 : i32 to vector<1000x128xi32>
    %add3A_8 = arith.addi %mul3A_5, %add3A_7 : vector<1000x128xi32>
    %jit3A = arith.constant 100 : i32
    %div3A = vector.broadcast %jit3A : i32 to vector<1000x128xi32>
    %div3A_9 = arith.divsi %add3A_8, %div3A : vector<1000x128xi32>
    %sign3A = arith.constant 0 : i32
    %sign3A_10 = vector.broadcast %sign3A : i32 to vector<1000x128xi32>
    %sign3A_11 = arith.cmpi sgt, %add3A_8, %sign3A_10 : vector<1000x128xi32>
    %sign3A_12 = arith.extui %sign3A_11 : vector<1000x128xi1> to vector<1000x128xi32>
    %sign3A_13 = arith.constant 0 : i32
    %sign3A_14 = vector.broadcast %sign3A_13 : i32 to vector<1000x128xi32>
    %sign3A_15 = arith.cmpi slt, %add3A_8, %sign3A_14 : vector<1000x128xi32>
    %sign3A_16 = arith.extui %sign3A_15 : vector<1000x128xi1> to vector<1000x128xi32>
    %sign3A_17 = arith.subi %sign3A_12, %sign3A_16 : vector<1000x128xi32>
    %sign3A_18 = arith.constant 0 : i32
    %sign3A_19 = arith.cmpi sgt, %jit3A, %sign3A_18 : i32
    %sign3A_20 = arith.extui %sign3A_19 : i1 to i32
    %sign3A_21 = arith.constant 0 : i32
    %sign3A_22 = arith.cmpi slt, %jit3A, %sign3A_21 : i32
    %sign3A_23 = arith.extui %sign3A_22 : i1 to i32
    %sign3A_24 = arith.subi %sign3A_20, %sign3A_23 : i32
    %ne3A = vector.broadcast %sign3A_24 : i32 to vector<1000x128xi32>
    %ne3A_25 = arith.cmpi ne, %sign3A_17, %ne3A : vector<1000x128xi32>
    %rem3A = vector.broadcast %jit3A : i32 to vector<1000x128xi32>
    %rem3A_26 = arith.remsi %add3A_8, %rem3A : vector<1000x128xi32>
    %ne3A_27 = arith.constant 0 : i32
    %ne3A_28 = vector.broadcast %ne3A_27 : i32 to vector<1000x128xi32>
    %ne3A_29 = arith.cmpi ne, %rem3A_26, %ne3A_28 : vector<1000x128xi32>
    %and3A = arith.andi %ne3A_25, %ne3A_29 : vector<1000x128xi1>
    %sub3A = arith.constant 1 : i32
    %sub3A_30 = vector.broadcast %sub3A : i32 to vector<1000x128xi32>
    %sub3A_31 = arith.subi %div3A_9, %sub3A_30 : vector<1000x128xi32>
    %select_n3A = arith.select %and3A, %sub3A_31, %div3A_9 : vector<1000x128xi1>, vector<1000x128xi32>
    %eq3A = arith.cmpi eq, %select_n3A, %iota3A_2 : vector<1000x128xi32>
    %convert_element_type3A = arith.extui %eq3A : vector<1000x128xi1> to vector<1000x128xi32>
    %convert_element_type3A_32 = arith.sitofp %convert_element_type3A : vector<1000x128xi32> to vector<1000x128xf32>
    %jit3A_33 = arith.constant 100 : i32
    %eq3A_34 = arith.constant 0 : i32
    %eq3A_35 = arith.cmpi eq, %jit3A_33, %eq3A_34 : i32
    %jit3A_36 = arith.constant 1 : i32
    %select_n3A_37 = arith.select %eq3A_35, %jit3A_36, %jit3A_33 : i32
    %rem3A_38 = vector.broadcast %select_n3A_37 : i32 to vector<1000x128xi32>
    %rem3A_39 = arith.remsi %add3A_8, %rem3A_38 : vector<1000x128xi32>
    %ne3A_40 = arith.constant 0 : i32
    %ne3A_41 = vector.broadcast %ne3A_40 : i32 to vector<1000x128xi32>
    %ne3A_42 = arith.cmpi ne, %rem3A_39, %ne3A_41 : vector<1000x128xi32>
    %lt3A = arith.constant 0 : i32
    %lt3A_43 = vector.broadcast %lt3A : i32 to vector<1000x128xi32>
    %lt3A_44 = arith.cmpi slt, %rem3A_39, %lt3A_43 : vector<1000x128xi32>
    %lt3A_45 = arith.constant 0 : i32
    %lt3A_46 = arith.cmpi slt, %select_n3A_37, %lt3A_45 : i32
    %ne3A_47 = vector.broadcast %lt3A_46 : i1 to vector<1000x128xi1>
    %ne3A_48 = vector.broadcast %ne3A_47 : vector<1000x128xi1> to vector<1000x128xi1>
    %ne3A_49 = arith.xori %lt3A_44, %ne3A_48 : vector<1000x128xi1>
    %and3A_50 = arith.andi %ne3A_49, %ne3A_42 : vector<1000x128xi1>
    %add3A_51 = vector.broadcast %select_n3A_37 : i32 to vector<1000x128xi32>
    %add3A_52 = arith.addi %rem3A_39, %add3A_51 : vector<1000x128xi32>
    %select_n3A_53 = arith.select %and3A_50, %add3A_52, %rem3A_39 : vector<1000x128xi1>, vector<1000x128xi32>
    %eq3A_54 = arith.cmpi eq, %select_n3A_53, %iota3A_2 : vector<1000x128xi32>
    %convert_element_type3A_55 = arith.extui %eq3A_54 : vector<1000x128xi1> to vector<1000x128xi32>
    %convert_element_type3A_56 = arith.sitofp %convert_element_type3A_55 : vector<1000x128xi32> to vector<1000x128xf32>
    %get3A = arith.constant 0 : index
    %get3A_57 = arith.constant 0 : index
    %get3A_58 = vector.load %arg1[%get3A, %get3A_57] : memref<128x128xf32, #tpu.memory_space<vmem>>, vector<128x128xf32>
    %dot_general3A = arith.constant dense<0.000000e+00> : vector<1000x128xf32>
    %dot_general3A_59 = tpu.matmul %convert_element_type3A_32, %get3A_58, %dot_general3A {dimension_numbers = #tpu.dot_dimension_numbers<[1], [0], [0], [1], [0, 0, 1, 1], [], []>, transpose_lhs_hint = false} : vector<1000x128xf32>, vector<128x128xf32>, vector<1000x128xf32> -> vector<1000x128xf32>
    %mul3A_60 = arith.mulf %dot_general3A_59, %convert_element_type3A_56 : vector<1000x128xf32>
    %reduce_sum3A = arith.constant dense<0.000000e+00> : vector<1000xf32>
    %reduce_sum3A_61 = vector.multi_reduction <add>, %mul3A_60, %reduce_sum3A [1] : vector<1000x128xf32> to vector<1000xf32>
    %broadcast_in_dim3A = vector.shape_cast %reduce_sum3A_61 : vector<1000xf32> to vector<1000x1xf32>
    %max3A = arith.constant 1.000000e+00 : f32
    %max3A_62 = vector.broadcast %max3A : f32 to vector<1000x1xf32>
    %max3A_63 = arith.maximumf %broadcast_in_dim3A, %max3A_62 : vector<1000x1xf32>
    %div3A_64 = arith.constant 1.000000e+00 : f32
    %div3A_65 = vector.broadcast %div3A_64 : f32 to vector<1000x1xf32>
    %div3A_66 = arith.divf %div3A_65, %max3A_63 : vector<1000x1xf32>
    %mul3A_67 = arith.constant 2 : i32
    %mul3A_68 = vector.broadcast %mul3A_67 : i32 to vector<1000x128xi32>
    %mul3A_69 = arith.muli %mul3A_68, %add3A_1 : vector<1000x128xi32>
    %add3A_70 = arith.constant 1 : i32
    %add3A_71 = vector.broadcast %add3A_70 : i32 to vector<1000x128xi32>
    %add3A_72 = arith.addi %mul3A_69, %add3A_71 : vector<1000x128xi32>
    %jit3A_73 = arith.constant 100 : i32
    %div3A_74 = vector.broadcast %jit3A_73 : i32 to vector<1000x128xi32>
    %div3A_75 = arith.divsi %add3A_72, %div3A_74 : vector<1000x128xi32>
    %sign3A_76 = arith.constant 0 : i32
    %sign3A_77 = vector.broadcast %sign3A_76 : i32 to vector<1000x128xi32>
    %sign3A_78 = arith.cmpi sgt, %add3A_72, %sign3A_77 : vector<1000x128xi32>
    %sign3A_79 = arith.extui %sign3A_78 : vector<1000x128xi1> to vector<1000x128xi32>
    %sign3A_80 = arith.constant 0 : i32
    %sign3A_81 = vector.broadcast %sign3A_80 : i32 to vector<1000x128xi32>
    %sign3A_82 = arith.cmpi slt, %add3A_72, %sign3A_81 : vector<1000x128xi32>
    %sign3A_83 = arith.extui %sign3A_82 : vector<1000x128xi1> to vector<1000x128xi32>
    %sign3A_84 = arith.subi %sign3A_79, %sign3A_83 : vector<1000x128xi32>
    %sign3A_85 = arith.constant 0 : i32
    %sign3A_86 = arith.cmpi sgt, %jit3A_73, %sign3A_85 : i32
    %sign3A_87 = arith.extui %sign3A_86 : i1 to i32
    %sign3A_88 = arith.constant 0 : i32
    %sign3A_89 = arith.cmpi slt, %jit3A_73, %sign3A_88 : i32
    %sign3A_90 = arith.extui %sign3A_89 : i1 to i32
    %sign3A_91 = arith.subi %sign3A_87, %sign3A_90 : i32
    %ne3A_92 = vector.broadcast %sign3A_91 : i32 to vector<1000x128xi32>
    %ne3A_93 = arith.cmpi ne, %sign3A_84, %ne3A_92 : vector<1000x128xi32>
    %rem3A_94 = vector.broadcast %jit3A_73 : i32 to vector<1000x128xi32>
    %rem3A_95 = arith.remsi %add3A_72, %rem3A_94 : vector<1000x128xi32>
    %ne3A_96 = arith.constant 0 : i32
    %ne3A_97 = vector.broadcast %ne3A_96 : i32 to vector<1000x128xi32>
    %ne3A_98 = arith.cmpi ne, %rem3A_95, %ne3A_97 : vector<1000x128xi32>
    %and3A_99 = arith.andi %ne3A_93, %ne3A_98 : vector<1000x128xi1>
    %sub3A_100 = arith.constant 1 : i32
    %sub3A_101 = vector.broadcast %sub3A_100 : i32 to vector<1000x128xi32>
    %sub3A_102 = arith.subi %div3A_75, %sub3A_101 : vector<1000x128xi32>
    %select_n3A_103 = arith.select %and3A_99, %sub3A_102, %div3A_75 : vector<1000x128xi1>, vector<1000x128xi32>
    %eq3A_104 = arith.cmpi eq, %select_n3A_103, %iota3A_2 : vector<1000x128xi32>
    %convert_element_type3A_105 = arith.extui %eq3A_104 : vector<1000x128xi1> to vector<1000x128xi32>
    %convert_element_type3A_106 = arith.sitofp %convert_element_type3A_105 : vector<1000x128xi32> to vector<1000x128xf32>
    %jit3A_107 = arith.constant 100 : i32
    %eq3A_108 = arith.constant 0 : i32
    %eq3A_109 = arith.cmpi eq, %jit3A_107, %eq3A_108 : i32
    %jit3A_110 = arith.constant 1 : i32
    %select_n3A_111 = arith.select %eq3A_109, %jit3A_110, %jit3A_107 : i32
    %rem3A_112 = vector.broadcast %select_n3A_111 : i32 to vector<1000x128xi32>
    %rem3A_113 = arith.remsi %add3A_72, %rem3A_112 : vector<1000x128xi32>
    %ne3A_114 = arith.constant 0 : i32
    %ne3A_115 = vector.broadcast %ne3A_114 : i32 to vector<1000x128xi32>
    %ne3A_116 = arith.cmpi ne, %rem3A_113, %ne3A_115 : vector<1000x128xi32>
    %lt3A_117 = arith.constant 0 : i32
    %lt3A_118 = vector.broadcast %lt3A_117 : i32 to vector<1000x128xi32>
    %lt3A_119 = arith.cmpi slt, %rem3A_113, %lt3A_118 : vector<1000x128xi32>
    %lt3A_120 = arith.constant 0 : i32
    %lt3A_121 = arith.cmpi slt, %select_n3A_111, %lt3A_120 : i32
    %ne3A_122 = vector.broadcast %lt3A_121 : i1 to vector<1000x128xi1>
    %ne3A_123 = vector.broadcast %ne3A_122 : vector<1000x128xi1> to vector<1000x128xi1>
    %ne3A_124 = arith.xori %lt3A_119, %ne3A_123 : vector<1000x128xi1>
    %and3A_125 = arith.andi %ne3A_124, %ne3A_116 : vector<1000x128xi1>
    %add3A_126 = vector.broadcast %select_n3A_111 : i32 to vector<1000x128xi32>
    %add3A_127 = arith.addi %rem3A_113, %add3A_126 : vector<1000x128xi32>
    %select_n3A_128 = arith.select %and3A_125, %add3A_127, %rem3A_113 : vector<1000x128xi1>, vector<1000x128xi32>
    %eq3A_129 = arith.cmpi eq, %select_n3A_128, %iota3A_2 : vector<1000x128xi32>
    %convert_element_type3A_130 = arith.extui %eq3A_129 : vector<1000x128xi1> to vector<1000x128xi32>
    %convert_element_type3A_131 = arith.sitofp %convert_element_type3A_130 : vector<1000x128xi32> to vector<1000x128xf32>
    %get3A_132 = arith.constant 0 : index
    %get3A_133 = arith.constant 0 : index
    %get3A_134 = vector.load %arg1[%get3A_132, %get3A_133] : memref<128x128xf32, #tpu.memory_space<vmem>>, vector<128x128xf32>
    %dot_general3A_135 = arith.constant dense<0.000000e+00> : vector<1000x128xf32>
    %dot_general3A_136 = tpu.matmul %convert_element_type3A_106, %get3A_134, %dot_general3A_135 {dimension_numbers = #tpu.dot_dimension_numbers<[1], [0], [0], [1], [0, 0, 1, 1], [], []>, transpose_lhs_hint = false} : vector<1000x128xf32>, vector<128x128xf32>, vector<1000x128xf32> -> vector<1000x128xf32>
    %mul3A_137 = arith.mulf %dot_general3A_136, %convert_element_type3A_131 : vector<1000x128xf32>
    %reduce_sum3A_138 = arith.constant dense<0.000000e+00> : vector<1000xf32>
    %reduce_sum3A_139 = vector.multi_reduction <add>, %mul3A_137, %reduce_sum3A_138 [1] : vector<1000x128xf32> to vector<1000xf32>
    %broadcast_in_dim3A_140 = vector.shape_cast %reduce_sum3A_139 : vector<1000xf32> to vector<1000x1xf32>
    %max3A_141 = arith.constant 1.000000e+00 : f32
    %max3A_142 = vector.broadcast %max3A_141 : f32 to vector<1000x1xf32>
    %max3A_143 = arith.maximumf %broadcast_in_dim3A_140, %max3A_142 : vector<1000x1xf32>
    %div3A_144 = arith.constant 1.000000e+00 : f32
    %div3A_145 = vector.broadcast %div3A_144 : f32 to vector<1000x1xf32>
    %div3A_146 = arith.divf %div3A_145, %max3A_143 : vector<1000x1xf32>
    %broadcast_in_dim3A_147 = vector.shape_cast %div3A_66 : vector<1000x1xf32> to vector<1000x1xf32>
    %broadcast_in_dim3A_148 = vector.broadcast %broadcast_in_dim3A_147 : vector<1000x1xf32> to vector<1000x64xf32>
    %broadcast_in_dim3A_149 = vector.shape_cast %div3A_146 : vector<1000x1xf32> to vector<1000x1xf32>
    %broadcast_in_dim3A_150 = vector.broadcast %broadcast_in_dim3A_149 : vector<1000x1xf32> to vector<1000x64xf32>
    %concatenate3A = tpu.concatenate %broadcast_in_dim3A_148, %broadcast_in_dim3A_150 in 1 : vector<1000x64xf32>, vector<1000x64xf32> -> vector<1000x128xf32>
    %swap3A = arith.constant 0 : index
    %swap3A_151 = arith.constant 0 : index
    %swap3A_152 = vector.load %arg2[%swap3A, %swap3A_151] : memref<1000x128xf32, #tpu.memory_space<vmem>>, vector<1000x128xf32>
    tpu.vector_store %arg2[%swap3A, %swap3A_151], %concatenate3A {strides = array<i32>} : memref<1000x128xf32, #tpu.memory_space<vmem>>, vector<1000x128xf32>,
    return
  }
  func.func @transform_0(%arg0: i32) -> (i32, i32) {
    %c0_i32 = arith.constant 0 : i32
    %c0_i32_0 = arith.constant 0 : i32
    %c0_i32_1 = arith.constant 0 : i32
    return %c0_i32, %c0_i32_0 : i32, i32
  }
  func.func @transform_1(%arg0: i32) -> (i32, i32) {
    %c0_i32 = arith.constant 0 : i32
    %c0_i32_0 = arith.constant 0 : i32
    return %arg0, %c0_i32 : i32, i32
  }
}

module attributes {stable_mosaic.version = 14 : i64} {
  func.func @_tc_layer_body(%arg0: i32, %arg1: memref<2x1000x128xf32, #tpu.memory_space<vmem>>, %arg2: memref<1000x128xf32, #tpu.memory_space<vmem>>, %arg3: memref<128x128xf32, #tpu.memory_space<vmem>>, %arg4: memref<1x128xf32, #tpu.memory_space<vmem>>, %arg5: memref<2x1000x128xf32, #tpu.memory_space<vmem>>) attributes {dimension_semantics = [#tpu.dimension_semantics<arbitrary>], iteration_bounds = array<i64: 5>, scalar_prefetch = 0 : i64, scratch_operands = 0 : i64, tpu.core_type = #tpu.core_type<tc>, window_params = [{transform_indices = @transform_0, window_bounds = array<i64: 2, 1000, 128>}, {transform_indices = @transform_1, window_bounds = array<i64: 1000, 128>}, {pipeline_mode = #tpu.pipeline_mode<synchronous>, transform_indices = @transform_2, window_bounds = array<i64: 128, 128>}, {pipeline_mode = #tpu.pipeline_mode<synchronous>, transform_indices = @transform_3, window_bounds = array<i64: 1, 128>}, {transform_indices = @transform_4, window_bounds = array<i64: 2, 1000, 128>}]} {
    %get3A = arith.constant 0 : index
    %get3A_0 = arith.constant 0 : index
    %get3A_1 = arith.constant 0 : index
    %get3A_2 = vector.load %arg1[%get3A, %get3A_0, %get3A_1] : memref<2x1000x128xf32, #tpu.memory_space<vmem>>, vector<1x1000x128xf32>
    %get3A_3 = vector.shape_cast %get3A_2 : vector<1x1000x128xf32> to vector<1000x128xf32>
    %get3A_4 = arith.constant 1 : index
    %get3A_5 = arith.constant 0 : index
    %get3A_6 = arith.constant 0 : index
    %get3A_7 = vector.load %arg1[%get3A_4, %get3A_5, %get3A_6] : memref<2x1000x128xf32, #tpu.memory_space<vmem>>, vector<1x1000x128xf32>
    %get3A_8 = vector.shape_cast %get3A_7 : vector<1x1000x128xf32> to vector<1000x128xf32>
    %get3A_9 = arith.constant 0 : index
    %get3A_10 = arith.constant 0 : index
    %get3A_11 = vector.load %arg2[%get3A_9, %get3A_10] : memref<1000x128xf32, #tpu.memory_space<vmem>>, vector<1000x128xf32>
    %slice3A = vector.extract_strided_slice %get3A_3 {offsets = [0, 0], sizes = [1000, 64], strides = [1, 1]} : vector<1000x128xf32> to vector<1000x64xf32>
    %slice3A_12 = vector.extract_strided_slice %get3A_8 {offsets = [0, 0], sizes = [1000, 64], strides = [1, 1]} : vector<1000x128xf32> to vector<1000x64xf32>
    %concatenate3A = tpu.concatenate %slice3A, %slice3A_12 in 1 : vector<1000x64xf32>, vector<1000x64xf32> -> vector<1000x128xf32>
    %slice3A_13 = vector.extract_strided_slice %get3A_3 {offsets = [0, 64], sizes = [1000, 64], strides = [1, 1]} : vector<1000x128xf32> to vector<1000x64xf32>
    %slice3A_14 = vector.extract_strided_slice %get3A_8 {offsets = [0, 64], sizes = [1000, 64], strides = [1, 1]} : vector<1000x128xf32> to vector<1000x64xf32>
    %concatenate3A_15 = tpu.concatenate %slice3A_13, %slice3A_14 in 1 : vector<1000x64xf32>, vector<1000x64xf32> -> vector<1000x128xf32>
    %slice3A_16 = vector.extract_strided_slice %get3A_11 {offsets = [0, 0], sizes = [1000, 1], strides = [1, 1]} : vector<1000x128xf32> to vector<1000x1xf32>
    %mul3A = vector.broadcast %slice3A_16 : vector<1000x1xf32> to vector<1000x128xf32>
    %mul3A_17 = arith.mulf %concatenate3A, %mul3A : vector<1000x128xf32>
    %slice3A_18 = vector.extract_strided_slice %get3A_11 {offsets = [0, 64], sizes = [1000, 1], strides = [1, 1]} : vector<1000x128xf32> to vector<1000x1xf32>
    %mul3A_19 = vector.broadcast %slice3A_18 : vector<1000x1xf32> to vector<1000x128xf32>
    %mul3A_20 = arith.mulf %concatenate3A_15, %mul3A_19 : vector<1000x128xf32>
    %get3A_21 = arith.constant 0 : index
    %get3A_22 = arith.constant 0 : index
    %get3A_23 = vector.load %arg3[%get3A_21, %get3A_22] : memref<128x128xf32, #tpu.memory_space<vmem>>, vector<128x128xf32>
    %get3A_24 = arith.constant 0 : index
    %get3A_25 = arith.constant 0 : index
    %get3A_26 = vector.load %arg4[%get3A_24, %get3A_25] : memref<1x128xf32, #tpu.memory_space<vmem>>, vector<1x128xf32>
    %dot_general3A = arith.constant dense<0.000000e+00> : vector<1000x128xf32>
    %dot_general3A_27 = tpu.matmul %mul3A_17, %get3A_23, %dot_general3A {dimension_numbers = #tpu.dot_dimension_numbers<[1], [0], [0], [1], [0, 0, 1, 1], [], []>, transpose_lhs_hint = false} : vector<1000x128xf32>, vector<128x128xf32>, vector<1000x128xf32> -> vector<1000x128xf32>
    %add3A = vector.broadcast %get3A_26 : vector<1x128xf32> to vector<1000x128xf32>
    %add3A_28 = arith.addf %dot_general3A_27, %add3A : vector<1000x128xf32>
    %max3A = arith.constant 0.000000e+00 : f32
    %max3A_29 = vector.broadcast %max3A : f32 to vector<1000x128xf32>
    %max3A_30 = arith.maximumf %add3A_28, %max3A_29 : vector<1000x128xf32>
    %dot_general3A_31 = arith.constant dense<0.000000e+00> : vector<1000x128xf32>
    %dot_general3A_32 = tpu.matmul %mul3A_20, %get3A_23, %dot_general3A_31 {dimension_numbers = #tpu.dot_dimension_numbers<[1], [0], [0], [1], [0, 0, 1, 1], [], []>, transpose_lhs_hint = false} : vector<1000x128xf32>, vector<128x128xf32>, vector<1000x128xf32> -> vector<1000x128xf32>
    %add3A_33 = vector.broadcast %get3A_26 : vector<1x128xf32> to vector<1000x128xf32>
    %add3A_34 = arith.addf %dot_general3A_32, %add3A_33 : vector<1000x128xf32>
    %max3A_35 = arith.constant 0.000000e+00 : f32
    %max3A_36 = vector.broadcast %max3A_35 : f32 to vector<1000x128xf32>
    %max3A_37 = arith.maximumf %add3A_34, %max3A_36 : vector<1000x128xf32>
    %slice3A_38 = vector.extract_strided_slice %max3A_30 {offsets = [0, 0], sizes = [1000, 64], strides = [1, 1]} : vector<1000x128xf32> to vector<1000x64xf32>
    %slice3A_39 = vector.extract_strided_slice %max3A_37 {offsets = [0, 0], sizes = [1000, 64], strides = [1, 1]} : vector<1000x128xf32> to vector<1000x64xf32>
    %concatenate3A_40 = tpu.concatenate %slice3A_38, %slice3A_39 in 1 : vector<1000x64xf32>, vector<1000x64xf32> -> vector<1000x128xf32>
    %swap3A = arith.constant 0 : index
    %swap3A_41 = arith.constant 0 : index
    %swap3A_42 = arith.constant 0 : index
    %swap3A_43 = vector.load %arg5[%swap3A, %swap3A_41, %swap3A_42] : memref<2x1000x128xf32, #tpu.memory_space<vmem>>, vector<1x1000x128xf32>
    %swap3A_44 = vector.shape_cast %swap3A_43 : vector<1x1000x128xf32> to vector<1000x128xf32>
    %swap3A_45 = vector.shape_cast %concatenate3A_40 : vector<1000x128xf32> to vector<1x1000x128xf32>
    tpu.vector_store %arg5[%swap3A, %swap3A_41, %swap3A_42], %swap3A_45 {strides = array<i32>} : memref<2x1000x128xf32, #tpu.memory_space<vmem>>, vector<1x1000x128xf32>,
    %slice3A_46 = vector.extract_strided_slice %max3A_30 {offsets = [0, 64], sizes = [1000, 64], strides = [1, 1]} : vector<1000x128xf32> to vector<1000x64xf32>
    %slice3A_47 = vector.extract_strided_slice %max3A_37 {offsets = [0, 64], sizes = [1000, 64], strides = [1, 1]} : vector<1000x128xf32> to vector<1000x64xf32>
    %concatenate3A_48 = tpu.concatenate %slice3A_46, %slice3A_47 in 1 : vector<1000x64xf32>, vector<1000x64xf32> -> vector<1000x128xf32>
    %swap3A_49 = arith.constant 1 : index
    %swap3A_50 = arith.constant 0 : index
    %swap3A_51 = arith.constant 0 : index
    %swap3A_52 = vector.load %arg5[%swap3A_49, %swap3A_50, %swap3A_51] : memref<2x1000x128xf32, #tpu.memory_space<vmem>>, vector<1x1000x128xf32>
    %swap3A_53 = vector.shape_cast %swap3A_52 : vector<1x1000x128xf32> to vector<1000x128xf32>
    %swap3A_54 = vector.shape_cast %concatenate3A_48 : vector<1000x128xf32> to vector<1x1000x128xf32>
    tpu.vector_store %arg5[%swap3A_49, %swap3A_50, %swap3A_51], %swap3A_54 {strides = array<i32>} : memref<2x1000x128xf32, #tpu.memory_space<vmem>>, vector<1x1000x128xf32>,
    return
  }
  func.func @transform_0(%arg0: i32) -> (i32, i32, i32) {
    %c0_i32 = arith.constant 0 : i32
    %c0_i32_0 = arith.constant 0 : i32
    %c0_i32_1 = arith.constant 0 : i32
    return %c0_i32, %arg0, %c0_i32_0 : i32, i32, i32
  }
  func.func @transform_1(%arg0: i32) -> (i32, i32) {
    %c0_i32 = arith.constant 0 : i32
    %c0_i32_0 = arith.constant 0 : i32
    return %arg0, %c0_i32 : i32, i32
  }
  func.func @transform_2(%arg0: i32) -> (i32, i32) {
    %c0_i32 = arith.constant 0 : i32
    %c0_i32_0 = arith.constant 0 : i32
    %c0_i32_1 = arith.constant 0 : i32
    return %c0_i32, %c0_i32_0 : i32, i32
  }
  func.func @transform_3(%arg0: i32) -> (i32, i32) {
    %c0_i32 = arith.constant 0 : i32
    %c0_i32_0 = arith.constant 0 : i32
    %c0_i32_1 = arith.constant 0 : i32
    return %c0_i32, %c0_i32_0 : i32, i32
  }
  func.func @transform_4(%arg0: i32) -> (i32, i32, i32) {
    %c0_i32 = arith.constant 0 : i32
    %c0_i32_0 = arith.constant 0 : i32
    %c0_i32_1 = arith.constant 0 : i32
    return %c0_i32, %arg0, %c0_i32_0 : i32, i32, i32
  }
}

module attributes {stable_mosaic.version = 14 : i64} {
  func.func @_tc_final_body(%arg0: i32, %arg1: memref<2x1000x128xf32, #tpu.memory_space<vmem>>, %arg2: memref<1000x128xf32, #tpu.memory_space<vmem>>, %arg3: memref<128x128xf32, #tpu.memory_space<vmem>>, %arg4: memref<1x128xf32, #tpu.memory_space<vmem>>, %arg5: memref<128x128xf32, #tpu.memory_space<vmem>>, %arg6: memref<1x128xf32, #tpu.memory_space<vmem>>, %arg7: memref<128x128xf32, #tpu.memory_space<vmem>>, %arg8: memref<1x128xf32, #tpu.memory_space<vmem>>, %arg9: memref<2000x128xf32, #tpu.memory_space<vmem>>) attributes {dimension_semantics = [#tpu.dimension_semantics<arbitrary>], iteration_bounds = array<i64: 5>, scalar_prefetch = 0 : i64, scratch_operands = 0 : i64, tpu.core_type = #tpu.core_type<tc>, window_params = [{transform_indices = @transform_0, window_bounds = array<i64: 2, 1000, 128>}, {transform_indices = @transform_1, window_bounds = array<i64: 1000, 128>}, {pipeline_mode = #tpu.pipeline_mode<synchronous>, transform_indices = @transform_2, window_bounds = array<i64: 128, 128>}, {pipeline_mode = #tpu.pipeline_mode<synchronous>, transform_indices = @transform_3, window_bounds = array<i64: 1, 128>}, {pipeline_mode = #tpu.pipeline_mode<synchronous>, transform_indices = @transform_4, window_bounds = array<i64: 128, 128>}, {pipeline_mode = #tpu.pipeline_mode<synchronous>, transform_indices = @transform_5, window_bounds = array<i64: 1, 128>}, {pipeline_mode = #tpu.pipeline_mode<synchronous>, transform_indices = @transform_6, window_bounds = array<i64: 128, 128>}, {pipeline_mode = #tpu.pipeline_mode<synchronous>, transform_indices = @transform_7, window_bounds = array<i64: 1, 128>}, {transform_indices = @transform_8, window_bounds = array<i64: 2000, 128>}]} {
    %get3A = arith.constant 0 : index
    %get3A_0 = arith.constant 0 : index
    %get3A_1 = arith.constant 0 : index
    %get3A_2 = vector.load %arg1[%get3A, %get3A_0, %get3A_1] : memref<2x1000x128xf32, #tpu.memory_space<vmem>>, vector<1x1000x128xf32>
    %get3A_3 = vector.shape_cast %get3A_2 : vector<1x1000x128xf32> to vector<1000x128xf32>
    %get3A_4 = arith.constant 1 : index
    %get3A_5 = arith.constant 0 : index
    %get3A_6 = arith.constant 0 : index
    %get3A_7 = vector.load %arg1[%get3A_4, %get3A_5, %get3A_6] : memref<2x1000x128xf32, #tpu.memory_space<vmem>>, vector<1x1000x128xf32>
    %get3A_8 = vector.shape_cast %get3A_7 : vector<1x1000x128xf32> to vector<1000x128xf32>
    %get3A_9 = arith.constant 0 : index
    %get3A_10 = arith.constant 0 : index
    %get3A_11 = vector.load %arg2[%get3A_9, %get3A_10] : memref<1000x128xf32, #tpu.memory_space<vmem>>, vector<1000x128xf32>
    %slice3A = vector.extract_strided_slice %get3A_3 {offsets = [0, 0], sizes = [1000, 64], strides = [1, 1]} : vector<1000x128xf32> to vector<1000x64xf32>
    %slice3A_12 = vector.extract_strided_slice %get3A_8 {offsets = [0, 0], sizes = [1000, 64], strides = [1, 1]} : vector<1000x128xf32> to vector<1000x64xf32>
    %concatenate3A = tpu.concatenate %slice3A, %slice3A_12 in 1 : vector<1000x64xf32>, vector<1000x64xf32> -> vector<1000x128xf32>
    %slice3A_13 = vector.extract_strided_slice %get3A_3 {offsets = [0, 64], sizes = [1000, 64], strides = [1, 1]} : vector<1000x128xf32> to vector<1000x64xf32>
    %slice3A_14 = vector.extract_strided_slice %get3A_8 {offsets = [0, 64], sizes = [1000, 64], strides = [1, 1]} : vector<1000x128xf32> to vector<1000x64xf32>
    %concatenate3A_15 = tpu.concatenate %slice3A_13, %slice3A_14 in 1 : vector<1000x64xf32>, vector<1000x64xf32> -> vector<1000x128xf32>
    %slice3A_16 = vector.extract_strided_slice %get3A_11 {offsets = [0, 0], sizes = [1000, 1], strides = [1, 1]} : vector<1000x128xf32> to vector<1000x1xf32>
    %mul3A = vector.broadcast %slice3A_16 : vector<1000x1xf32> to vector<1000x128xf32>
    %mul3A_17 = arith.mulf %concatenate3A, %mul3A : vector<1000x128xf32>
    %slice3A_18 = vector.extract_strided_slice %get3A_11 {offsets = [0, 64], sizes = [1000, 1], strides = [1, 1]} : vector<1000x128xf32> to vector<1000x1xf32>
    %mul3A_19 = vector.broadcast %slice3A_18 : vector<1000x1xf32> to vector<1000x128xf32>
    %mul3A_20 = arith.mulf %concatenate3A_15, %mul3A_19 : vector<1000x128xf32>
    %get3A_21 = arith.constant 0 : index
    %get3A_22 = arith.constant 0 : index
    %get3A_23 = vector.load %arg3[%get3A_21, %get3A_22] : memref<128x128xf32, #tpu.memory_space<vmem>>, vector<128x128xf32>
    %get3A_24 = arith.constant 0 : index
    %get3A_25 = arith.constant 0 : index
    %get3A_26 = vector.load %arg4[%get3A_24, %get3A_25] : memref<1x128xf32, #tpu.memory_space<vmem>>, vector<1x128xf32>
    %get3A_27 = arith.constant 0 : index
    %get3A_28 = arith.constant 0 : index
    %get3A_29 = vector.load %arg5[%get3A_27, %get3A_28] : memref<128x128xf32, #tpu.memory_space<vmem>>, vector<128x128xf32>
    %get3A_30 = arith.constant 0 : index
    %get3A_31 = arith.constant 0 : index
    %get3A_32 = vector.load %arg6[%get3A_30, %get3A_31] : memref<1x128xf32, #tpu.memory_space<vmem>>, vector<1x128xf32>
    %get3A_33 = arith.constant 0 : index
    %get3A_34 = arith.constant 0 : index
    %get3A_35 = vector.load %arg7[%get3A_33, %get3A_34] : memref<128x128xf32, #tpu.memory_space<vmem>>, vector<128x128xf32>
    %get3A_36 = arith.constant 0 : index
    %get3A_37 = arith.constant 0 : index
    %get3A_38 = vector.load %arg8[%get3A_36, %get3A_37] : memref<1x128xf32, #tpu.memory_space<vmem>>, vector<1x128xf32>
    %dot_general3A = arith.constant dense<0.000000e+00> : vector<1000x128xf32>
    %dot_general3A_39 = tpu.matmul %mul3A_17, %get3A_23, %dot_general3A {dimension_numbers = #tpu.dot_dimension_numbers<[1], [0], [0], [1], [0, 0, 1, 1], [], []>, transpose_lhs_hint = false} : vector<1000x128xf32>, vector<128x128xf32>, vector<1000x128xf32> -> vector<1000x128xf32>
    %add3A = vector.broadcast %get3A_26 : vector<1x128xf32> to vector<1000x128xf32>
    %add3A_40 = arith.addf %dot_general3A_39, %add3A : vector<1000x128xf32>
    %max3A = arith.constant 0.000000e+00 : f32
    %max3A_41 = vector.broadcast %max3A : f32 to vector<1000x128xf32>
    %max3A_42 = arith.maximumf %add3A_40, %max3A_41 : vector<1000x128xf32>
    %dot_general3A_43 = arith.constant dense<0.000000e+00> : vector<1000x128xf32>
    %dot_general3A_44 = tpu.matmul %max3A_42, %get3A_29, %dot_general3A_43 {dimension_numbers = #tpu.dot_dimension_numbers<[1], [0], [0], [1], [0, 0, 1, 1], [], []>, transpose_lhs_hint = false} : vector<1000x128xf32>, vector<128x128xf32>, vector<1000x128xf32> -> vector<1000x128xf32>
    %add3A_45 = vector.broadcast %get3A_32 : vector<1x128xf32> to vector<1000x128xf32>
    %add3A_46 = arith.addf %dot_general3A_44, %add3A_45 : vector<1000x128xf32>
    %max3A_47 = arith.constant 0.000000e+00 : f32
    %max3A_48 = vector.broadcast %max3A_47 : f32 to vector<1000x128xf32>
    %max3A_49 = arith.maximumf %add3A_46, %max3A_48 : vector<1000x128xf32>
    %dot_general3A_50 = arith.constant dense<0.000000e+00> : vector<1000x128xf32>
    %dot_general3A_51 = tpu.matmul %max3A_49, %get3A_35, %dot_general3A_50 {dimension_numbers = #tpu.dot_dimension_numbers<[1], [0], [0], [1], [0, 0, 1, 1], [], []>, transpose_lhs_hint = false} : vector<1000x128xf32>, vector<128x128xf32>, vector<1000x128xf32> -> vector<1000x128xf32>
    %add3A_52 = vector.broadcast %get3A_38 : vector<1x128xf32> to vector<1000x128xf32>
    %add3A_53 = arith.addf %dot_general3A_51, %add3A_52 : vector<1000x128xf32>
    %iota3A = tpu.iota {dimensions = array<i32: 1>} : vector<1000x128xi32>
    %lt3A = arith.constant 40 : i32
    %lt3A_54 = vector.broadcast %lt3A : i32 to vector<1000x128xi32>
    %lt3A_55 = arith.cmpi slt, %iota3A, %lt3A_54 : vector<1000x128xi32>
    %jit3A = arith.constant -1.000000e+30 : f32
    %broadcast_in_dim3A = vector.broadcast %jit3A : f32 to vector<1000x128xf32>
    %select_n3A = arith.select %lt3A_55, %add3A_53, %broadcast_in_dim3A : vector<1000x128xi1>, vector<1000x128xf32>
    %reduce_max3A = arith.constant dense<0xFF800000> : vector<1000xf32>
    %reduce_max3A_56 = vector.multi_reduction <maximumf>, %select_n3A, %reduce_max3A [1] : vector<1000x128xf32> to vector<1000xf32>
    %broadcast_in_dim3A_57 = vector.shape_cast %reduce_max3A_56 : vector<1000xf32> to vector<1000x1xf32>
    %sub3A = vector.broadcast %broadcast_in_dim3A_57 : vector<1000x1xf32> to vector<1000x128xf32>
    %sub3A_58 = arith.subf %select_n3A, %sub3A : vector<1000x128xf32>
    %exp3A = math.exp %sub3A_58 : vector<1000x128xf32>
    %reduce_sum3A = arith.constant dense<0.000000e+00> : vector<1000xf32>
    %reduce_sum3A_59 = vector.multi_reduction <add>, %exp3A, %reduce_sum3A [1] : vector<1000x128xf32> to vector<1000xf32>
    %broadcast_in_dim3A_60 = vector.shape_cast %reduce_sum3A_59 : vector<1000xf32> to vector<1000x1xf32>
    %log3A = math.log %broadcast_in_dim3A_60 : vector<1000x1xf32>
    %sub3A_61 = vector.broadcast %broadcast_in_dim3A_57 : vector<1000x1xf32> to vector<1000x128xf32>
    %sub3A_62 = arith.subf %select_n3A, %sub3A_61 : vector<1000x128xf32>
    %sub3A_63 = vector.broadcast %log3A : vector<1000x1xf32> to vector<1000x128xf32>
    %sub3A_64 = arith.subf %sub3A_62, %sub3A_63 : vector<1000x128xf32>
    %dot_general3A_65 = arith.constant dense<0.000000e+00> : vector<1000x128xf32>
    %dot_general3A_66 = tpu.matmul %mul3A_20, %get3A_23, %dot_general3A_65 {dimension_numbers = #tpu.dot_dimension_numbers<[1], [0], [0], [1], [0, 0, 1, 1], [], []>, transpose_lhs_hint = false} : vector<1000x128xf32>, vector<128x128xf32>, vector<1000x128xf32> -> vector<1000x128xf32>
    %add3A_67 = vector.broadcast %get3A_26 : vector<1x128xf32> to vector<1000x128xf32>
    %add3A_68 = arith.addf %dot_general3A_66, %add3A_67 : vector<1000x128xf32>
    %max3A_69 = arith.constant 0.000000e+00 : f32
    %max3A_70 = vector.broadcast %max3A_69 : f32 to vector<1000x128xf32>
    %max3A_71 = arith.maximumf %add3A_68, %max3A_70 : vector<1000x128xf32>
    %dot_general3A_72 = arith.constant dense<0.000000e+00> : vector<1000x128xf32>
    %dot_general3A_73 = tpu.matmul %max3A_71, %get3A_29, %dot_general3A_72 {dimension_numbers = #tpu.dot_dimension_numbers<[1], [0], [0], [1], [0, 0, 1, 1], [], []>, transpose_lhs_hint = false} : vector<1000x128xf32>, vector<128x128xf32>, vector<1000x128xf32> -> vector<1000x128xf32>
    %add3A_74 = vector.broadcast %get3A_32 : vector<1x128xf32> to vector<1000x128xf32>
    %add3A_75 = arith.addf %dot_general3A_73, %add3A_74 : vector<1000x128xf32>
    %max3A_76 = arith.constant 0.000000e+00 : f32
    %max3A_77 = vector.broadcast %max3A_76 : f32 to vector<1000x128xf32>
    %max3A_78 = arith.maximumf %add3A_75, %max3A_77 : vector<1000x128xf32>
    %dot_general3A_79 = arith.constant dense<0.000000e+00> : vector<1000x128xf32>
    %dot_general3A_80 = tpu.matmul %max3A_78, %get3A_35, %dot_general3A_79 {dimension_numbers = #tpu.dot_dimension_numbers<[1], [0], [0], [1], [0, 0, 1, 1], [], []>, transpose_lhs_hint = false} : vector<1000x128xf32>, vector<128x128xf32>, vector<1000x128xf32> -> vector<1000x128xf32>
    %add3A_81 = vector.broadcast %get3A_38 : vector<1x128xf32> to vector<1000x128xf32>
    %add3A_82 = arith.addf %dot_general3A_80, %add3A_81 : vector<1000x128xf32>
    %iota3A_83 = tpu.iota {dimensions = array<i32: 1>} : vector<1000x128xi32>
    %lt3A_84 = arith.constant 40 : i32
    %lt3A_85 = vector.broadcast %lt3A_84 : i32 to vector<1000x128xi32>
    %lt3A_86 = arith.cmpi slt, %iota3A_83, %lt3A_85 : vector<1000x128xi32>
    %jit3A_87 = arith.constant -1.000000e+30 : f32
    %broadcast_in_dim3A_88 = vector.broadcast %jit3A_87 : f32 to vector<1000x128xf32>
    %select_n3A_89 = arith.select %lt3A_86, %add3A_82, %broadcast_in_dim3A_88 : vector<1000x128xi1>, vector<1000x128xf32>
    %reduce_max3A_90 = arith.constant dense<0xFF800000> : vector<1000xf32>
    %reduce_max3A_91 = vector.multi_reduction <maximumf>, %select_n3A_89, %reduce_max3A_90 [1] : vector<1000x128xf32> to vector<1000xf32>
    %broadcast_in_dim3A_92 = vector.shape_cast %reduce_max3A_91 : vector<1000xf32> to vector<1000x1xf32>
    %sub3A_93 = vector.broadcast %broadcast_in_dim3A_92 : vector<1000x1xf32> to vector<1000x128xf32>
    %sub3A_94 = arith.subf %select_n3A_89, %sub3A_93 : vector<1000x128xf32>
    %exp3A_95 = math.exp %sub3A_94 : vector<1000x128xf32>
    %reduce_sum3A_96 = arith.constant dense<0.000000e+00> : vector<1000xf32>
    %reduce_sum3A_97 = vector.multi_reduction <add>, %exp3A_95, %reduce_sum3A_96 [1] : vector<1000x128xf32> to vector<1000xf32>
    %broadcast_in_dim3A_98 = vector.shape_cast %reduce_sum3A_97 : vector<1000xf32> to vector<1000x1xf32>
    %log3A_99 = math.log %broadcast_in_dim3A_98 : vector<1000x1xf32>
    %sub3A_100 = vector.broadcast %broadcast_in_dim3A_92 : vector<1000x1xf32> to vector<1000x128xf32>
    %sub3A_101 = arith.subf %select_n3A_89, %sub3A_100 : vector<1000x128xf32>
    %sub3A_102 = vector.broadcast %log3A_99 : vector<1000x1xf32> to vector<1000x128xf32>
    %sub3A_103 = arith.subf %sub3A_101, %sub3A_102 : vector<1000x128xf32>
    %stack3A = vector.shape_cast %sub3A_64 : vector<1000x128xf32> to vector<1000x1x128xf32>
    %stack3A_104 = vector.shape_cast %sub3A_103 : vector<1000x128xf32> to vector<1000x1x128xf32>
    %stack3A_105 = tpu.concatenate %stack3A, %stack3A_104 in 1 : vector<1000x1x128xf32>, vector<1000x1x128xf32> -> vector<1000x2x128xf32>
    %reshape3A = vector.shape_cast %stack3A_105 : vector<1000x2x128xf32> to vector<2000x128xf32>
    %swap3A = arith.constant 0 : index
    %swap3A_106 = arith.constant 0 : index
    %swap3A_107 = vector.load %arg9[%swap3A, %swap3A_106] : memref<2000x128xf32, #tpu.memory_space<vmem>>, vector<2000x128xf32>
    tpu.vector_store %arg9[%swap3A, %swap3A_106], %reshape3A {strides = array<i32>} : memref<2000x128xf32, #tpu.memory_space<vmem>>, vector<2000x128xf32>,
    return
  }
  func.func @transform_0(%arg0: i32) -> (i32, i32, i32) {
    %c0_i32 = arith.constant 0 : i32
    %c0_i32_0 = arith.constant 0 : i32
    %c0_i32_1 = arith.constant 0 : i32
    return %c0_i32, %arg0, %c0_i32_0 : i32, i32, i32
  }
  func.func @transform_1(%arg0: i32) -> (i32, i32) {
    %c0_i32 = arith.constant 0 : i32
    %c0_i32_0 = arith.constant 0 : i32
    return %arg0, %c0_i32 : i32, i32
  }
  func.func @transform_2(%arg0: i32) -> (i32, i32) {
    %c0_i32 = arith.constant 0 : i32
    %c0_i32_0 = arith.constant 0 : i32
    %c0_i32_1 = arith.constant 0 : i32
    return %c0_i32, %c0_i32_0 : i32, i32
  }
  func.func @transform_3(%arg0: i32) -> (i32, i32) {
    %c0_i32 = arith.constant 0 : i32
    %c0_i32_0 = arith.constant 0 : i32
    %c0_i32_1 = arith.constant 0 : i32
    return %c0_i32, %c0_i32_0 : i32, i32
  }
  func.func @transform_4(%arg0: i32) -> (i32, i32) {
    %c0_i32 = arith.constant 0 : i32
    %c0_i32_0 = arith.constant 0 : i32
    %c0_i32_1 = arith.constant 0 : i32
    return %c0_i32, %c0_i32_0 : i32, i32
  }
  func.func @transform_5(%arg0: i32) -> (i32, i32) {
    %c0_i32 = arith.constant 0 : i32
    %c0_i32_0 = arith.constant 0 : i32
    %c0_i32_1 = arith.constant 0 : i32
    return %c0_i32, %c0_i32_0 : i32, i32
  }
  func.func @transform_6(%arg0: i32) -> (i32, i32) {
    %c0_i32 = arith.constant 0 : i32
    %c0_i32_0 = arith.constant 0 : i32
    %c0_i32_1 = arith.constant 0 : i32
    return %c0_i32, %c0_i32_0 : i32, i32
  }
  func.func @transform_7(%arg0: i32) -> (i32, i32) {
    %c0_i32 = arith.constant 0 : i32
    %c0_i32_0 = arith.constant 0 : i32
    %c0_i32_1 = arith.constant 0 : i32
    return %c0_i32, %c0_i32_0 : i32, i32
  }
  func.func @transform_8(%arg0: i32) -> (i32, i32) {
    %c0_i32 = arith.constant 0 : i32
    %c0_i32_0 = arith.constant 0 : i32
    return %arg0, %c0_i32 : i32, i32
  }
}

</mosaic_0001>

<sc_bundles>
// kernel: kernel.10.cloned.1.call-start
scs
__scs_entry_jumppad:
0x0: {  	(pc) =	sbr.rel $0x88, $3  }
0x1: {  	(tag) =	ssettag $0x0;
	lr =	simm.s32 $0x1  }
0x2: {  	[smem:$0x3F95] =	sst lr;
	_ =	strace $0xD0000000  }
0x3: {  	_ = 	snop  }
0x4: {  	_ = 	snop  }
0x5: {  	_ = 	snop  }
0x6: {  	_ = 	snop  }
0x7: {  	_ = 	snop  }
__scs_overlays_trampoline_lowered:
0x8: {  	[smem:$0x3FA4] =	sst s0  }
0x9: {  	[smem:$0x3FA5] =	sst s1  }
0xa: {  	[smem:$0x3FA6] =	sst s2  }
0xb: {  	[smem:$0x3FA7] =	sst s3  }
0xc: {  	[smem:$0x3FA8] =	sst s4  }
0xd: {  	[smem:$0x3FA9] =	sst s5  }
0xe: {  	[smem:$0x3FAA] =	sst s6  }
0xf: {  	[smem:$0x3FAB] =	sst s7  }
0x10: {  	[smem:$0x3FAC] =	sst s8  }
0x11: {  	[smem:$0x3FAD] =	sst s9;
	s0 =	simm.s32 @!p0 $0x0  }
0x12: {  	s1 =	sld [smem:$0x3F93];
	s0 =	simm.s32 @p0 $0x1  }
0x13: {  	[smem:$0x3FAE] =	sst s0;
	s0 =	simm.s32 @!p1 $0x0  }
0x14: {  	s2 =	sld [smem:$0x3F92];
	s0 =	simm.s32 @p1 $0x1  }
0x15: {  	[smem:$0x3FAF] =	sst s0;
	s0 =	simm.s32 @!p2 $0x0  }
0x16: {  	s3 =	sld [smem:$0x3FDB];
	s0 =	simm.s32 @p2 $0x1  }
0x17: {  	s4 =	simm.s32 $0x1BF5;
	[smem:$0x3FB1] =	sst s0  }
0x18: {  	s0 =	sld [smem:$0x3F94];
	_ =	swait.ge [sflag:s4], $0x0  }
0x19: {  	s7 =	sld [smem:$0x3F95]  }
0x1a: {  	s8 =	sadd.s32 $0xFFFFE003, lr  }
0x1b: {  	s9 =	sadd.s32 $0xFFFFFEF7, lr;
	s5 =	simm.s32 $0xFFFFFFFF;
	p2 =	slt.u32 s8, $0xFFFFF086  }
0x1c: {  	p1 =	slt.u32 s9, $0xF7A;
	s5 =	simm.s32 @!p2 $0x0  }
0x1d: {  	s5 =	simm.s32 @p1 $0x1;
	p0 =	seq.s32 s7, s2  }
0x1e: {  	s7 =	smul.u32 @!p0 $0xF7A, s2;
	p2 =	seq.s32 @!p0 s5, $0x0  }
0x1f: {  	s9 =	smul.u32 $0xF7A, s1;
	s8 =	simm.s32 @!p0 $0x1BF5;
	p2 =	por !p2, p0  }
0x20: {  	[sflag:s8] =	ssyncset.s32 @!p0 $0xFFFFF086;
	s6 =	sadd.s32 @!p0 s3, s7;
	s7 =	simm.s32 @!p0 $0x108  }
0x21: {  	s3 =	sadd.s32 s3, s9;
	s6 =	sadd.s32 @!p0 $0x88, s6;
	s7 =	simm.s32 @p2 $0x1082  }
0x22: {  	[simem:s7], [sflag:s8] =	dma.local @!p0 [hbm:s6], $0xF7A  }
0x23: {  	s9 =	sor.u32 $0xD0000000, s2;
	s6 =	simm.s32 $0x108;
	_ =	swait.ge @!p0 [sflag:s8], $0x0  }
0x24: {  	s3 =	sadd.s32 $0x88, s3;
	s6 =	simm.s32 @!p1 $0x1082;
	[sflag:s4] =	ssyncset.s32 $0xFFFFF086  }
0x25: {  	[simem:s6], [sflag:s4] =	dma.local [hbm:s3], $0xF7A  }
0x26: {  	[smem:$0x3F95] =	sst s1;
	(tag) =	ssettag s2;
	_ =	strace s9  }
0x27: {  	s1 =	sld [smem:$0x3FA5]  }
0x28: {  	s2 =	sld [smem:$0x3FA6]  }
0x29: {  	s4 =	sld [smem:$0x3FA8]  }
0x2a: {  	p0 =	seq.s32 s5, $0x0;
	s5 =	sld [smem:$0x3FA9]  }
0x2b: {  	s6 =	sld [smem:$0x3FAA]  }
0x2c: {  	s7 =	sld [smem:$0x3FAB]  }
0x2d: {  	s3 =	simm.s32 $0x108;
	s8 =	sld [smem:$0x3FAC]  }
0x2e: {  	s3 =	simm.s32 @!p0 $0x1082;
	s9 =	sld [smem:$0x3FAD]  }
0x2f: {  	lr =	sadd.s32 s0, s3;
	s0 =	sld [smem:$0x3FA4]  }
0x30: {  	s3 =	sld [smem:$0x3FA7]  }
0x31: {  	[smem:$0x3FB0] =	sst s10  }
0x32: {  	s10 =	sld [smem:$0x3FAE];
	_ =	sdelay $0x3  }
0x33: {  	p0 =	seq.s32 s10, $0x1;
	s10 =	sld [smem:$0x3FB0];
	_ =	sdelay $0x3  }
0x34: {  	[smem:$0x3FB0] =	sst s10  }
0x35: {  	s10 =	sld [smem:$0x3FAF];
	_ =	sdelay $0x3  }
0x36: {  	p1 =	seq.s32 s10, $0x1;
	s10 =	sld [smem:$0x3FB0];
	_ =	sdelay $0x3  }
0x37: {  	[smem:$0x3FB0] =	sst s10  }
0x38: {  	s10 =	sld [smem:$0x3FB1]  }
0x39: {  	_ = 	snop;
	(pc) =	sbr.ind lr, $3  }
0x3a: {  	_ = 	snop  }
0x3b: {  	_ = 	snop  }
0x3c: {  	p2 =	seq.s32 s10, $0x1;
	s10 =	sld [smem:$0x3FB0]  }
0x3d: {  	_ =	shalt  }
0x3e: {  	_ =	shalt  }
0x3f: {  	_ =	shalt  }
0x40: {  	_ =	shalt  }
0x41: {  	_ =	shalt  }
0x42: {  	_ =	shalt  }
0x43: {  	_ =	shalt  }
0x44: {  	_ =	shalt  }
0x45: {  	_ =	shalt  }
0x46: {  	_ =	shalt  }
0x47: {  	_ =	shalt  }
0x48: {  	_ =	shalt  }
0x49: {  	_ =	shalt  }
0x4a: {  	_ =	shalt  }
0x4b: {  	_ =	shalt  }
0x4c: {  	_ =	shalt  }
0x4d: {  	_ =	shalt  }
0x4e: {  	_ =	shalt  }
0x4f: {  	_ =	shalt  }
0x50: {  	_ =	shalt  }
0x51: {  	_ =	shalt  }
0x52: {  	_ =	shalt  }
0x53: {  	_ =	shalt  }
0x54: {  	_ =	shalt  }
0x55: {  	_ =	shalt  }
0x56: {  	_ =	shalt  }
0x57: {  	_ =	shalt  }
0x58: {  	_ =	shalt  }
0x59: {  	_ =	shalt  }
0x5a: {  	_ =	shalt  }
0x5b: {  	_ =	shalt  }
0x5c: {  	_ =	shalt  }
0x5d: {  	_ =	shalt  }
0x5e: {  	_ =	shalt  }
0x5f: {  	_ =	shalt  }
0x60: {  	_ =	shalt  }
0x61: {  	_ =	shalt  }
0x62: {  	_ =	shalt  }
0x63: {  	_ =	shalt  }
0x64: {  	_ =	shalt  }
0x65: {  	_ =	shalt  }
0x66: {  	_ =	shalt  }
0x67: {  	_ =	shalt  }
0x68: {  	_ =	shalt  }
0x69: {  	_ =	shalt  }
0x6a: {  	_ =	shalt  }
0x6b: {  	_ =	shalt  }
0x6c: {  	_ =	shalt  }
0x6d: {  	_ =	shalt  }
0x6e: {  	_ =	shalt  }
0x6f: {  	_ =	shalt  }
0x70: {  	_ =	shalt  }
0x71: {  	_ =	shalt  }
0x72: {  	_ =	shalt  }
0x73: {  	_ =	shalt  }
0x74: {  	_ =	shalt  }
0x75: {  	_ =	shalt  }
0x76: {  	_ =	shalt  }
0x77: {  	_ =	shalt  }
0x78: {  	_ =	shalt  }
0x79: {  	_ =	shalt  }
0x7a: {  	_ =	shalt  }
0x7b: {  	_ =	shalt  }
0x7c: {  	_ =	shalt  }
0x7d: {  	_ =	shalt  }
0x7e: {  	_ =	shalt  }
0x7f: {  	_ =	shalt  }
0x80: {  	_ =	shalt  }
0x81: {  	_ =	shalt  }
0x82: {  	_ =	shalt  }
0x83: {  	_ =	shalt  }
0x84: {  	_ =	shalt  }
0x85: {  	_ =	shalt  }
0x86: {  	_ =	shalt  }
0x87: {  	_ =	shalt  }
.Lfunc_end0:
.L_simem_size_0:
called_computation_lowered:
.L_overlay_start_0:
0x88: {  	s2 =	sld [smem:$0x3FD9]  }
0x89: {  	s3 =	sld [smem:$0x3FFE];
	_ =	sdelay $0x1  }
0x8a: {  	s1 =	srdreg.scid  }
0x8b: {  	s0 =	sand.u32 $0x1, s1  }
0x8c: {  	s17 =	sshll.u32 s0, $0xA;
	s2 =	sadd.s32 s3, s2  }
0x8d: {  	s2 =	sadd.s32 s2, s17  }
0x8e: {  	[smem:$0x3FBC] =	sst s2  }
0x8f: {  	_ = 	snop  }
0x90: {  	s2 =	sld [smem:$0x3FD0];
	(tm) =	ssettm $0x1  }
0x91: {  	s18 =	sld [smem:$0x3FFB];
	_ =	sdelay $0x3  }
0x92: {  	_ =	strace s18  }
0x93: {  	s3 =	sld [smem:$0x3FFC];
	_ =	sdelay $0x3  }
0x94: {  	_ =	strace s3  }
0x95: {  	s3 =	sld [smem:$0x3FFD];
	_ =	sdelay $0x3  }
0x96: {  	_ =	strace s3  }
0x97: {  	_ =	strace $0x8FFFFFFF  }
0x98: {  	s19 =	sld [smem:$0x3FDB];
	_ =	sdelay $0x1  }
0x99: {  	s4 =	simm.s32 $_scs_section_size  }
0x9a: {  	s5 =	simm.s32 $_size__tile_overlayer_lowered;
	s6 =	simm.s32 $_tile_overlayer_lowered  }
0x9b: {  	s22 =	simm.s32 $0x1BFF;
	s21 =	sshll.u32 s6, $0x1;
	s3 =	sadd.s32 s4, s19  }
0x9c: {  	s7 =	simm.s32 $0x0;
	s20 =	sshll.u32 s5, $0x1;
	s5 =	sadd.s32 s21, s3  }
0x9d: {  	[timem:s7], [sflag:s22] =	dma.local [hbm:s5], s20  }
0x9e: {  	_ =	swait.ge [sflag:s22], s20  }
0x9f: {  	s4 =	ssub.s32 $0x0, s20;
	[sflag:s22] =	ssyncset.done $0x0  }
0xa0: {  	[sflag:s22] =	ssyncadd.s32 s4;
	_ =	sdelay $0x1  }
0xa1: {  	s23 =	simm.s32 $0x1B8B  }
0xa2: {  	_ =	swait.ge [sflag:s23], $0x1  }
0xa3: {  	[sflag:s23] =	ssyncset.done $0x0  }
0xa4: {  	s25 =	simm.s32 $0x1B8E;
	s24 =	sld [smem:$0x3FFE];
	[sflag:s23] =	ssyncadd.s32 $0xFFFFFFFF  }
0xa5: {  	s26 =	simm.s32 $execute0_lowered;
	[smem:$0x3FD2] =	sst s25  }
0xa6: {  	s5 =	sshll.u32 s26, $0x1;
	_ =	strace $0x80000046;
	[dreg:$0x1] =	wrdreg $0xFFFFFFFF  }
0xa7: {  	s28 =	simm.s32 $_size_execute0_lowered;
	s3 =	sadd.s32 s3, s5;
	[dreg:$0x0] =	wrdreg $0x0  }
0xa8: {  	s5 =	sshll.u32 s28, $0x1;
	[dreg:$0x2] =	wrdreg s3  }
0xa9: {  	[dreg:$0x3] =	wrdreg s5  }
0xaa: {  	[dreg:$0x4] =	wrdreg $0xC0  }
0xab: {  	_ =	task [dreg:s7], $0x5FFFF  }
0xac: {  	[dreg:$0x1] =	wrdreg $0xFFFFFFFF  }
0xad: {  	[dreg:$0x0] =	wrdreg $0x60  }
0xae: {  	[dreg:$0x2] =	wrdreg s24  }
0xaf: {  	[dreg:$0x3] =	wrdreg s2  }
0xb0: {  	[dreg:$0x4] =	wrdreg $0x100400  }
0xb1: {  	[dreg:$0x5] =	wrdreg $0x9  }
0xb2: {  	_ =	task.clear_ibuf [dreg:s7], $0x6FFFF;
	_ =	strace $0x90000046  }
0xb3: {  	s29 =	simm.s32 $0x9;
	_ =	strace $0x80000048  }
0xb4: {  	_ =	swait.ge [sflag:s29], $0x1  }
0xb5: {  	[sflag:s29] =	ssyncadd.s32 $0xFFFFFFFF  }
0xb6: {  	_ =	strace $0x90000048  }
0xb7: {  	_ =	sfence  }
0xb8: {  	s30 =	sld [smem:$0x0];
	_ =	sdelay $0x2  }
0xb9: {  	s31 =	sshll.u32 s1, $0xD;
	s1 =	sshrl.u32 s1, $0x2  }
0xba: {  	s3 =	sand.u32 $0x4000, s31;
	s1 =	sadd.s32 s1, s30  }
0xbb: {  	s0 =	sor.u32 s3, s0;
	s1 =	sshll.u32 s1, $0x11  }
0xbc: {  	s0 =	sor.u32 s1, s0  }
0xbd: {  	s0 =	sadd.s32 $0x8F2B, s0  }
0xbe: {  	[sflag:s0] =	ssyncadd.remote.s32 $0x1  }
0xbf: {  	_ =	sfence.sel $0xFFFF  }
0xc0: {  	[dreg:$0x0] =	wrdreg $0xFFFFFFFF;
	(pc) =	sbr.abs _section_cstart, $3  }
0xc1: {  	[dreg:$0x1] =	wrdreg $0xFFFFFFFF  }
0xc2: {  	_ =	task.clear_ibuf [dreg:s7], $0x2FFFF;
	_ =	strace $0x9FFFFFFF  }
0xc3: {  	(tm) =	ssettm $0x7FFFFFFF  }
tec
execute0_lowered:
.L_overlay_start_1:
0x0: {  	(tag) =	ssettag $0x1  }
0x1: {  	s0 =	rddreg [dreg:$0x0]  }
0x2: {  	s5 =	rddreg [dreg:$0x1]  }
0x3: {  	s1 =	rddreg [dreg:$0x2];
	s8 =	stileid.u32  }
0x4: {  	s3 =	srdreg.scid;
	s2 =	simm.s32 $0x0;
	s10 =	simm.s32 $0x6  }
0x5: {  	s12 =	simm.s32 $0x50;
	s13 =	simm.s32 $0x9C40;
	s14 =	simm.s32 $0xB040  }
0x6: {  	s16 =	simm.s32 $0xC440;
	s18 =	simm.s32 $0xD840;
	s19 =	simm.s32 $0x1  }
0x7: {  	s20 =	simm.s32 $0xEC40;
	s21 =	simm.s32 $0x2;
	s22 =	simm.s32 $0x3  }
0x8: {  	s23 =	simm.s32 $0x4;
	s24 =	simm.s32 $0x5;
	s25 =	simm.s32 $0x4DD0  }
0x9: {  	s28 =	simm.s32 $0x9B00;
	s29 =	simm.s32 $0x9B50;
	s30 =	simm.s32 $0x9BA0  }
0xa: {  	s31 =	simm.s32 $0x9BF0;
	s6 =	smul.u32 $0x9C4, s8;
	s3 =	sand.u32 $0x1, s3  }
0xb: {  	[smem:$0x7FF] =	sst s2;
	p0 =	sne.s32 s8, $0x0;
	s4 =	smul.u32 $0x13880, s3  }
0xc: {  	_ =	strace $0x80000047;
	s9 =	ssub.s32 $0x2, s3;
	s3 =	sadd.s32 $0x33200, s0  }
0xd: {  	s7 =	sadd.s32 s6, s0;
	s26 =	sshrl.u32 s9, $0x1;
	s5 =	sadd.s32 s5, s6  }
0xe: {  	s0 =	sadd.s32 s4, s0;
	s9 =	ssub.s32 s9, s26;
	s4 =	sadd.s32 $0x29400, s7  }
0xf: {  	s26 =	simm.s32 $0x9AB0;
	s6 =	sadd.s32 $0x2200, s0;
	s7 =	sadd.s32 $0x46C00, s0  }
0x10: {  	s8 =	smax.u32 s9, $0x1;
	s9 =	sshrl.u32 @!p0 s1, $0x3;
	s0 =	simm.s32 $0x0  }
.LBB2_1:
0x11: {  	s11 =	simm.s32 @!p0 $0x1C06  }
0x12: {  	[spmem:s9], [sflag:s11] =	dma.local @!p0 [hbm:s3], $0x13880  }
0x13: {  	s11 =	simm.s32 @!p0 $0x6  }
0x14: {  	_ =	swait.ge @!p0 [sflag:s11], $0x13880  }
0x15: {  	[sflag:s11] =	ssyncset.done @!p0 $0x0  }
0x16: {  	[sflag:s11] =	ssyncadd.s32 @!p0 $0xFFFEC780  }
0x17: {  	[tilespmem:s2], [sflag:$0x6] =	stream.linear.gather [hbm4b:s4+s2], $0x4E20, $0x38;
	[tilespmem:$0x19C80] =	vst v63  }
0x18: {  	_ =	swait.ge [sflag:s10], $0x4E20  }
0x19: {  	[sflag:s10] =	ssyncset.done $0x0  }
0x1a: {  	s17 =	simm.s32 $0x4E20;
	[sflag:s10] =	ssyncadd.s32 $0xFFFFB1E0  }
0x1b: {  	[tilespmem:s17], [sflag:$0x6] =	stream.linear.gather [hbm4b:s5+s2], $0x4E20, $0x38;
	[tilespmem:$0x19C80] =	vst v63  }
0x1c: {  	_ =	swait.ge [sflag:s10], $0x4E20  }
0x1d: {  	[sflag:s10] =	ssyncset.done $0x0  }
0x1e: {  	[sflag:s10] =	ssyncadd.s32 $0xFFFFB1E0  }
0x1f: {  	[bflag:$0x0] =	sbarrier.arrive $0xFFFF  }
0x20: {  	[tilespmem:s13], [sflag:$0x1] =	stream.indirect.gather [hbm4b:s6+s12], $0x40, s2, s12, $0xb8;
	[tilespmem:$0x19C80] =	vst v63  }
0x21: {  	_ = 	snop  }
0x22: {  	[tilespmem:s14], [sflag:$0x2] =	stream.indirect.gather [hbm4b:s6+s12], $0x40, s12, s12, $0xb8;
	[tilespmem:$0x19C80] =	vst v63  }
0x23: {  	s15 =	simm.s32 $0xA0  }
0x24: {  	[tilespmem:s16], [sflag:$0x3] =	stream.indirect.gather [hbm4b:s6+s12], $0x40, s15, s12, $0xb8;
	[tilespmem:$0x19C80] =	vst v63  }
0x25: {  	s17 =	simm.s32 $0xF0  }
0x26: {  	[tilespmem:s18], [sflag:$0x4] =	stream.indirect.gather [hbm4b:s6+s12], $0x40, s17, s12, $0xb8;
	[tilespmem:$0x19C80] =	vst v63  }
0x27: {  	_ =	swait.ge [sflag:s19], $0x1400  }
0x28: {  	[sflag:s19] =	ssyncset.done $0x0  }
0x29: {  	s15 =	simm.s32 $0x140;
	[sflag:s19] =	ssyncadd.s32 $0xFFFFEC00  }
0x2a: {  	[tilespmem:s20], [sflag:$0x5] =	stream.indirect.gather [hbm4b:s6+s12], $0x40, s15, s12, $0xb8;
	[tilespmem:$0x19C80] =	vst v63  }
0x2b: {  	s17 =	simm.s32 $0x4E20  }
0x2c: {  	[spmem:s1] =	stream.indirect.scatter.add.f32 [tilespmem:s13], [sflag:$0x6], $0x40, s17, s12, $0xb8;
	[tilespmem:$0x19C80] =	vst v63  }
0x2d: {  	_ =	swait.ge [sflag:s10], $0x1400  }
0x2e: {  	[sflag:s10] =	ssyncset.done $0x0  }
0x2f: {  	[sflag:s10] =	ssyncadd.s32 $0xFFFFEC00  }
0x30: {  	_ =	swait.ge [sflag:s21], $0x1400  }
0x31: {  	[sflag:s21] =	ssyncset.done $0x0  }
0x32: {  	s15 =	simm.s32 $0x190;
	[sflag:s21] =	ssyncadd.s32 $0xFFFFEC00  }
0x33: {  	[tilespmem:s13], [sflag:$0x1] =	stream.indirect.gather [hbm4b:s6+s12], $0x40, s15, s12, $0xb8;
	[tilespmem:$0x19C80] =	vst v63  }
0x34: {  	s17 =	simm.s32 $0x4E70  }
0x35: {  	[spmem:s1] =	stream.indirect.scatter.add.f32 [tilespmem:s14], [sflag:$0x6], $0x40, s17, s12, $0xb8;
	[tilespmem:$0x19C80] =	vst v63  }
0x36: {  	_ =	swait.ge [sflag:s10], $0x1400  }
0x37: {  	[sflag:s10] =	ssyncset.done $0x0  }
0x38: {  	[sflag:s10] =	ssyncadd.s32 $0xFFFFEC00  }
0x39: {  	_ =	swait.ge [sflag:s22], $0x1400  }
0x3a: {  	[sflag:s22] =	ssyncset.done $0x0  }
0x3b: {  	s15 =	simm.s32 $0x1E0;
	[sflag:s22] =	ssyncadd.s32 $0xFFFFEC00  }
0x3c: {  	[tilespmem:s14], [sflag:$0x2] =	stream.indirect.gather [hbm4b:s6+s12], $0x40, s15, s12, $0xb8;
	[tilespmem:$0x19C80] =	vst v63  }
0x3d: {  	s17 =	simm.s32 $0x4EC0  }
0x3e: {  	[spmem:s1] =	stream.indirect.scatter.add.f32 [tilespmem:s16], [sflag:$0x6], $0x40, s17, s12, $0xb8;
	[tilespmem:$0x19C80] =	vst v63  }
0x3f: {  	_ =	swait.ge [sflag:s10], $0x1400  }
0x40: {  	[sflag:s10] =	ssyncset.done $0x0  }
0x41: {  	[sflag:s10] =	ssyncadd.s32 $0xFFFFEC00  }
0x42: {  	_ =	swait.ge [sflag:s23], $0x1400  }
0x43: {  	[sflag:s23] =	ssyncset.done $0x0  }
0x44: {  	s15 =	simm.s32 $0x230;
	[sflag:s23] =	ssyncadd.s32 $0xFFFFEC00  }
0x45: {  	[tilespmem:s16], [sflag:$0x3] =	stream.indirect.gather [hbm4b:s6+s12], $0x40, s15, s12, $0xb8;
	[tilespmem:$0x19C80] =	vst v63  }
0x46: {  	s17 =	simm.s32 $0x4F10  }
0x47: {  	[spmem:s1] =	stream.indirect.scatter.add.f32 [tilespmem:s18], [sflag:$0x6], $0x40, s17, s12, $0xb8;
	[tilespmem:$0x19C80] =	vst v63  }
0x48: {  	_ =	swait.ge [sflag:s10], $0x1400  }
0x49: {  	[sflag:s10] =	ssyncset.done $0x0  }
0x4a: {  	[sflag:s10] =	ssyncadd.s32 $0xFFFFEC00  }
0x4b: {  	_ =	swait.ge [sflag:s24], $0x1400  }
0x4c: {  	[sflag:s24] =	ssyncset.done $0x0  }
0x4d: {  	s15 =	simm.s32 $0x280;
	[sflag:s24] =	ssyncadd.s32 $0xFFFFEC00  }
0x4e: {  	[tilespmem:s18], [sflag:$0x4] =	stream.indirect.gather [hbm4b:s6+s12], $0x40, s15, s12, $0xb8;
	[tilespmem:$0x19C80] =	vst v63  }
0x4f: {  	s17 =	simm.s32 $0x4F60  }
0x50: {  	[spmem:s1] =	stream.indirect.scatter.add.f32 [tilespmem:s20], [sflag:$0x6], $0x40, s17, s12, $0xb8;
	[tilespmem:$0x19C80] =	vst v63  }
0x51: {  	_ =	swait.ge [sflag:s10], $0x1400  }
0x52: {  	s11 =	simm.s32 $0x640;
	[sflag:s10] =	ssyncset.done $0x0  }
.LBB2_2:
0x53: {  	p1 =	sne.s32 s11, $0x12C00  }
0x54: {  	[sflag:s10] =	ssyncadd.s32 $0xFFFFEC00;
	s15 =	smov.u32 s11;
	s11 =	sadd.s32 $0x640, s11  }
0x55: {  	_ = 	snop  }
0x56: {  	_ =	swait.ge [sflag:s19], $0x1400  }
0x57: {  	s15 =	sshra.s32 s15, $0x2;
	[sflag:s19] =	ssyncset.done $0x0  }
0x58: {  	s17 =	sadd.s32 $0x140, s15;
	[sflag:s19] =	ssyncadd.s32 $0xFFFFEC00  }
0x59: {  	[tilespmem:s20], [sflag:$0x5] =	stream.indirect.gather [hbm4b:s6+s12], $0x40, s17, s12, $0xb8;
	[tilespmem:$0x19C80] =	vst v63  }
0x5a: {  	s17 =	sadd.s32 $0x4E20, s15  }
0x5b: {  	[spmem:s1] =	stream.indirect.scatter.add.f32 [tilespmem:s13], [sflag:$0x6], $0x40, s17, s12, $0xb8;
	[tilespmem:$0x19C80] =	vst v63  }
0x5c: {  	_ =	swait.ge [sflag:s10], $0x1400  }
0x5d: {  	[sflag:s10] =	ssyncset.done $0x0  }
0x5e: {  	[sflag:s10] =	ssyncadd.s32 $0xFFFFEC00  }
0x5f: {  	_ =	swait.ge [sflag:s21], $0x1400  }
0x60: {  	[sflag:s21] =	ssyncset.done $0x0  }
0x61: {  	s17 =	sadd.s32 $0x190, s15;
	[sflag:s21] =	ssyncadd.s32 $0xFFFFEC00  }
0x62: {  	[tilespmem:s13], [sflag:$0x1] =	stream.indirect.gather [hbm4b:s6+s12], $0x40, s17, s12, $0xb8;
	[tilespmem:$0x19C80] =	vst v63  }
0x63: {  	s17 =	sadd.s32 $0x4E70, s15  }
0x64: {  	[spmem:s1] =	stream.indirect.scatter.add.f32 [tilespmem:s14], [sflag:$0x6], $0x40, s17, s12, $0xb8;
	[tilespmem:$0x19C80] =	vst v63  }
0x65: {  	_ =	swait.ge [sflag:s10], $0x1400  }
0x66: {  	[sflag:s10] =	ssyncset.done $0x0  }
0x67: {  	[sflag:s10] =	ssyncadd.s32 $0xFFFFEC00  }
0x68: {  	_ =	swait.ge [sflag:s22], $0x1400  }
0x69: {  	[sflag:s22] =	ssyncset.done $0x0  }
0x6a: {  	s17 =	sadd.s32 $0x1E0, s15;
	[sflag:s22] =	ssyncadd.s32 $0xFFFFEC00  }
0x6b: {  	[tilespmem:s14], [sflag:$0x2] =	stream.indirect.gather [hbm4b:s6+s12], $0x40, s17, s12, $0xb8;
	[tilespmem:$0x19C80] =	vst v63  }
0x6c: {  	s17 =	sadd.s32 $0x4EC0, s15  }
0x6d: {  	[spmem:s1] =	stream.indirect.scatter.add.f32 [tilespmem:s16], [sflag:$0x6], $0x40, s17, s12, $0xb8;
	[tilespmem:$0x19C80] =	vst v63  }
0x6e: {  	_ =	swait.ge [sflag:s10], $0x1400  }
0x6f: {  	[sflag:s10] =	ssyncset.done $0x0  }
0x70: {  	[sflag:s10] =	ssyncadd.s32 $0xFFFFEC00  }
0x71: {  	_ =	swait.ge [sflag:s23], $0x1400  }
0x72: {  	[sflag:s23] =	ssyncset.done $0x0  }
0x73: {  	s17 =	sadd.s32 $0x230, s15;
	[sflag:s23] =	ssyncadd.s32 $0xFFFFEC00  }
0x74: {  	[tilespmem:s16], [sflag:$0x3] =	stream.indirect.gather [hbm4b:s6+s12], $0x40, s17, s12, $0xb8;
	[tilespmem:$0x19C80] =	vst v63  }
0x75: {  	s17 =	sadd.s32 $0x4F10, s15  }
0x76: {  	[spmem:s1] =	stream.indirect.scatter.add.f32 [tilespmem:s18], [sflag:$0x6], $0x40, s17, s12, $0xb8;
	[tilespmem:$0x19C80] =	vst v63  }
0x77: {  	_ =	swait.ge [sflag:s10], $0x1400  }
0x78: {  	[sflag:s10] =	ssyncset.done $0x0  }
0x79: {  	[sflag:s10] =	ssyncadd.s32 $0xFFFFEC00  }
0x7a: {  	_ =	swait.ge [sflag:s24], $0x1400  }
0x7b: {  	[sflag:s24] =	ssyncset.done $0x0  }
0x7c: {  	s17 =	sadd.s32 $0x280, s15;
	[sflag:s24] =	ssyncadd.s32 $0xFFFFEC00  }
0x7d: {  	[tilespmem:s18], [sflag:$0x4] =	stream.indirect.gather [hbm4b:s6+s12], $0x40, s17, s12, $0xb8;
	[tilespmem:$0x19C80] =	vst v63  }
.Ltmp0:
0x7e: {  	_ = 	snop;
	(pc) =	sbr.rel @p1 .LBB2_2-.Ltmp0, $4  }
0x7f: {  	s15 =	sadd.s32 $0x4F60, s15  }
0x80: {  	[spmem:s1] =	stream.indirect.scatter.add.f32 [tilespmem:s20], [sflag:$0x6], $0x40, s15, s12, $0xb8;
	[tilespmem:$0x19C80] =	vst v63  }
0x81: {  	_ =	swait.ge [sflag:s10], $0x1400  }
0x82: {  	[sflag:s10] =	ssyncset.done $0x0  }
0x83: {  	[sflag:s10] =	ssyncadd.s32 $0xFFFFEC00  }
0x84: {  	_ =	swait.ge [sflag:s19], $0x1400  }
0x85: {  	[sflag:s19] =	ssyncset.done $0x0  }
0x86: {  	[sflag:s19] =	ssyncadd.s32 $0xFFFFEC00  }
0x87: {  	[tilespmem:s20], [sflag:$0x5] =	stream.indirect.gather [hbm4b:s6+s12], $0x40, s25, s12, $0xb8;
	[tilespmem:$0x19C80] =	vst v63  }
0x88: {  	_ = 	snop  }
0x89: {  	[spmem:s1] =	stream.indirect.scatter.add.f32 [tilespmem:s13], [sflag:$0x6], $0x40, s26, s12, $0xb8;
	[tilespmem:$0x19C80] =	vst v63  }
0x8a: {  	_ =	swait.ge [sflag:s10], $0x1400  }
0x8b: {  	[sflag:s10] =	ssyncset.done $0x0  }
0x8c: {  	[sflag:s10] =	ssyncadd.s32 $0xFFFFEC00  }
0x8d: {  	_ =	swait.ge [sflag:s21], $0x1400  }
0x8e: {  	[sflag:s21] =	ssyncset.done $0x0  }
0x8f: {  	[sflag:s21] =	ssyncadd.s32 $0xFFFFEC00  }
0x90: {  	[spmem:s1] =	stream.indirect.scatter.add.f32 [tilespmem:s14], [sflag:$0x6], $0x40, s28, s12, $0xb8;
	[tilespmem:$0x19C80] =	vst v63  }
0x91: {  	_ =	swait.ge [sflag:s10], $0x1400  }
0x92: {  	[sflag:s10] =	ssyncset.done $0x0  }
0x93: {  	[sflag:s10] =	ssyncadd.s32 $0xFFFFEC00  }
0x94: {  	_ =	swait.ge [sflag:s22], $0x1400  }
0x95: {  	[sflag:s22] =	ssyncset.done $0x0  }
0x96: {  	[sflag:s22] =	ssyncadd.s32 $0xFFFFEC00  }
0x97: {  	[spmem:s1] =	stream.indirect.scatter.add.f32 [tilespmem:s16], [sflag:$0x6], $0x40, s29, s12, $0xb8;
	[tilespmem:$0x19C80] =	vst v63  }
0x98: {  	_ =	swait.ge [sflag:s10], $0x1400  }
0x99: {  	[sflag:s10] =	ssyncset.done $0x0  }
0x9a: {  	[sflag:s10] =	ssyncadd.s32 $0xFFFFEC00  }
0x9b: {  	_ =	swait.ge [sflag:s23], $0x1400  }
0x9c: {  	[sflag:s23] =	ssyncset.done $0x0  }
0x9d: {  	[sflag:s23] =	ssyncadd.s32 $0xFFFFEC00  }
0x9e: {  	[spmem:s1] =	stream.indirect.scatter.add.f32 [tilespmem:s18], [sflag:$0x6], $0x40, s30, s12, $0xb8;
	[tilespmem:$0x19C80] =	vst v63  }
0x9f: {  	_ =	swait.ge [sflag:s10], $0x1400  }
0xa0: {  	[sflag:s10] =	ssyncset.done $0x0  }
0xa1: {  	[sflag:s10] =	ssyncadd.s32 $0xFFFFEC00  }
0xa2: {  	_ =	swait.ge [sflag:s24], $0x1400  }
0xa3: {  	[sflag:s24] =	ssyncset.done $0x0  }
0xa4: {  	[sflag:s24] =	ssyncadd.s32 $0xFFFFEC00  }
0xa5: {  	[spmem:s1] =	stream.indirect.scatter.add.f32 [tilespmem:s20], [sflag:$0x6], $0x40, s31, s12, $0xb8;
	[tilespmem:$0x19C80] =	vst v63  }
0xa6: {  	_ =	swait.ge [sflag:s10], $0x1400  }
0xa7: {  	[sflag:s10] =	ssyncset.done $0x0  }
0xa8: {  	s0 =	sadd.s32 $0x1, s0;
	[sflag:s10] =	ssyncadd.s32 $0xFFFFEC00  }
0xa9: {  	s11 =	simm.s32 @!p0 $0x1C06;
	p1 =	sne.s32 s0, s8;
	[bflag:$0x0] =	sbarrier.arrive $0xFFFF  }
0xaa: {  	[hbm:s7], [sflag:s11] =	dma.local @!p0 [spmem:s9], $0x13880  }
.Ltmp1:
0xab: {  	_ = 	snop;
	(pc) =	sbr.rel @p1 .LBB2_1-.Ltmp1, $4  }
0xac: {  	s11 =	simm.s32 @!p0 $0x6  }
0xad: {  	_ =	swait.ge @!p0 [sflag:s11], $0x13880  }
0xae: {  	[sflag:s11] =	ssyncset.done @!p0 $0x0  }
0xaf: {  	[sflag:s11] =	ssyncadd.s32 @!p0 $0xFFFEC780  }
0xb0: {  	_ =	sfence.sel $0x180000  }
0xb1: {  	[bflag:$0x0] =	sbarrier.arrive $0xFFFF  }
0xb2: {  	_ =	strace $0x90000047  }
0xb3: {  	[bflag:$0x2] =	sbarrier.arrive $0xFFFF  }
0xb4: {  	s0 =	rddreg [dreg:$0x3]  }
0xb5: {  	s0 =	sadd.s32 @!p0 $0x100000, s0  }
0xb6: {  	[sflag:s0] =	ssyncadd.tile.s32 @!p0 $0x1;
	_ =	shalt  }
.Lfunc_end2:
_tile_overlayer_lowered:
.L_overlay_start_2:
0xb7: {  	(tag) =	ssettag $0x2  }
0xb8: {  	s0 =	rddreg [dreg:$0x0];
	s2 =	stileid.u32  }
0xb9: {  	s1 =	rddreg [dreg:$0x1];
	p0 =	sne.s32 s2, $0x0  }
0xba: {  	s3 =	rddreg [dreg:$0x2];
	[bflag:$0x3] =	sbarrier.arrive $0xFFFF;
	s2 =	simm.s32 @!p0 $0x1C06  }
0xbb: {  	[timem:s3], [sflag:s2] =	dma.local @!p0 [hbm:s0], s1  }
0xbc: {  	s0 =	simm.s32 @!p0 $0x6  }
0xbd: {  	_ =	swait.ge @!p0 [sflag:s0], s1  }
0xbe: {  	s1 =	ssub.s32 @!p0 $0x0, s1;
	[sflag:s0] =	ssyncset.done @!p0 $0x0  }
0xbf: {  	[sflag:s0] =	ssyncadd.s32 @!p0 s1  }
0xc0: {  	[bflag:$0x3] =	sbarrier.arrive $0xFFFF  }
0xc1: {  	_ =	shalt  }

// kernel: kernel.13.cloned.1.call-start
scs
__scs_entry_jumppad:
0x0: {  	(pc) =	sbr.rel $0x88, $3  }
0x1: {  	(tag) =	ssettag $0x0;
	lr =	simm.s32 $0x1  }
0x2: {  	[smem:$0x3F95] =	sst lr;
	_ =	strace $0xD0000000  }
0x3: {  	_ = 	snop  }
0x4: {  	_ = 	snop  }
0x5: {  	_ = 	snop  }
0x6: {  	_ = 	snop  }
0x7: {  	_ = 	snop  }
__scs_overlays_trampoline_lowered:
0x8: {  	[smem:$0x3FA4] =	sst s0  }
0x9: {  	[smem:$0x3FA5] =	sst s1  }
0xa: {  	[smem:$0x3FA6] =	sst s2  }
0xb: {  	[smem:$0x3FA7] =	sst s3  }
0xc: {  	[smem:$0x3FA8] =	sst s4  }
0xd: {  	[smem:$0x3FA9] =	sst s5  }
0xe: {  	[smem:$0x3FAA] =	sst s6  }
0xf: {  	[smem:$0x3FAB] =	sst s7  }
0x10: {  	[smem:$0x3FAC] =	sst s8  }
0x11: {  	[smem:$0x3FAD] =	sst s9;
	s0 =	simm.s32 @!p0 $0x0  }
0x12: {  	s1 =	sld [smem:$0x3F93];
	s0 =	simm.s32 @p0 $0x1  }
0x13: {  	[smem:$0x3FAE] =	sst s0;
	s0 =	simm.s32 @!p1 $0x0  }
0x14: {  	s2 =	sld [smem:$0x3F92];
	s0 =	simm.s32 @p1 $0x1  }
0x15: {  	[smem:$0x3FAF] =	sst s0;
	s0 =	simm.s32 @!p2 $0x0  }
0x16: {  	s3 =	sld [smem:$0x3FDB];
	s0 =	simm.s32 @p2 $0x1  }
0x17: {  	s4 =	simm.s32 $0x1BF5;
	[smem:$0x3FB1] =	sst s0  }
0x18: {  	s0 =	sld [smem:$0x3F94];
	_ =	swait.ge [sflag:s4], $0x0  }
0x19: {  	s7 =	sld [smem:$0x3F95]  }
0x1a: {  	s8 =	sadd.s32 $0xFFFFE003, lr  }
0x1b: {  	s9 =	sadd.s32 $0xFFFFFEF7, lr;
	s5 =	simm.s32 $0xFFFFFFFF;
	p2 =	slt.u32 s8, $0xFFFFF086  }
0x1c: {  	p1 =	slt.u32 s9, $0xF7A;
	s5 =	simm.s32 @!p2 $0x0  }
0x1d: {  	s5 =	simm.s32 @p1 $0x1;
	p0 =	seq.s32 s7, s2  }
0x1e: {  	s7 =	smul.u32 @!p0 $0xF7A, s2;
	p2 =	seq.s32 @!p0 s5, $0x0  }
0x1f: {  	s9 =	smul.u32 $0xF7A, s1;
	s8 =	simm.s32 @!p0 $0x1BF5;
	p2 =	por !p2, p0  }
0x20: {  	[sflag:s8] =	ssyncset.s32 @!p0 $0xFFFFF086;
	s6 =	sadd.s32 @!p0 s3, s7;
	s7 =	simm.s32 @!p0 $0x108  }
0x21: {  	s3 =	sadd.s32 s3, s9;
	s6 =	sadd.s32 @!p0 $0x88, s6;
	s7 =	simm.s32 @p2 $0x1082  }
0x22: {  	[simem:s7], [sflag:s8] =	dma.local @!p0 [hbm:s6], $0xF7A  }
0x23: {  	s9 =	sor.u32 $0xD0000000, s2;
	s6 =	simm.s32 $0x108;
	_ =	swait.ge @!p0 [sflag:s8], $0x0  }
0x24: {  	s3 =	sadd.s32 $0x88, s3;
	s6 =	simm.s32 @!p1 $0x1082;
	[sflag:s4] =	ssyncset.s32 $0xFFFFF086  }
0x25: {  	[simem:s6], [sflag:s4] =	dma.local [hbm:s3], $0xF7A  }
0x26: {  	[smem:$0x3F95] =	sst s1;
	(tag) =	ssettag s2;
	_ =	strace s9  }
0x27: {  	s1 =	sld [smem:$0x3FA5]  }
0x28: {  	s2 =	sld [smem:$0x3FA6]  }
0x29: {  	s4 =	sld [smem:$0x3FA8]  }
0x2a: {  	p0 =	seq.s32 s5, $0x0;
	s5 =	sld [smem:$0x3FA9]  }
0x2b: {  	s6 =	sld [smem:$0x3FAA]  }
0x2c: {  	s7 =	sld [smem:$0x3FAB]  }
0x2d: {  	s3 =	simm.s32 $0x108;
	s8 =	sld [smem:$0x3FAC]  }
0x2e: {  	s3 =	simm.s32 @!p0 $0x1082;
	s9 =	sld [smem:$0x3FAD]  }
0x2f: {  	lr =	sadd.s32 s0, s3;
	s0 =	sld [smem:$0x3FA4]  }
0x30: {  	s3 =	sld [smem:$0x3FA7]  }
0x31: {  	[smem:$0x3FB0] =	sst s10  }
0x32: {  	s10 =	sld [smem:$0x3FAE];
	_ =	sdelay $0x3  }
0x33: {  	p0 =	seq.s32 s10, $0x1;
	s10 =	sld [smem:$0x3FB0];
	_ =	sdelay $0x3  }
0x34: {  	[smem:$0x3FB0] =	sst s10  }
0x35: {  	s10 =	sld [smem:$0x3FAF];
	_ =	sdelay $0x3  }
0x36: {  	p1 =	seq.s32 s10, $0x1;
	s10 =	sld [smem:$0x3FB0];
	_ =	sdelay $0x3  }
0x37: {  	[smem:$0x3FB0] =	sst s10  }
0x38: {  	s10 =	sld [smem:$0x3FB1]  }
0x39: {  	_ = 	snop;
	(pc) =	sbr.ind lr, $3  }
0x3a: {  	_ = 	snop  }
0x3b: {  	_ = 	snop  }
0x3c: {  	p2 =	seq.s32 s10, $0x1;
	s10 =	sld [smem:$0x3FB0]  }
0x3d: {  	_ =	shalt  }
0x3e: {  	_ =	shalt  }
0x3f: {  	_ =	shalt  }
0x40: {  	_ =	shalt  }
0x41: {  	_ =	shalt  }
0x42: {  	_ =	shalt  }
0x43: {  	_ =	shalt  }
0x44: {  	_ =	shalt  }
0x45: {  	_ =	shalt  }
0x46: {  	_ =	shalt  }
0x47: {  	_ =	shalt  }
0x48: {  	_ =	shalt  }
0x49: {  	_ =	shalt  }
0x4a: {  	_ =	shalt  }
0x4b: {  	_ =	shalt  }
0x4c: {  	_ =	shalt  }
0x4d: {  	_ =	shalt  }
0x4e: {  	_ =	shalt  }
0x4f: {  	_ =	shalt  }
0x50: {  	_ =	shalt  }
0x51: {  	_ =	shalt  }
0x52: {  	_ =	shalt  }
0x53: {  	_ =	shalt  }
0x54: {  	_ =	shalt  }
0x55: {  	_ =	shalt  }
0x56: {  	_ =	shalt  }
0x57: {  	_ =	shalt  }
0x58: {  	_ =	shalt  }
0x59: {  	_ =	shalt  }
0x5a: {  	_ =	shalt  }
0x5b: {  	_ =	shalt  }
0x5c: {  	_ =	shalt  }
0x5d: {  	_ =	shalt  }
0x5e: {  	_ =	shalt  }
0x5f: {  	_ =	shalt  }
0x60: {  	_ =	shalt  }
0x61: {  	_ =	shalt  }
0x62: {  	_ =	shalt  }
0x63: {  	_ =	shalt  }
0x64: {  	_ =	shalt  }
0x65: {  	_ =	shalt  }
0x66: {  	_ =	shalt  }
0x67: {  	_ =	shalt  }
0x68: {  	_ =	shalt  }
0x69: {  	_ =	shalt  }
0x6a: {  	_ =	shalt  }
0x6b: {  	_ =	shalt  }
0x6c: {  	_ =	shalt  }
0x6d: {  	_ =	shalt  }
0x6e: {  	_ =	shalt  }
0x6f: {  	_ =	shalt  }
0x70: {  	_ =	shalt  }
0x71: {  	_ =	shalt  }
0x72: {  	_ =	shalt  }
0x73: {  	_ =	shalt  }
0x74: {  	_ =	shalt  }
0x75: {  	_ =	shalt  }
0x76: {  	_ =	shalt  }
0x77: {  	_ =	shalt  }
0x78: {  	_ =	shalt  }
0x79: {  	_ =	shalt  }
0x7a: {  	_ =	shalt  }
0x7b: {  	_ =	shalt  }
0x7c: {  	_ =	shalt  }
0x7d: {  	_ =	shalt  }
0x7e: {  	_ =	shalt  }
0x7f: {  	_ =	shalt  }
0x80: {  	_ =	shalt  }
0x81: {  	_ =	shalt  }
0x82: {  	_ =	shalt  }
0x83: {  	_ =	shalt  }
0x84: {  	_ =	shalt  }
0x85: {  	_ =	shalt  }
0x86: {  	_ =	shalt  }
0x87: {  	_ =	shalt  }
.Lfunc_end0:
.L_simem_size_0:
called_computation.1_lowered:
.L_overlay_start_0:
0x88: {  	s2 =	sld [smem:$0x3FD9]  }
0x89: {  	s3 =	sld [smem:$0x3FFE];
	_ =	sdelay $0x1  }
0x8a: {  	s1 =	srdreg.scid  }
0x8b: {  	s0 =	sand.u32 $0x1, s1  }
0x8c: {  	s17 =	sshll.u32 s0, $0xA;
	s2 =	sadd.s32 s3, s2  }
0x8d: {  	s2 =	sadd.s32 s2, s17  }
0x8e: {  	[smem:$0x3FBC] =	sst s2  }
0x8f: {  	_ = 	snop  }
0x90: {  	s2 =	sld [smem:$0x3FD0];
	(tm) =	ssettm $0x1  }
0x91: {  	s18 =	sld [smem:$0x3FFB];
	_ =	sdelay $0x3  }
0x92: {  	_ =	strace s18  }
0x93: {  	s3 =	sld [smem:$0x3FFC];
	_ =	sdelay $0x3  }
0x94: {  	_ =	strace s3  }
0x95: {  	s3 =	sld [smem:$0x3FFD];
	_ =	sdelay $0x3  }
0x96: {  	_ =	strace s3  }
0x97: {  	_ =	strace $0x8FFFFFFF  }
0x98: {  	s19 =	sld [smem:$0x3FDB];
	_ =	sdelay $0x1  }
0x99: {  	s4 =	simm.s32 $_scs_section_size  }
0x9a: {  	s5 =	simm.s32 $_size__tile_overlayer_lowered;
	s6 =	simm.s32 $_tile_overlayer_lowered  }
0x9b: {  	s22 =	simm.s32 $0x1BFF;
	s21 =	sshll.u32 s6, $0x1;
	s3 =	sadd.s32 s4, s19  }
0x9c: {  	s7 =	simm.s32 $0x0;
	s20 =	sshll.u32 s5, $0x1;
	s5 =	sadd.s32 s21, s3  }
0x9d: {  	[timem:s7], [sflag:s22] =	dma.local [hbm:s5], s20  }
0x9e: {  	_ =	swait.ge [sflag:s22], s20  }
0x9f: {  	s4 =	ssub.s32 $0x0, s20;
	[sflag:s22] =	ssyncset.done $0x0  }
0xa0: {  	[sflag:s22] =	ssyncadd.s32 s4;
	_ =	sdelay $0x1  }
0xa1: {  	s23 =	simm.s32 $0x1B8B  }
0xa2: {  	_ =	swait.ge [sflag:s23], $0x1  }
0xa3: {  	[sflag:s23] =	ssyncset.done $0x0  }
0xa4: {  	s25 =	simm.s32 $0x1B8E;
	s24 =	sld [smem:$0x3FFE];
	[sflag:s23] =	ssyncadd.s32 $0xFFFFFFFF  }
0xa5: {  	s26 =	simm.s32 $execute0_lowered;
	[smem:$0x3FD2] =	sst s25  }
0xa6: {  	s5 =	sshll.u32 s26, $0x1;
	_ =	strace $0x80000049;
	[dreg:$0x1] =	wrdreg $0xFFFFFFFF  }
0xa7: {  	s28 =	simm.s32 $_size_execute0_lowered;
	s3 =	sadd.s32 s3, s5;
	[dreg:$0x0] =	wrdreg $0x0  }
0xa8: {  	s5 =	sshll.u32 s28, $0x1;
	[dreg:$0x2] =	wrdreg s3  }
0xa9: {  	[dreg:$0x3] =	wrdreg s5  }
0xaa: {  	[dreg:$0x4] =	wrdreg $0xC0  }
0xab: {  	_ =	task [dreg:s7], $0x5FFFF  }
0xac: {  	[dreg:$0x1] =	wrdreg $0xFFFFFFFF  }
0xad: {  	[dreg:$0x0] =	wrdreg $0x60  }
0xae: {  	[dreg:$0x2] =	wrdreg s24  }
0xaf: {  	[dreg:$0x3] =	wrdreg s2  }
0xb0: {  	[dreg:$0x4] =	wrdreg $0x100400  }
0xb1: {  	[dreg:$0x5] =	wrdreg $0x9  }
0xb2: {  	_ =	task.clear_ibuf [dreg:s7], $0x6FFFF;
	_ =	strace $0x90000049  }
0xb3: {  	s29 =	simm.s32 $0x9;
	_ =	strace $0x8000004B  }
0xb4: {  	_ =	swait.ge [sflag:s29], $0x1  }
0xb5: {  	[sflag:s29] =	ssyncadd.s32 $0xFFFFFFFF  }
0xb6: {  	_ =	strace $0x9000004B  }
0xb7: {  	_ =	sfence  }
0xb8: {  	s30 =	sld [smem:$0x0];
	_ =	sdelay $0x2  }
0xb9: {  	s31 =	sshll.u32 s1, $0xD;
	s1 =	sshrl.u32 s1, $0x2  }
0xba: {  	s3 =	sand.u32 $0x4000, s31;
	s1 =	sadd.s32 s1, s30  }
0xbb: {  	s0 =	sor.u32 s3, s0;
	s1 =	sshll.u32 s1, $0x11  }
0xbc: {  	s0 =	sor.u32 s1, s0  }
0xbd: {  	s0 =	sadd.s32 $0x8F2B, s0  }
0xbe: {  	[sflag:s0] =	ssyncadd.remote.s32 $0x1  }
0xbf: {  	_ =	sfence.sel $0xFFFF  }
0xc0: {  	[dreg:$0x0] =	wrdreg $0xFFFFFFFF;
	(pc) =	sbr.abs _section_cstart, $3  }
0xc1: {  	[dreg:$0x1] =	wrdreg $0xFFFFFFFF  }
0xc2: {  	_ =	task.clear_ibuf [dreg:s7], $0x2FFFF;
	_ =	strace $0x9FFFFFFF  }
0xc3: {  	(tm) =	ssettm $0x7FFFFFFF  }
tec
execute0_lowered:
.L_overlay_start_1:
0x0: {  	(tag) =	ssettag $0x1  }
0x1: {  	s0 =	rddreg [dreg:$0x0]  }
0x2: {  	s5 =	rddreg [dreg:$0x1]  }
0x3: {  	s1 =	rddreg [dreg:$0x2];
	s8 =	stileid.u32  }
0x4: {  	s3 =	srdreg.scid;
	s2 =	simm.s32 $0x0;
	s10 =	simm.s32 $0x6  }
0x5: {  	s12 =	simm.s32 $0x50;
	s13 =	simm.s32 $0x9C40;
	s14 =	simm.s32 $0xB040  }
0x6: {  	s16 =	simm.s32 $0xC440;
	s18 =	simm.s32 $0xD840;
	s19 =	simm.s32 $0x1  }
0x7: {  	s20 =	simm.s32 $0xEC40;
	s21 =	simm.s32 $0x2;
	s22 =	simm.s32 $0x3  }
0x8: {  	s23 =	simm.s32 $0x4;
	s24 =	simm.s32 $0x5;
	s25 =	simm.s32 $0x4DD0  }
0x9: {  	s28 =	simm.s32 $0x9B00;
	s29 =	simm.s32 $0x9B50;
	s30 =	simm.s32 $0x9BA0  }
0xa: {  	s31 =	simm.s32 $0x9BF0;
	s6 =	smul.u32 $0x9C4, s8;
	s3 =	sand.u32 $0x1, s3  }
0xb: {  	[smem:$0x7FF] =	sst s2;
	p0 =	sne.s32 s8, $0x0;
	s4 =	smul.u32 $0x13880, s3  }
0xc: {  	_ =	strace $0x8000004A;
	s9 =	ssub.s32 $0x2, s3;
	s3 =	sadd.s32 $0x33200, s0  }
0xd: {  	s7 =	sadd.s32 s6, s0;
	s26 =	sshrl.u32 s9, $0x1;
	s5 =	sadd.s32 s5, s6  }
0xe: {  	s0 =	sadd.s32 s4, s0;
	s9 =	ssub.s32 s9, s26;
	s4 =	sadd.s32 $0x29400, s7  }
0xf: {  	s26 =	simm.s32 $0x9AB0;
	s6 =	sadd.s32 $0x2200, s0;
	s7 =	sadd.s32 $0x46C00, s0  }
0x10: {  	s8 =	smax.u32 s9, $0x1;
	s9 =	sshrl.u32 @!p0 s1, $0x3;
	s0 =	simm.s32 $0x0  }
.LBB2_1:
0x11: {  	s11 =	simm.s32 @!p0 $0x1C06  }
0x12: {  	[spmem:s9], [sflag:s11] =	dma.local @!p0 [hbm:s3], $0x13880  }
0x13: {  	s11 =	simm.s32 @!p0 $0x6  }
0x14: {  	_ =	swait.ge @!p0 [sflag:s11], $0x13880  }
0x15: {  	[sflag:s11] =	ssyncset.done @!p0 $0x0  }
0x16: {  	[sflag:s11] =	ssyncadd.s32 @!p0 $0xFFFEC780  }
0x17: {  	[tilespmem:s2], [sflag:$0x6] =	stream.linear.gather [hbm4b:s4+s2], $0x4E20, $0x38;
	[tilespmem:$0x19C80] =	vst v63  }
0x18: {  	_ =	swait.ge [sflag:s10], $0x4E20  }
0x19: {  	[sflag:s10] =	ssyncset.done $0x0  }
0x1a: {  	s17 =	simm.s32 $0x4E20;
	[sflag:s10] =	ssyncadd.s32 $0xFFFFB1E0  }
0x1b: {  	[tilespmem:s17], [sflag:$0x6] =	stream.linear.gather [hbm4b:s5+s2], $0x4E20, $0x38;
	[tilespmem:$0x19C80] =	vst v63  }
0x1c: {  	_ =	swait.ge [sflag:s10], $0x4E20  }
0x1d: {  	[sflag:s10] =	ssyncset.done $0x0  }
0x1e: {  	[sflag:s10] =	ssyncadd.s32 $0xFFFFB1E0  }
0x1f: {  	[bflag:$0x0] =	sbarrier.arrive $0xFFFF  }
0x20: {  	[tilespmem:s13], [sflag:$0x1] =	stream.indirect.gather [hbm4b:s6+s12], $0x40, s2, s12, $0xb8;
	[tilespmem:$0x19C80] =	vst v63  }
0x21: {  	_ = 	snop  }
0x22: {  	[tilespmem:s14], [sflag:$0x2] =	stream.indirect.gather [hbm4b:s6+s12], $0x40, s12, s12, $0xb8;
	[tilespmem:$0x19C80] =	vst v63  }
0x23: {  	s15 =	simm.s32 $0xA0  }
0x24: {  	[tilespmem:s16], [sflag:$0x3] =	stream.indirect.gather [hbm4b:s6+s12], $0x40, s15, s12, $0xb8;
	[tilespmem:$0x19C80] =	vst v63  }
0x25: {  	s17 =	simm.s32 $0xF0  }
0x26: {  	[tilespmem:s18], [sflag:$0x4] =	stream.indirect.gather [hbm4b:s6+s12], $0x40, s17, s12, $0xb8;
	[tilespmem:$0x19C80] =	vst v63  }
0x27: {  	_ =	swait.ge [sflag:s19], $0x1400  }
0x28: {  	[sflag:s19] =	ssyncset.done $0x0  }
0x29: {  	s15 =	simm.s32 $0x140;
	[sflag:s19] =	ssyncadd.s32 $0xFFFFEC00  }
0x2a: {  	[tilespmem:s20], [sflag:$0x5] =	stream.indirect.gather [hbm4b:s6+s12], $0x40, s15, s12, $0xb8;
	[tilespmem:$0x19C80] =	vst v63  }
0x2b: {  	s17 =	simm.s32 $0x4E20  }
0x2c: {  	[spmem:s1] =	stream.indirect.scatter.add.f32 [tilespmem:s13], [sflag:$0x6], $0x40, s17, s12, $0xb8;
	[tilespmem:$0x19C80] =	vst v63  }
0x2d: {  	_ =	swait.ge [sflag:s10], $0x1400  }
0x2e: {  	[sflag:s10] =	ssyncset.done $0x0  }
0x2f: {  	[sflag:s10] =	ssyncadd.s32 $0xFFFFEC00  }
0x30: {  	_ =	swait.ge [sflag:s21], $0x1400  }
0x31: {  	[sflag:s21] =	ssyncset.done $0x0  }
0x32: {  	s15 =	simm.s32 $0x190;
	[sflag:s21] =	ssyncadd.s32 $0xFFFFEC00  }
0x33: {  	[tilespmem:s13], [sflag:$0x1] =	stream.indirect.gather [hbm4b:s6+s12], $0x40, s15, s12, $0xb8;
	[tilespmem:$0x19C80] =	vst v63  }
0x34: {  	s17 =	simm.s32 $0x4E70  }
0x35: {  	[spmem:s1] =	stream.indirect.scatter.add.f32 [tilespmem:s14], [sflag:$0x6], $0x40, s17, s12, $0xb8;
	[tilespmem:$0x19C80] =	vst v63  }
0x36: {  	_ =	swait.ge [sflag:s10], $0x1400  }
0x37: {  	[sflag:s10] =	ssyncset.done $0x0  }
0x38: {  	[sflag:s10] =	ssyncadd.s32 $0xFFFFEC00  }
0x39: {  	_ =	swait.ge [sflag:s22], $0x1400  }
0x3a: {  	[sflag:s22] =	ssyncset.done $0x0  }
0x3b: {  	s15 =	simm.s32 $0x1E0;
	[sflag:s22] =	ssyncadd.s32 $0xFFFFEC00  }
0x3c: {  	[tilespmem:s14], [sflag:$0x2] =	stream.indirect.gather [hbm4b:s6+s12], $0x40, s15, s12, $0xb8;
	[tilespmem:$0x19C80] =	vst v63  }
0x3d: {  	s17 =	simm.s32 $0x4EC0  }
0x3e: {  	[spmem:s1] =	stream.indirect.scatter.add.f32 [tilespmem:s16], [sflag:$0x6], $0x40, s17, s12, $0xb8;
	[tilespmem:$0x19C80] =	vst v63  }
0x3f: {  	_ =	swait.ge [sflag:s10], $0x1400  }
0x40: {  	[sflag:s10] =	ssyncset.done $0x0  }
0x41: {  	[sflag:s10] =	ssyncadd.s32 $0xFFFFEC00  }
0x42: {  	_ =	swait.ge [sflag:s23], $0x1400  }
0x43: {  	[sflag:s23] =	ssyncset.done $0x0  }
0x44: {  	s15 =	simm.s32 $0x230;
	[sflag:s23] =	ssyncadd.s32 $0xFFFFEC00  }
0x45: {  	[tilespmem:s16], [sflag:$0x3] =	stream.indirect.gather [hbm4b:s6+s12], $0x40, s15, s12, $0xb8;
	[tilespmem:$0x19C80] =	vst v63  }
0x46: {  	s17 =	simm.s32 $0x4F10  }
0x47: {  	[spmem:s1] =	stream.indirect.scatter.add.f32 [tilespmem:s18], [sflag:$0x6], $0x40, s17, s12, $0xb8;
	[tilespmem:$0x19C80] =	vst v63  }
0x48: {  	_ =	swait.ge [sflag:s10], $0x1400  }
0x49: {  	[sflag:s10] =	ssyncset.done $0x0  }
0x4a: {  	[sflag:s10] =	ssyncadd.s32 $0xFFFFEC00  }
0x4b: {  	_ =	swait.ge [sflag:s24], $0x1400  }
0x4c: {  	[sflag:s24] =	ssyncset.done $0x0  }
0x4d: {  	s15 =	simm.s32 $0x280;
	[sflag:s24] =	ssyncadd.s32 $0xFFFFEC00  }
0x4e: {  	[tilespmem:s18], [sflag:$0x4] =	stream.indirect.gather [hbm4b:s6+s12], $0x40, s15, s12, $0xb8;
	[tilespmem:$0x19C80] =	vst v63  }
0x4f: {  	s17 =	simm.s32 $0x4F60  }
0x50: {  	[spmem:s1] =	stream.indirect.scatter.add.f32 [tilespmem:s20], [sflag:$0x6], $0x40, s17, s12, $0xb8;
	[tilespmem:$0x19C80] =	vst v63  }
0x51: {  	_ =	swait.ge [sflag:s10], $0x1400  }
0x52: {  	s11 =	simm.s32 $0x640;
	[sflag:s10] =	ssyncset.done $0x0  }
.LBB2_2:
0x53: {  	p1 =	sne.s32 s11, $0x12C00  }
0x54: {  	[sflag:s10] =	ssyncadd.s32 $0xFFFFEC00;
	s15 =	smov.u32 s11;
	s11 =	sadd.s32 $0x640, s11  }
0x55: {  	_ = 	snop  }
0x56: {  	_ =	swait.ge [sflag:s19], $0x1400  }
0x57: {  	s15 =	sshra.s32 s15, $0x2;
	[sflag:s19] =	ssyncset.done $0x0  }
0x58: {  	s17 =	sadd.s32 $0x140, s15;
	[sflag:s19] =	ssyncadd.s32 $0xFFFFEC00  }
0x59: {  	[tilespmem:s20], [sflag:$0x5] =	stream.indirect.gather [hbm4b:s6+s12], $0x40, s17, s12, $0xb8;
	[tilespmem:$0x19C80] =	vst v63  }
0x5a: {  	s17 =	sadd.s32 $0x4E20, s15  }
0x5b: {  	[spmem:s1] =	stream.indirect.scatter.add.f32 [tilespmem:s13], [sflag:$0x6], $0x40, s17, s12, $0xb8;
	[tilespmem:$0x19C80] =	vst v63  }
0x5c: {  	_ =	swait.ge [sflag:s10], $0x1400  }
0x5d: {  	[sflag:s10] =	ssyncset.done $0x0  }
0x5e: {  	[sflag:s10] =	ssyncadd.s32 $0xFFFFEC00  }
0x5f: {  	_ =	swait.ge [sflag:s21], $0x1400  }
0x60: {  	[sflag:s21] =	ssyncset.done $0x0  }
0x61: {  	s17 =	sadd.s32 $0x190, s15;
	[sflag:s21] =	ssyncadd.s32 $0xFFFFEC00  }
0x62: {  	[tilespmem:s13], [sflag:$0x1] =	stream.indirect.gather [hbm4b:s6+s12], $0x40, s17, s12, $0xb8;
	[tilespmem:$0x19C80] =	vst v63  }
0x63: {  	s17 =	sadd.s32 $0x4E70, s15  }
0x64: {  	[spmem:s1] =	stream.indirect.scatter.add.f32 [tilespmem:s14], [sflag:$0x6], $0x40, s17, s12, $0xb8;
	[tilespmem:$0x19C80] =	vst v63  }
0x65: {  	_ =	swait.ge [sflag:s10], $0x1400  }
0x66: {  	[sflag:s10] =	ssyncset.done $0x0  }
0x67: {  	[sflag:s10] =	ssyncadd.s32 $0xFFFFEC00  }
0x68: {  	_ =	swait.ge [sflag:s22], $0x1400  }
0x69: {  	[sflag:s22] =	ssyncset.done $0x0  }
0x6a: {  	s17 =	sadd.s32 $0x1E0, s15;
	[sflag:s22] =	ssyncadd.s32 $0xFFFFEC00  }
0x6b: {  	[tilespmem:s14], [sflag:$0x2] =	stream.indirect.gather [hbm4b:s6+s12], $0x40, s17, s12, $0xb8;
	[tilespmem:$0x19C80] =	vst v63  }
0x6c: {  	s17 =	sadd.s32 $0x4EC0, s15  }
0x6d: {  	[spmem:s1] =	stream.indirect.scatter.add.f32 [tilespmem:s16], [sflag:$0x6], $0x40, s17, s12, $0xb8;
	[tilespmem:$0x19C80] =	vst v63  }
0x6e: {  	_ =	swait.ge [sflag:s10], $0x1400  }
0x6f: {  	[sflag:s10] =	ssyncset.done $0x0  }
0x70: {  	[sflag:s10] =	ssyncadd.s32 $0xFFFFEC00  }
0x71: {  	_ =	swait.ge [sflag:s23], $0x1400  }
0x72: {  	[sflag:s23] =	ssyncset.done $0x0  }
0x73: {  	s17 =	sadd.s32 $0x230, s15;
	[sflag:s23] =	ssyncadd.s32 $0xFFFFEC00  }
0x74: {  	[tilespmem:s16], [sflag:$0x3] =	stream.indirect.gather [hbm4b:s6+s12], $0x40, s17, s12, $0xb8;
	[tilespmem:$0x19C80] =	vst v63  }
0x75: {  	s17 =	sadd.s32 $0x4F10, s15  }
0x76: {  	[spmem:s1] =	stream.indirect.scatter.add.f32 [tilespmem:s18], [sflag:$0x6], $0x40, s17, s12, $0xb8;
	[tilespmem:$0x19C80] =	vst v63  }
0x77: {  	_ =	swait.ge [sflag:s10], $0x1400  }
0x78: {  	[sflag:s10] =	ssyncset.done $0x0  }
0x79: {  	[sflag:s10] =	ssyncadd.s32 $0xFFFFEC00  }
0x7a: {  	_ =	swait.ge [sflag:s24], $0x1400  }
0x7b: {  	[sflag:s24] =	ssyncset.done $0x0  }
0x7c: {  	s17 =	sadd.s32 $0x280, s15;
	[sflag:s24] =	ssyncadd.s32 $0xFFFFEC00  }
0x7d: {  	[tilespmem:s18], [sflag:$0x4] =	stream.indirect.gather [hbm4b:s6+s12], $0x40, s17, s12, $0xb8;
	[tilespmem:$0x19C80] =	vst v63  }
.Ltmp0:
0x7e: {  	_ = 	snop;
	(pc) =	sbr.rel @p1 .LBB2_2-.Ltmp0, $4  }
0x7f: {  	s15 =	sadd.s32 $0x4F60, s15  }
0x80: {  	[spmem:s1] =	stream.indirect.scatter.add.f32 [tilespmem:s20], [sflag:$0x6], $0x40, s15, s12, $0xb8;
	[tilespmem:$0x19C80] =	vst v63  }
0x81: {  	_ =	swait.ge [sflag:s10], $0x1400  }
0x82: {  	[sflag:s10] =	ssyncset.done $0x0  }
0x83: {  	[sflag:s10] =	ssyncadd.s32 $0xFFFFEC00  }
0x84: {  	_ =	swait.ge [sflag:s19], $0x1400  }
0x85: {  	[sflag:s19] =	ssyncset.done $0x0  }
0x86: {  	[sflag:s19] =	ssyncadd.s32 $0xFFFFEC00  }
0x87: {  	[tilespmem:s20], [sflag:$0x5] =	stream.indirect.gather [hbm4b:s6+s12], $0x40, s25, s12, $0xb8;
	[tilespmem:$0x19C80] =	vst v63  }
0x88: {  	_ = 	snop  }
0x89: {  	[spmem:s1] =	stream.indirect.scatter.add.f32 [tilespmem:s13], [sflag:$0x6], $0x40, s26, s12, $0xb8;
	[tilespmem:$0x19C80] =	vst v63  }
0x8a: {  	_ =	swait.ge [sflag:s10], $0x1400  }
0x8b: {  	[sflag:s10] =	ssyncset.done $0x0  }
0x8c: {  	[sflag:s10] =	ssyncadd.s32 $0xFFFFEC00  }
0x8d: {  	_ =	swait.ge [sflag:s21], $0x1400  }
0x8e: {  	[sflag:s21] =	ssyncset.done $0x0  }
0x8f: {  	[sflag:s21] =	ssyncadd.s32 $0xFFFFEC00  }
0x90: {  	[spmem:s1] =	stream.indirect.scatter.add.f32 [tilespmem:s14], [sflag:$0x6], $0x40, s28, s12, $0xb8;
	[tilespmem:$0x19C80] =	vst v63  }
0x91: {  	_ =	swait.ge [sflag:s10], $0x1400  }
0x92: {  	[sflag:s10] =	ssyncset.done $0x0  }
0x93: {  	[sflag:s10] =	ssyncadd.s32 $0xFFFFEC00  }
0x94: {  	_ =	swait.ge [sflag:s22], $0x1400  }
0x95: {  	[sflag:s22] =	ssyncset.done $0x0  }
0x96: {  	[sflag:s22] =	ssyncadd.s32 $0xFFFFEC00  }
0x97: {  	[spmem:s1] =	stream.indirect.scatter.add.f32 [tilespmem:s16], [sflag:$0x6], $0x40, s29, s12, $0xb8;
	[tilespmem:$0x19C80] =	vst v63  }
0x98: {  	_ =	swait.ge [sflag:s10], $0x1400  }
0x99: {  	[sflag:s10] =	ssyncset.done $0x0  }
0x9a: {  	[sflag:s10] =	ssyncadd.s32 $0xFFFFEC00  }
0x9b: {  	_ =	swait.ge [sflag:s23], $0x1400  }
0x9c: {  	[sflag:s23] =	ssyncset.done $0x0  }
0x9d: {  	[sflag:s23] =	ssyncadd.s32 $0xFFFFEC00  }
0x9e: {  	[spmem:s1] =	stream.indirect.scatter.add.f32 [tilespmem:s18], [sflag:$0x6], $0x40, s30, s12, $0xb8;
	[tilespmem:$0x19C80] =	vst v63  }
0x9f: {  	_ =	swait.ge [sflag:s10], $0x1400  }
0xa0: {  	[sflag:s10] =	ssyncset.done $0x0  }
0xa1: {  	[sflag:s10] =	ssyncadd.s32 $0xFFFFEC00  }
0xa2: {  	_ =	swait.ge [sflag:s24], $0x1400  }
0xa3: {  	[sflag:s24] =	ssyncset.done $0x0  }
0xa4: {  	[sflag:s24] =	ssyncadd.s32 $0xFFFFEC00  }
0xa5: {  	[spmem:s1] =	stream.indirect.scatter.add.f32 [tilespmem:s20], [sflag:$0x6], $0x40, s31, s12, $0xb8;
	[tilespmem:$0x19C80] =	vst v63  }
0xa6: {  	_ =	swait.ge [sflag:s10], $0x1400  }
0xa7: {  	[sflag:s10] =	ssyncset.done $0x0  }
0xa8: {  	s0 =	sadd.s32 $0x1, s0;
	[sflag:s10] =	ssyncadd.s32 $0xFFFFEC00  }
0xa9: {  	s11 =	simm.s32 @!p0 $0x1C06;
	p1 =	sne.s32 s0, s8;
	[bflag:$0x0] =	sbarrier.arrive $0xFFFF  }
0xaa: {  	[hbm:s7], [sflag:s11] =	dma.local @!p0 [spmem:s9], $0x13880  }
.Ltmp1:
0xab: {  	_ = 	snop;
	(pc) =	sbr.rel @p1 .LBB2_1-.Ltmp1, $4  }
0xac: {  	s11 =	simm.s32 @!p0 $0x6  }
0xad: {  	_ =	swait.ge @!p0 [sflag:s11], $0x13880  }
0xae: {  	[sflag:s11] =	ssyncset.done @!p0 $0x0  }
0xaf: {  	[sflag:s11] =	ssyncadd.s32 @!p0 $0xFFFEC780  }
0xb0: {  	_ =	sfence.sel $0x180000  }
0xb1: {  	[bflag:$0x0] =	sbarrier.arrive $0xFFFF  }
0xb2: {  	_ =	strace $0x9000004A  }
0xb3: {  	[bflag:$0x2] =	sbarrier.arrive $0xFFFF  }
0xb4: {  	s0 =	rddreg [dreg:$0x3]  }
0xb5: {  	s0 =	sadd.s32 @!p0 $0x100000, s0  }
0xb6: {  	[sflag:s0] =	ssyncadd.tile.s32 @!p0 $0x1;
	_ =	shalt  }
.Lfunc_end2:
_tile_overlayer_lowered:
.L_overlay_start_2:
0xb7: {  	(tag) =	ssettag $0x2  }
0xb8: {  	s0 =	rddreg [dreg:$0x0];
	s2 =	stileid.u32  }
0xb9: {  	s1 =	rddreg [dreg:$0x1];
	p0 =	sne.s32 s2, $0x0  }
0xba: {  	s3 =	rddreg [dreg:$0x2];
	[bflag:$0x3] =	sbarrier.arrive $0xFFFF;
	s2 =	simm.s32 @!p0 $0x1C06  }
0xbb: {  	[timem:s3], [sflag:s2] =	dma.local @!p0 [hbm:s0], s1  }
0xbc: {  	s0 =	simm.s32 @!p0 $0x6  }
0xbd: {  	_ =	swait.ge @!p0 [sflag:s0], s1  }
0xbe: {  	s1 =	ssub.s32 @!p0 $0x0, s1;
	[sflag:s0] =	ssyncset.done @!p0 $0x0  }
0xbf: {  	[sflag:s0] =	ssyncadd.s32 @!p0 s1  }
0xc0: {  	[bflag:$0x3] =	sbarrier.arrive $0xFFFF  }
0xc1: {  	_ =	shalt  }

// kernel: kernel.16.cloned.1.call-start
scs
__scs_entry_jumppad:
0x0: {  	(pc) =	sbr.rel $0x88, $3  }
0x1: {  	(tag) =	ssettag $0x0;
	lr =	simm.s32 $0x1  }
0x2: {  	[smem:$0x3F95] =	sst lr;
	_ =	strace $0xD0000000  }
0x3: {  	_ = 	snop  }
0x4: {  	_ = 	snop  }
0x5: {  	_ = 	snop  }
0x6: {  	_ = 	snop  }
0x7: {  	_ = 	snop  }
__scs_overlays_trampoline_lowered:
0x8: {  	[smem:$0x3FA4] =	sst s0  }
0x9: {  	[smem:$0x3FA5] =	sst s1  }
0xa: {  	[smem:$0x3FA6] =	sst s2  }
0xb: {  	[smem:$0x3FA7] =	sst s3  }
0xc: {  	[smem:$0x3FA8] =	sst s4  }
0xd: {  	[smem:$0x3FA9] =	sst s5  }
0xe: {  	[smem:$0x3FAA] =	sst s6  }
0xf: {  	[smem:$0x3FAB] =	sst s7  }
0x10: {  	[smem:$0x3FAC] =	sst s8  }
0x11: {  	[smem:$0x3FAD] =	sst s9;
	s0 =	simm.s32 @!p0 $0x0  }
0x12: {  	s1 =	sld [smem:$0x3F93];
	s0 =	simm.s32 @p0 $0x1  }
0x13: {  	[smem:$0x3FAE] =	sst s0;
	s0 =	simm.s32 @!p1 $0x0  }
0x14: {  	s2 =	sld [smem:$0x3F92];
	s0 =	simm.s32 @p1 $0x1  }
0x15: {  	[smem:$0x3FAF] =	sst s0;
	s0 =	simm.s32 @!p2 $0x0  }
0x16: {  	s3 =	sld [smem:$0x3FDB];
	s0 =	simm.s32 @p2 $0x1  }
0x17: {  	s4 =	simm.s32 $0x1BF5;
	[smem:$0x3FB1] =	sst s0  }
0x18: {  	s0 =	sld [smem:$0x3F94];
	_ =	swait.ge [sflag:s4], $0x0  }
0x19: {  	s7 =	sld [smem:$0x3F95]  }
0x1a: {  	s8 =	sadd.s32 $0xFFFFE003, lr  }
0x1b: {  	s9 =	sadd.s32 $0xFFFFFEF7, lr;
	s5 =	simm.s32 $0xFFFFFFFF;
	p2 =	slt.u32 s8, $0xFFFFF086  }
0x1c: {  	p1 =	slt.u32 s9, $0xF7A;
	s5 =	simm.s32 @!p2 $0x0  }
0x1d: {  	s5 =	simm.s32 @p1 $0x1;
	p0 =	seq.s32 s7, s2  }
0x1e: {  	s7 =	smul.u32 @!p0 $0xF7A, s2;
	p2 =	seq.s32 @!p0 s5, $0x0  }
0x1f: {  	s9 =	smul.u32 $0xF7A, s1;
	s8 =	simm.s32 @!p0 $0x1BF5;
	p2 =	por !p2, p0  }
0x20: {  	[sflag:s8] =	ssyncset.s32 @!p0 $0xFFFFF086;
	s6 =	sadd.s32 @!p0 s3, s7;
	s7 =	simm.s32 @!p0 $0x108  }
0x21: {  	s3 =	sadd.s32 s3, s9;
	s6 =	sadd.s32 @!p0 $0x88, s6;
	s7 =	simm.s32 @p2 $0x1082  }
0x22: {  	[simem:s7], [sflag:s8] =	dma.local @!p0 [hbm:s6], $0xF7A  }
0x23: {  	s9 =	sor.u32 $0xD0000000, s2;
	s6 =	simm.s32 $0x108;
	_ =	swait.ge @!p0 [sflag:s8], $0x0  }
0x24: {  	s3 =	sadd.s32 $0x88, s3;
	s6 =	simm.s32 @!p1 $0x1082;
	[sflag:s4] =	ssyncset.s32 $0xFFFFF086  }
0x25: {  	[simem:s6], [sflag:s4] =	dma.local [hbm:s3], $0xF7A  }
0x26: {  	[smem:$0x3F95] =	sst s1;
	(tag) =	ssettag s2;
	_ =	strace s9  }
0x27: {  	s1 =	sld [smem:$0x3FA5]  }
0x28: {  	s2 =	sld [smem:$0x3FA6]  }
0x29: {  	s4 =	sld [smem:$0x3FA8]  }
0x2a: {  	p0 =	seq.s32 s5, $0x0;
	s5 =	sld [smem:$0x3FA9]  }
0x2b: {  	s6 =	sld [smem:$0x3FAA]  }
0x2c: {  	s7 =	sld [smem:$0x3FAB]  }
0x2d: {  	s3 =	simm.s32 $0x108;
	s8 =	sld [smem:$0x3FAC]  }
0x2e: {  	s3 =	simm.s32 @!p0 $0x1082;
	s9 =	sld [smem:$0x3FAD]  }
0x2f: {  	lr =	sadd.s32 s0, s3;
	s0 =	sld [smem:$0x3FA4]  }
0x30: {  	s3 =	sld [smem:$0x3FA7]  }
0x31: {  	[smem:$0x3FB0] =	sst s10  }
0x32: {  	s10 =	sld [smem:$0x3FAE];
	_ =	sdelay $0x3  }
0x33: {  	p0 =	seq.s32 s10, $0x1;
	s10 =	sld [smem:$0x3FB0];
	_ =	sdelay $0x3  }
0x34: {  	[smem:$0x3FB0] =	sst s10  }
0x35: {  	s10 =	sld [smem:$0x3FAF];
	_ =	sdelay $0x3  }
0x36: {  	p1 =	seq.s32 s10, $0x1;
	s10 =	sld [smem:$0x3FB0];
	_ =	sdelay $0x3  }
0x37: {  	[smem:$0x3FB0] =	sst s10  }
0x38: {  	s10 =	sld [smem:$0x3FB1]  }
0x39: {  	_ = 	snop;
	(pc) =	sbr.ind lr, $3  }
0x3a: {  	_ = 	snop  }
0x3b: {  	_ = 	snop  }
0x3c: {  	p2 =	seq.s32 s10, $0x1;
	s10 =	sld [smem:$0x3FB0]  }
0x3d: {  	_ =	shalt  }
0x3e: {  	_ =	shalt  }
0x3f: {  	_ =	shalt  }
0x40: {  	_ =	shalt  }
0x41: {  	_ =	shalt  }
0x42: {  	_ =	shalt  }
0x43: {  	_ =	shalt  }
0x44: {  	_ =	shalt  }
0x45: {  	_ =	shalt  }
0x46: {  	_ =	shalt  }
0x47: {  	_ =	shalt  }
0x48: {  	_ =	shalt  }
0x49: {  	_ =	shalt  }
0x4a: {  	_ =	shalt  }
0x4b: {  	_ =	shalt  }
0x4c: {  	_ =	shalt  }
0x4d: {  	_ =	shalt  }
0x4e: {  	_ =	shalt  }
0x4f: {  	_ =	shalt  }
0x50: {  	_ =	shalt  }
0x51: {  	_ =	shalt  }
0x52: {  	_ =	shalt  }
0x53: {  	_ =	shalt  }
0x54: {  	_ =	shalt  }
0x55: {  	_ =	shalt  }
0x56: {  	_ =	shalt  }
0x57: {  	_ =	shalt  }
0x58: {  	_ =	shalt  }
0x59: {  	_ =	shalt  }
0x5a: {  	_ =	shalt  }
0x5b: {  	_ =	shalt  }
0x5c: {  	_ =	shalt  }
0x5d: {  	_ =	shalt  }
0x5e: {  	_ =	shalt  }
0x5f: {  	_ =	shalt  }
0x60: {  	_ =	shalt  }
0x61: {  	_ =	shalt  }
0x62: {  	_ =	shalt  }
0x63: {  	_ =	shalt  }
0x64: {  	_ =	shalt  }
0x65: {  	_ =	shalt  }
0x66: {  	_ =	shalt  }
0x67: {  	_ =	shalt  }
0x68: {  	_ =	shalt  }
0x69: {  	_ =	shalt  }
0x6a: {  	_ =	shalt  }
0x6b: {  	_ =	shalt  }
0x6c: {  	_ =	shalt  }
0x6d: {  	_ =	shalt  }
0x6e: {  	_ =	shalt  }
0x6f: {  	_ =	shalt  }
0x70: {  	_ =	shalt  }
0x71: {  	_ =	shalt  }
0x72: {  	_ =	shalt  }
0x73: {  	_ =	shalt  }
0x74: {  	_ =	shalt  }
0x75: {  	_ =	shalt  }
0x76: {  	_ =	shalt  }
0x77: {  	_ =	shalt  }
0x78: {  	_ =	shalt  }
0x79: {  	_ =	shalt  }
0x7a: {  	_ =	shalt  }
0x7b: {  	_ =	shalt  }
0x7c: {  	_ =	shalt  }
0x7d: {  	_ =	shalt  }
0x7e: {  	_ =	shalt  }
0x7f: {  	_ =	shalt  }
0x80: {  	_ =	shalt  }
0x81: {  	_ =	shalt  }
0x82: {  	_ =	shalt  }
0x83: {  	_ =	shalt  }
0x84: {  	_ =	shalt  }
0x85: {  	_ =	shalt  }
0x86: {  	_ =	shalt  }
0x87: {  	_ =	shalt  }
.Lfunc_end0:
.L_simem_size_0:
called_computation.2_lowered:
.L_overlay_start_0:
0x88: {  	s2 =	sld [smem:$0x3FD9]  }
0x89: {  	s3 =	sld [smem:$0x3FFE];
	_ =	sdelay $0x1  }
0x8a: {  	s1 =	srdreg.scid  }
0x8b: {  	s0 =	sand.u32 $0x1, s1  }
0x8c: {  	s17 =	sshll.u32 s0, $0xA;
	s2 =	sadd.s32 s3, s2  }
0x8d: {  	s2 =	sadd.s32 s2, s17  }
0x8e: {  	[smem:$0x3FBC] =	sst s2  }
0x8f: {  	_ = 	snop  }
0x90: {  	s2 =	sld [smem:$0x3FD0];
	(tm) =	ssettm $0x1  }
0x91: {  	s18 =	sld [smem:$0x3FFB];
	_ =	sdelay $0x3  }
0x92: {  	_ =	strace s18  }
0x93: {  	s3 =	sld [smem:$0x3FFC];
	_ =	sdelay $0x3  }
0x94: {  	_ =	strace s3  }
0x95: {  	s3 =	sld [smem:$0x3FFD];
	_ =	sdelay $0x3  }
0x96: {  	_ =	strace s3  }
0x97: {  	_ =	strace $0x8FFFFFFF  }
0x98: {  	s19 =	sld [smem:$0x3FDB];
	_ =	sdelay $0x1  }
0x99: {  	s4 =	simm.s32 $_scs_section_size  }
0x9a: {  	s5 =	simm.s32 $_size__tile_overlayer_lowered;
	s6 =	simm.s32 $_tile_overlayer_lowered  }
0x9b: {  	s22 =	simm.s32 $0x1BFF;
	s21 =	sshll.u32 s6, $0x1;
	s3 =	sadd.s32 s4, s19  }
0x9c: {  	s7 =	simm.s32 $0x0;
	s20 =	sshll.u32 s5, $0x1;
	s5 =	sadd.s32 s21, s3  }
0x9d: {  	[timem:s7], [sflag:s22] =	dma.local [hbm:s5], s20  }
0x9e: {  	_ =	swait.ge [sflag:s22], s20  }
0x9f: {  	s4 =	ssub.s32 $0x0, s20;
	[sflag:s22] =	ssyncset.done $0x0  }
0xa0: {  	[sflag:s22] =	ssyncadd.s32 s4;
	_ =	sdelay $0x1  }
0xa1: {  	s23 =	simm.s32 $0x1B8B  }
0xa2: {  	_ =	swait.ge [sflag:s23], $0x1  }
0xa3: {  	[sflag:s23] =	ssyncset.done $0x0  }
0xa4: {  	s25 =	simm.s32 $0x1B8E;
	s24 =	sld [smem:$0x3FFE];
	[sflag:s23] =	ssyncadd.s32 $0xFFFFFFFF  }
0xa5: {  	s26 =	simm.s32 $execute0_lowered;
	[smem:$0x3FD2] =	sst s25  }
0xa6: {  	s5 =	sshll.u32 s26, $0x1;
	_ =	strace $0x8000004C;
	[dreg:$0x1] =	wrdreg $0xFFFFFFFF  }
0xa7: {  	s28 =	simm.s32 $_size_execute0_lowered;
	s3 =	sadd.s32 s3, s5;
	[dreg:$0x0] =	wrdreg $0x0  }
0xa8: {  	s5 =	sshll.u32 s28, $0x1;
	[dreg:$0x2] =	wrdreg s3  }
0xa9: {  	[dreg:$0x3] =	wrdreg s5  }
0xaa: {  	[dreg:$0x4] =	wrdreg $0xC0  }
0xab: {  	_ =	task [dreg:s7], $0x5FFFF  }
0xac: {  	[dreg:$0x1] =	wrdreg $0xFFFFFFFF  }
0xad: {  	[dreg:$0x0] =	wrdreg $0x60  }
0xae: {  	[dreg:$0x2] =	wrdreg s24  }
0xaf: {  	[dreg:$0x3] =	wrdreg s2  }
0xb0: {  	[dreg:$0x4] =	wrdreg $0x100400  }
0xb1: {  	[dreg:$0x5] =	wrdreg $0x9  }
0xb2: {  	_ =	task.clear_ibuf [dreg:s7], $0x6FFFF;
	_ =	strace $0x9000004C  }
0xb3: {  	s29 =	simm.s32 $0x9;
	_ =	strace $0x8000004E  }
0xb4: {  	_ =	swait.ge [sflag:s29], $0x1  }
0xb5: {  	[sflag:s29] =	ssyncadd.s32 $0xFFFFFFFF  }
0xb6: {  	_ =	strace $0x9000004E  }
0xb7: {  	_ =	sfence  }
0xb8: {  	s30 =	sld [smem:$0x0];
	_ =	sdelay $0x2  }
0xb9: {  	s31 =	sshll.u32 s1, $0xD;
	s1 =	sshrl.u32 s1, $0x2  }
0xba: {  	s3 =	sand.u32 $0x4000, s31;
	s1 =	sadd.s32 s1, s30  }
0xbb: {  	s0 =	sor.u32 s3, s0;
	s1 =	sshll.u32 s1, $0x11  }
0xbc: {  	s0 =	sor.u32 s1, s0  }
0xbd: {  	s0 =	sadd.s32 $0x8F2B, s0  }
0xbe: {  	[sflag:s0] =	ssyncadd.remote.s32 $0x1  }
0xbf: {  	_ =	sfence.sel $0xFFFF  }
0xc0: {  	[dreg:$0x0] =	wrdreg $0xFFFFFFFF;
	(pc) =	sbr.abs _section_cstart, $3  }
0xc1: {  	[dreg:$0x1] =	wrdreg $0xFFFFFFFF  }
0xc2: {  	_ =	task.clear_ibuf [dreg:s7], $0x2FFFF;
	_ =	strace $0x9FFFFFFF  }
0xc3: {  	(tm) =	ssettm $0x7FFFFFFF  }
tec
execute0_lowered:
.L_overlay_start_1:
0x0: {  	(tag) =	ssettag $0x1  }
0x1: {  	s0 =	rddreg [dreg:$0x0]  }
0x2: {  	s5 =	rddreg [dreg:$0x1]  }
0x3: {  	s1 =	rddreg [dreg:$0x2];
	s8 =	stileid.u32  }
0x4: {  	s3 =	srdreg.scid;
	s2 =	simm.s32 $0x0;
	s10 =	simm.s32 $0x6  }
0x5: {  	s12 =	simm.s32 $0x50;
	s13 =	simm.s32 $0x9C40;
	s14 =	simm.s32 $0xB040  }
0x6: {  	s16 =	simm.s32 $0xC440;
	s18 =	simm.s32 $0xD840;
	s19 =	simm.s32 $0x1  }
0x7: {  	s20 =	simm.s32 $0xEC40;
	s21 =	simm.s32 $0x2;
	s22 =	simm.s32 $0x3  }
0x8: {  	s23 =	simm.s32 $0x4;
	s24 =	simm.s32 $0x5;
	s25 =	simm.s32 $0x4DD0  }
0x9: {  	s28 =	simm.s32 $0x9B00;
	s29 =	simm.s32 $0x9B50;
	s30 =	simm.s32 $0x9BA0  }
0xa: {  	s31 =	simm.s32 $0x9BF0;
	s6 =	smul.u32 $0x9C4, s8;
	s3 =	sand.u32 $0x1, s3  }
0xb: {  	[smem:$0x7FF] =	sst s2;
	p0 =	sne.s32 s8, $0x0;
	s4 =	smul.u32 $0x13880, s3  }
0xc: {  	_ =	strace $0x8000004D;
	s9 =	ssub.s32 $0x2, s3;
	s3 =	sadd.s32 $0x33200, s0  }
0xd: {  	s7 =	sadd.s32 s6, s0;
	s26 =	sshrl.u32 s9, $0x1;
	s5 =	sadd.s32 s5, s6  }
0xe: {  	s0 =	sadd.s32 s4, s0;
	s9 =	ssub.s32 s9, s26;
	s4 =	sadd.s32 $0x29400, s7  }
0xf: {  	s26 =	simm.s32 $0x9AB0;
	s6 =	sadd.s32 $0x2200, s0;
	s7 =	sadd.s32 $0x46C00, s0  }
0x10: {  	s8 =	smax.u32 s9, $0x1;
	s9 =	sshrl.u32 @!p0 s1, $0x3;
	s0 =	simm.s32 $0x0  }
.LBB2_1:
0x11: {  	s11 =	simm.s32 @!p0 $0x1C06  }
0x12: {  	[spmem:s9], [sflag:s11] =	dma.local @!p0 [hbm:s3], $0x13880  }
0x13: {  	s11 =	simm.s32 @!p0 $0x6  }
0x14: {  	_ =	swait.ge @!p0 [sflag:s11], $0x13880  }
0x15: {  	[sflag:s11] =	ssyncset.done @!p0 $0x0  }
0x16: {  	[sflag:s11] =	ssyncadd.s32 @!p0 $0xFFFEC780  }
0x17: {  	[tilespmem:s2], [sflag:$0x6] =	stream.linear.gather [hbm4b:s4+s2], $0x4E20, $0x38;
	[tilespmem:$0x19C80] =	vst v63  }
0x18: {  	_ =	swait.ge [sflag:s10], $0x4E20  }
0x19: {  	[sflag:s10] =	ssyncset.done $0x0  }
0x1a: {  	s17 =	simm.s32 $0x4E20;
	[sflag:s10] =	ssyncadd.s32 $0xFFFFB1E0  }
0x1b: {  	[tilespmem:s17], [sflag:$0x6] =	stream.linear.gather [hbm4b:s5+s2], $0x4E20, $0x38;
	[tilespmem:$0x19C80] =	vst v63  }
0x1c: {  	_ =	swait.ge [sflag:s10], $0x4E20  }
0x1d: {  	[sflag:s10] =	ssyncset.done $0x0  }
0x1e: {  	[sflag:s10] =	ssyncadd.s32 $0xFFFFB1E0  }
0x1f: {  	[bflag:$0x0] =	sbarrier.arrive $0xFFFF  }
0x20: {  	[tilespmem:s13], [sflag:$0x1] =	stream.indirect.gather [hbm4b:s6+s12], $0x40, s2, s12, $0xb8;
	[tilespmem:$0x19C80] =	vst v63  }
0x21: {  	_ = 	snop  }
0x22: {  	[tilespmem:s14], [sflag:$0x2] =	stream.indirect.gather [hbm4b:s6+s12], $0x40, s12, s12, $0xb8;
	[tilespmem:$0x19C80] =	vst v63  }
0x23: {  	s15 =	simm.s32 $0xA0  }
0x24: {  	[tilespmem:s16], [sflag:$0x3] =	stream.indirect.gather [hbm4b:s6+s12], $0x40, s15, s12, $0xb8;
	[tilespmem:$0x19C80] =	vst v63  }
0x25: {  	s17 =	simm.s32 $0xF0  }
0x26: {  	[tilespmem:s18], [sflag:$0x4] =	stream.indirect.gather [hbm4b:s6+s12], $0x40, s17, s12, $0xb8;
	[tilespmem:$0x19C80] =	vst v63  }
0x27: {  	_ =	swait.ge [sflag:s19], $0x1400  }
0x28: {  	[sflag:s19] =	ssyncset.done $0x0  }
0x29: {  	s15 =	simm.s32 $0x140;
	[sflag:s19] =	ssyncadd.s32 $0xFFFFEC00  }
0x2a: {  	[tilespmem:s20], [sflag:$0x5] =	stream.indirect.gather [hbm4b:s6+s12], $0x40, s15, s12, $0xb8;
	[tilespmem:$0x19C80] =	vst v63  }
0x2b: {  	s17 =	simm.s32 $0x4E20  }
0x2c: {  	[spmem:s1] =	stream.indirect.scatter.add.f32 [tilespmem:s13], [sflag:$0x6], $0x40, s17, s12, $0xb8;
	[tilespmem:$0x19C80] =	vst v63  }
0x2d: {  	_ =	swait.ge [sflag:s10], $0x1400  }
0x2e: {  	[sflag:s10] =	ssyncset.done $0x0  }
0x2f: {  	[sflag:s10] =	ssyncadd.s32 $0xFFFFEC00  }
0x30: {  	_ =	swait.ge [sflag:s21], $0x1400  }
0x31: {  	[sflag:s21] =	ssyncset.done $0x0  }
0x32: {  	s15 =	simm.s32 $0x190;
	[sflag:s21] =	ssyncadd.s32 $0xFFFFEC00  }
0x33: {  	[tilespmem:s13], [sflag:$0x1] =	stream.indirect.gather [hbm4b:s6+s12], $0x40, s15, s12, $0xb8;
	[tilespmem:$0x19C80] =	vst v63  }
0x34: {  	s17 =	simm.s32 $0x4E70  }
0x35: {  	[spmem:s1] =	stream.indirect.scatter.add.f32 [tilespmem:s14], [sflag:$0x6], $0x40, s17, s12, $0xb8;
	[tilespmem:$0x19C80] =	vst v63  }
0x36: {  	_ =	swait.ge [sflag:s10], $0x1400  }
0x37: {  	[sflag:s10] =	ssyncset.done $0x0  }
0x38: {  	[sflag:s10] =	ssyncadd.s32 $0xFFFFEC00  }
0x39: {  	_ =	swait.ge [sflag:s22], $0x1400  }
0x3a: {  	[sflag:s22] =	ssyncset.done $0x0  }
0x3b: {  	s15 =	simm.s32 $0x1E0;
	[sflag:s22] =	ssyncadd.s32 $0xFFFFEC00  }
0x3c: {  	[tilespmem:s14], [sflag:$0x2] =	stream.indirect.gather [hbm4b:s6+s12], $0x40, s15, s12, $0xb8;
	[tilespmem:$0x19C80] =	vst v63  }
0x3d: {  	s17 =	simm.s32 $0x4EC0  }
0x3e: {  	[spmem:s1] =	stream.indirect.scatter.add.f32 [tilespmem:s16], [sflag:$0x6], $0x40, s17, s12, $0xb8;
	[tilespmem:$0x19C80] =	vst v63  }
0x3f: {  	_ =	swait.ge [sflag:s10], $0x1400  }
0x40: {  	[sflag:s10] =	ssyncset.done $0x0  }
0x41: {  	[sflag:s10] =	ssyncadd.s32 $0xFFFFEC00  }
0x42: {  	_ =	swait.ge [sflag:s23], $0x1400  }
0x43: {  	[sflag:s23] =	ssyncset.done $0x0  }
0x44: {  	s15 =	simm.s32 $0x230;
	[sflag:s23] =	ssyncadd.s32 $0xFFFFEC00  }
0x45: {  	[tilespmem:s16], [sflag:$0x3] =	stream.indirect.gather [hbm4b:s6+s12], $0x40, s15, s12, $0xb8;
	[tilespmem:$0x19C80] =	vst v63  }
0x46: {  	s17 =	simm.s32 $0x4F10  }
0x47: {  	[spmem:s1] =	stream.indirect.scatter.add.f32 [tilespmem:s18], [sflag:$0x6], $0x40, s17, s12, $0xb8;
	[tilespmem:$0x19C80] =	vst v63  }
0x48: {  	_ =	swait.ge [sflag:s10], $0x1400  }
0x49: {  	[sflag:s10] =	ssyncset.done $0x0  }
0x4a: {  	[sflag:s10] =	ssyncadd.s32 $0xFFFFEC00  }
0x4b: {  	_ =	swait.ge [sflag:s24], $0x1400  }
0x4c: {  	[sflag:s24] =	ssyncset.done $0x0  }
0x4d: {  	s15 =	simm.s32 $0x280;
	[sflag:s24] =	ssyncadd.s32 $0xFFFFEC00  }
0x4e: {  	[tilespmem:s18], [sflag:$0x4] =	stream.indirect.gather [hbm4b:s6+s12], $0x40, s15, s12, $0xb8;
	[tilespmem:$0x19C80] =	vst v63  }
0x4f: {  	s17 =	simm.s32 $0x4F60  }
0x50: {  	[spmem:s1] =	stream.indirect.scatter.add.f32 [tilespmem:s20], [sflag:$0x6], $0x40, s17, s12, $0xb8;
	[tilespmem:$0x19C80] =	vst v63  }
0x51: {  	_ =	swait.ge [sflag:s10], $0x1400  }
0x52: {  	s11 =	simm.s32 $0x640;
	[sflag:s10] =	ssyncset.done $0x0  }
.LBB2_2:
0x53: {  	p1 =	sne.s32 s11, $0x12C00  }
0x54: {  	[sflag:s10] =	ssyncadd.s32 $0xFFFFEC00;
	s15 =	smov.u32 s11;
	s11 =	sadd.s32 $0x640, s11  }
0x55: {  	_ = 	snop  }
0x56: {  	_ =	swait.ge [sflag:s19], $0x1400  }
0x57: {  	s15 =	sshra.s32 s15, $0x2;
	[sflag:s19] =	ssyncset.done $0x0  }
0x58: {  	s17 =	sadd.s32 $0x140, s15;
	[sflag:s19] =	ssyncadd.s32 $0xFFFFEC00  }
0x59: {  	[tilespmem:s20], [sflag:$0x5] =	stream.indirect.gather [hbm4b:s6+s12], $0x40, s17, s12, $0xb8;
	[tilespmem:$0x19C80] =	vst v63  }
0x5a: {  	s17 =	sadd.s32 $0x4E20, s15  }
0x5b: {  	[spmem:s1] =	stream.indirect.scatter.add.f32 [tilespmem:s13], [sflag:$0x6], $0x40, s17, s12, $0xb8;
	[tilespmem:$0x19C80] =	vst v63  }
0x5c: {  	_ =	swait.ge [sflag:s10], $0x1400  }
0x5d: {  	[sflag:s10] =	ssyncset.done $0x0  }
0x5e: {  	[sflag:s10] =	ssyncadd.s32 $0xFFFFEC00  }
0x5f: {  	_ =	swait.ge [sflag:s21], $0x1400  }
0x60: {  	[sflag:s21] =	ssyncset.done $0x0  }
0x61: {  	s17 =	sadd.s32 $0x190, s15;
	[sflag:s21] =	ssyncadd.s32 $0xFFFFEC00  }
0x62: {  	[tilespmem:s13], [sflag:$0x1] =	stream.indirect.gather [hbm4b:s6+s12], $0x40, s17, s12, $0xb8;
	[tilespmem:$0x19C80] =	vst v63  }
0x63: {  	s17 =	sadd.s32 $0x4E70, s15  }
0x64: {  	[spmem:s1] =	stream.indirect.scatter.add.f32 [tilespmem:s14], [sflag:$0x6], $0x40, s17, s12, $0xb8;
	[tilespmem:$0x19C80] =	vst v63  }
0x65: {  	_ =	swait.ge [sflag:s10], $0x1400  }
0x66: {  	[sflag:s10] =	ssyncset.done $0x0  }
0x67: {  	[sflag:s10] =	ssyncadd.s32 $0xFFFFEC00  }
0x68: {  	_ =	swait.ge [sflag:s22], $0x1400  }
0x69: {  	[sflag:s22] =	ssyncset.done $0x0  }
0x6a: {  	s17 =	sadd.s32 $0x1E0, s15;
	[sflag:s22] =	ssyncadd.s32 $0xFFFFEC00  }
0x6b: {  	[tilespmem:s14], [sflag:$0x2] =	stream.indirect.gather [hbm4b:s6+s12], $0x40, s17, s12, $0xb8;
	[tilespmem:$0x19C80] =	vst v63  }
0x6c: {  	s17 =	sadd.s32 $0x4EC0, s15  }
0x6d: {  	[spmem:s1] =	stream.indirect.scatter.add.f32 [tilespmem:s16], [sflag:$0x6], $0x40, s17, s12, $0xb8;
	[tilespmem:$0x19C80] =	vst v63  }
0x6e: {  	_ =	swait.ge [sflag:s10], $0x1400  }
0x6f: {  	[sflag:s10] =	ssyncset.done $0x0  }
0x70: {  	[sflag:s10] =	ssyncadd.s32 $0xFFFFEC00  }
0x71: {  	_ =	swait.ge [sflag:s23], $0x1400  }
0x72: {  	[sflag:s23] =	ssyncset.done $0x0  }
0x73: {  	s17 =	sadd.s32 $0x230, s15;
	[sflag:s23] =	ssyncadd.s32 $0xFFFFEC00  }
0x74: {  	[tilespmem:s16], [sflag:$0x3] =	stream.indirect.gather [hbm4b:s6+s12], $0x40, s17, s12, $0xb8;
	[tilespmem:$0x19C80] =	vst v63  }
0x75: {  	s17 =	sadd.s32 $0x4F10, s15  }
0x76: {  	[spmem:s1] =	stream.indirect.scatter.add.f32 [tilespmem:s18], [sflag:$0x6], $0x40, s17, s12, $0xb8;
	[tilespmem:$0x19C80] =	vst v63  }
0x77: {  	_ =	swait.ge [sflag:s10], $0x1400  }
0x78: {  	[sflag:s10] =	ssyncset.done $0x0  }
0x79: {  	[sflag:s10] =	ssyncadd.s32 $0xFFFFEC00  }
0x7a: {  	_ =	swait.ge [sflag:s24], $0x1400  }
0x7b: {  	[sflag:s24] =	ssyncset.done $0x0  }
0x7c: {  	s17 =	sadd.s32 $0x280, s15;
	[sflag:s24] =	ssyncadd.s32 $0xFFFFEC00  }
0x7d: {  	[tilespmem:s18], [sflag:$0x4] =	stream.indirect.gather [hbm4b:s6+s12], $0x40, s17, s12, $0xb8;
	[tilespmem:$0x19C80] =	vst v63  }
.Ltmp0:
0x7e: {  	_ = 	snop;
	(pc) =	sbr.rel @p1 .LBB2_2-.Ltmp0, $4  }
0x7f: {  	s15 =	sadd.s32 $0x4F60, s15  }
0x80: {  	[spmem:s1] =	stream.indirect.scatter.add.f32 [tilespmem:s20], [sflag:$0x6], $0x40, s15, s12, $0xb8;
	[tilespmem:$0x19C80] =	vst v63  }
0x81: {  	_ =	swait.ge [sflag:s10], $0x1400  }
0x82: {  	[sflag:s10] =	ssyncset.done $0x0  }
0x83: {  	[sflag:s10] =	ssyncadd.s32 $0xFFFFEC00  }
0x84: {  	_ =	swait.ge [sflag:s19], $0x1400  }
0x85: {  	[sflag:s19] =	ssyncset.done $0x0  }
0x86: {  	[sflag:s19] =	ssyncadd.s32 $0xFFFFEC00  }
0x87: {  	[tilespmem:s20], [sflag:$0x5] =	stream.indirect.gather [hbm4b:s6+s12], $0x40, s25, s12, $0xb8;
	[tilespmem:$0x19C80] =	vst v63  }
0x88: {  	_ = 	snop  }
0x89: {  	[spmem:s1] =	stream.indirect.scatter.add.f32 [tilespmem:s13], [sflag:$0x6], $0x40, s26, s12, $0xb8;
	[tilespmem:$0x19C80] =	vst v63  }
0x8a: {  	_ =	swait.ge [sflag:s10], $0x1400  }
0x8b: {  	[sflag:s10] =	ssyncset.done $0x0  }
0x8c: {  	[sflag:s10] =	ssyncadd.s32 $0xFFFFEC00  }
0x8d: {  	_ =	swait.ge [sflag:s21], $0x1400  }
0x8e: {  	[sflag:s21] =	ssyncset.done $0x0  }
0x8f: {  	[sflag:s21] =	ssyncadd.s32 $0xFFFFEC00  }
0x90: {  	[spmem:s1] =	stream.indirect.scatter.add.f32 [tilespmem:s14], [sflag:$0x6], $0x40, s28, s12, $0xb8;
	[tilespmem:$0x19C80] =	vst v63  }
0x91: {  	_ =	swait.ge [sflag:s10], $0x1400  }
0x92: {  	[sflag:s10] =	ssyncset.done $0x0  }
0x93: {  	[sflag:s10] =	ssyncadd.s32 $0xFFFFEC00  }
0x94: {  	_ =	swait.ge [sflag:s22], $0x1400  }
0x95: {  	[sflag:s22] =	ssyncset.done $0x0  }
0x96: {  	[sflag:s22] =	ssyncadd.s32 $0xFFFFEC00  }
0x97: {  	[spmem:s1] =	stream.indirect.scatter.add.f32 [tilespmem:s16], [sflag:$0x6], $0x40, s29, s12, $0xb8;
	[tilespmem:$0x19C80] =	vst v63  }
0x98: {  	_ =	swait.ge [sflag:s10], $0x1400  }
0x99: {  	[sflag:s10] =	ssyncset.done $0x0  }
0x9a: {  	[sflag:s10] =	ssyncadd.s32 $0xFFFFEC00  }
0x9b: {  	_ =	swait.ge [sflag:s23], $0x1400  }
0x9c: {  	[sflag:s23] =	ssyncset.done $0x0  }
0x9d: {  	[sflag:s23] =	ssyncadd.s32 $0xFFFFEC00  }
0x9e: {  	[spmem:s1] =	stream.indirect.scatter.add.f32 [tilespmem:s18], [sflag:$0x6], $0x40, s30, s12, $0xb8;
	[tilespmem:$0x19C80] =	vst v63  }
0x9f: {  	_ =	swait.ge [sflag:s10], $0x1400  }
0xa0: {  	[sflag:s10] =	ssyncset.done $0x0  }
0xa1: {  	[sflag:s10] =	ssyncadd.s32 $0xFFFFEC00  }
0xa2: {  	_ =	swait.ge [sflag:s24], $0x1400  }
0xa3: {  	[sflag:s24] =	ssyncset.done $0x0  }
0xa4: {  	[sflag:s24] =	ssyncadd.s32 $0xFFFFEC00  }
0xa5: {  	[spmem:s1] =	stream.indirect.scatter.add.f32 [tilespmem:s20], [sflag:$0x6], $0x40, s31, s12, $0xb8;
	[tilespmem:$0x19C80] =	vst v63  }
0xa6: {  	_ =	swait.ge [sflag:s10], $0x1400  }
0xa7: {  	[sflag:s10] =	ssyncset.done $0x0  }
0xa8: {  	s0 =	sadd.s32 $0x1, s0;
	[sflag:s10] =	ssyncadd.s32 $0xFFFFEC00  }
0xa9: {  	s11 =	simm.s32 @!p0 $0x1C06;
	p1 =	sne.s32 s0, s8;
	[bflag:$0x0] =	sbarrier.arrive $0xFFFF  }
0xaa: {  	[hbm:s7], [sflag:s11] =	dma.local @!p0 [spmem:s9], $0x13880  }
.Ltmp1:
0xab: {  	_ = 	snop;
	(pc) =	sbr.rel @p1 .LBB2_1-.Ltmp1, $4  }
0xac: {  	s11 =	simm.s32 @!p0 $0x6  }
0xad: {  	_ =	swait.ge @!p0 [sflag:s11], $0x13880  }
0xae: {  	[sflag:s11] =	ssyncset.done @!p0 $0x0  }
0xaf: {  	[sflag:s11] =	ssyncadd.s32 @!p0 $0xFFFEC780  }
0xb0: {  	_ =	sfence.sel $0x180000  }
0xb1: {  	[bflag:$0x0] =	sbarrier.arrive $0xFFFF  }
0xb2: {  	_ =	strace $0x9000004D  }
0xb3: {  	[bflag:$0x2] =	sbarrier.arrive $0xFFFF  }
0xb4: {  	s0 =	rddreg [dreg:$0x3]  }
0xb5: {  	s0 =	sadd.s32 @!p0 $0x100000, s0  }
0xb6: {  	[sflag:s0] =	ssyncadd.tile.s32 @!p0 $0x1;
	_ =	shalt  }
.Lfunc_end2:
_tile_overlayer_lowered:
.L_overlay_start_2:
0xb7: {  	(tag) =	ssettag $0x2  }
0xb8: {  	s0 =	rddreg [dreg:$0x0];
	s2 =	stileid.u32  }
0xb9: {  	s1 =	rddreg [dreg:$0x1];
	p0 =	sne.s32 s2, $0x0  }
0xba: {  	s3 =	rddreg [dreg:$0x2];
	[bflag:$0x3] =	sbarrier.arrive $0xFFFF;
	s2 =	simm.s32 @!p0 $0x1C06  }
0xbb: {  	[timem:s3], [sflag:s2] =	dma.local @!p0 [hbm:s0], s1  }
0xbc: {  	s0 =	simm.s32 @!p0 $0x6  }
0xbd: {  	_ =	swait.ge @!p0 [sflag:s0], s1  }
0xbe: {  	s1 =	ssub.s32 @!p0 $0x0, s1;
	[sflag:s0] =	ssyncset.done @!p0 $0x0  }
0xbf: {  	[sflag:s0] =	ssyncadd.s32 @!p0 s1  }
0xc0: {  	[bflag:$0x3] =	sbarrier.arrive $0xFFFF  }
0xc1: {  	_ =	shalt  }

</sc_bundles>
